<compile_context>
chip_gen: v7x
topology: tpu7x:2x2x1
jax: 0.10.2.dev20260603
libtpu: 0.0.44.dev20260713+nightly
codegen_flags: <defaults>
</compile_context>

<pallas_src>
import functools

import jax
import jax.numpy as jnp
from jax import lax
from jax.experimental import pallas as pl
from jax.experimental.pallas import tpu as pltpu
from jax.experimental.pallas import tpu_sc as plsc

NUM_TYPES = 32
EMB_DIM = 16
N_EDGES = 3200000

_info = plsc.get_sparse_core_info()
_NC, _NS = _info.num_cores, _info.num_subcores
_NW = _NC * _NS
_CHUNK = 1024
_NCHUNK = N_EDGES // _CHUNK
_STEPS = (_NCHUNK + _NW - 1) // _NW
_NHALF = _STEPS // 2
_NBLK = _CHUNK // 128
_EBLK = N_EDGES // 128


def _make_kernel():
    mesh = plsc.VectorSubcoreMesh(core_axis_name="c", subcore_axis_name="s")

    @functools.partial(
        pl.kernel,
        mesh=mesh,
        compiler_params=pltpu.CompilerParams(
            use_tc_tiling_on_sc=False, needs_layout_passes=False),
        out_type=jax.ShapeDtypeStruct((2, _EBLK, 8, 128), jnp.float32),
        scratch_types=[
            pltpu.VMEM((NUM_TYPES * EMB_DIM,), jnp.float32),
            pltpu.VMEM((_CHUNK,), jnp.int32),
            pltpu.VMEM((_CHUNK,), jnp.int32),
            pltpu.VMEM((_NBLK, 8, 128), jnp.float32),
            pltpu.VMEM((_NBLK, 8, 128), jnp.float32),
            pltpu.VMEM((_NBLK, 8, 128), jnp.float32),
            pltpu.VMEM((_NBLK, 8, 128), jnp.float32),
        ] + [pltpu.SemaphoreType.DMA] * 4,
    )
    def gather_kernel(table_hbm, idx_hbm, out_hbm,
                      table_v, idx0, idx1, lo0, lo1, hi0, hi1,
                      si0, si1, so0, so1):
        wid = lax.axis_index("s") * _NC + lax.axis_index("c")
        n_w = (_NCHUNK - wid + _NW - 1) // _NW
        cap = n_w - 1
        idx_b = (idx0, idx1)
        lo_b, hi_b = (lo0, lo1), (hi0, hi1)
        si, so = (si0, si1), (so0, so1)

        def cid(g):
            return wid + _NW * jnp.minimum(g, cap)

        pltpu.sync_copy(table_hbm, table_v)
        pltpu.async_copy(idx_hbm.at[pl.ds(cid(0) * _CHUNK, _CHUNK)],
                         idx0, si0)

        def compute_chunk(idx_ref, lo_ref, hi_ref):
            def bbody(blk, carry):
                for e16 in range(8):
                    idxvec = idx_ref[pl.ds(blk * 128 + e16 * 16, 16)]
                    cols = [
                        plsc.load_gather(table_v, [idxvec + c * NUM_TYPES])
                        for c in range(EMB_DIM)
                    ]
                    for c in range(8):
                        lo_ref[blk, c, pl.ds(e16 * 16, 16)] = cols[c]
                    for c in range(8):
                        hi_ref[blk, c, pl.ds(e16 * 16, 16)] = cols[8 + c]
                return carry
            lax.fori_loop(0, _NBLK, bbody, 0)

        def out_copies(g, b, issue):
            c = cid(g)
            mk = pltpu.make_async_copy
            d_lo = mk(lo_b[b], out_hbm.at[0, pl.ds(c * _NBLK, _NBLK)], so[b])
            d_hi = mk(hi_b[b], out_hbm.at[1, pl.ds(c * _NBLK, _NBLK)], so[b])
            if issue:
                d_lo.start()
                d_hi.start()
            else:
                d_lo.wait()
                d_hi.wait()

        def step(g, b, not_first, not_last):
            pltpu.make_async_copy(
                idx_hbm.at[pl.ds(cid(g) * _CHUNK, _CHUNK)],
                idx_b[b], si[b]).wait()

            def next_idx_load():
                pltpu.async_copy(
                    idx_hbm.at[pl.ds(cid(g + 1) * _CHUNK, _CHUNK)],
                    idx_b[1 - b], si[1 - b])
            if not_last is None:
                next_idx_load()
            elif not_last is False:
                pass
            else:
                pl.when(not_last)(next_idx_load)

            def wait_prev_out():
                out_copies(g - 2, b, issue=False)
            if not_first is None:
                wait_prev_out()
            else:
                pl.when(not_first)(wait_prev_out)

            compute_chunk(idx_b[b], lo_b[b], hi_b[b])
            out_copies(g, b, issue=True)

        def body(i, carry):
            g = 2 * i
            step(g, 0, i >= 1, None)
            step(g + 1, 1, i >= 1, i < _NHALF - 1)
            return carry

        lax.fori_loop(0, _NHALF, body, 0)

        out_copies(_STEPS - 2, 0, issue=False)
        out_copies(_STEPS - 1, 1, issue=False)

    return gather_kernel


_gather = _make_kernel()


def kernel(edge_attr, table):
    tab_t = table.T.reshape(-1)
    out4d = _gather(tab_t, edge_attr)
    return out4d.transpose(1, 3, 0, 2).reshape(N_EDGES, EMB_DIM)

# --- scband reference (transcript-rebuilt; emitter-appended) ---
"""Pipeline reference for scband-type-dict-edge-encoder-49237505081540 (READ-ONLY COPY).

The authoritative reference and input builder live on the scoring server;
editing this copy changes nothing except your own understanding.
"""

import jax, jax.numpy as jnp
import numpy as np

NUM_TYPES = 32
EMB_DIM = 16
N_EDGES = 3200000

def setup_inputs(seed: int = 0) -> dict:
    key = jax.random.key(seed)
    k1, k2 = jax.random.split(key)
    edge_attr = jax.random.randint(k1, (N_EDGES,), 0, NUM_TYPES, dtype=jnp.int32)
    table = jax.random.normal(k2, (NUM_TYPES, EMB_DIM), dtype=jnp.float32)
    return {"edge_attr": edge_attr, "table": table}

def reference(edge_attr, table):
    # batch.edge_attr = self.encoder(batch.edge_attr)
    # torch.nn.Embedding lookup == row gather from the embedding table
    return jnp.take(table, edge_attr, axis=0)

if __name__ == "__main__":
    import jax
    _d = setup_inputs()
    print(jax.jit(kernel)(*tuple(_d.values())))

</pallas_src>

<mosaic_0001>
#map = affine_map<(d0, d1) -> (0)>
#map1 = affine_map<(d0, d1) -> (0, 0, 0, 0)>
module attributes {stable_mosaic.version = 14 : i64} {
  func.func @gather_kernel(%arg0: i32, %arg1: i32, %arg2: memref<512xf32, #tpu.memory_space<hbm>>, %arg3: memref<3200000xi32, #tpu.memory_space<hbm>>, %arg4: memref<2x25000x8x128xf32, #tpu.memory_space<hbm>>, %arg5: memref<512xf32, #tpu.memory_space<vmem>>, %arg6: memref<1024xi32, #tpu.memory_space<vmem>>, %arg7: memref<1024xi32, #tpu.memory_space<vmem>>, %arg8: memref<8x8x128xf32, #tpu.memory_space<vmem>>, %arg9: memref<8x8x128xf32, #tpu.memory_space<vmem>>, %arg10: memref<8x8x128xf32, #tpu.memory_space<vmem>>, %arg11: memref<8x8x128xf32, #tpu.memory_space<vmem>>, %arg12: memref<!tpu.dma_semaphore, #tpu.memory_space<semaphore_mem>>, %arg13: memref<!tpu.dma_semaphore, #tpu.memory_space<semaphore_mem>>, %arg14: memref<!tpu.dma_semaphore, #tpu.memory_space<semaphore_mem>>, %arg15: memref<!tpu.dma_semaphore, #tpu.memory_space<semaphore_mem>>) attributes {dimension_semantics = [#tpu.dimension_semantics<core_parallel>, #tpu.dimension_semantics<subcore_parallel>], iteration_bounds = array<i64: 2, 16>, scalar_prefetch = 0 : i64, scratch_operands = 11 : i64, tpu.core_type = #tpu.core_type<sc_vector_subcore>, window_params = [{transform_indices = #map}, {transform_indices = #map}, {transform_indices = #map1}]} {
    %mul3A = arith.constant 2 : i32
    %mul3A_0 = arith.muli %arg1, %mul3A : i32
    %add3A = arith.addi %mul3A_0, %arg0 : i32
    %sub3A = arith.constant 3125 : i32
    %sub3A_1 = arith.subi %sub3A, %add3A : i32
    %add3A_2 = arith.constant 32 : i32
    %add3A_3 = arith.addi %sub3A_1, %add3A_2 : i32
    %sub3A_4 = arith.constant 1 : i32
    %sub3A_5 = arith.subi %add3A_3, %sub3A_4 : i32
    %jit3A = arith.constant 32 : i32
    %div3A = arith.divsi %sub3A_5, %jit3A : i32
    %sign3A = arith.constant 0 : i32
    %sign3A_6 = arith.cmpi sgt, %sub3A_5, %sign3A : i32
    %sign3A_7 = arith.extui %sign3A_6 : i1 to i32
    %sign3A_8 = arith.constant 0 : i32
    %sign3A_9 = arith.cmpi slt, %sub3A_5, %sign3A_8 : i32
    %sign3A_10 = arith.extui %sign3A_9 : i1 to i32
    %sign3A_11 = arith.subi %sign3A_7, %sign3A_10 : i32
    %sign3A_12 = arith.constant 0 : i32
    %sign3A_13 = arith.cmpi sgt, %jit3A, %sign3A_12 : i32
    %sign3A_14 = arith.extui %sign3A_13 : i1 to i32
    %sign3A_15 = arith.constant 0 : i32
    %sign3A_16 = arith.cmpi slt, %jit3A, %sign3A_15 : i32
    %sign3A_17 = arith.extui %sign3A_16 : i1 to i32
    %sign3A_18 = arith.subi %sign3A_14, %sign3A_17 : i32
    %ne3A = arith.cmpi ne, %sign3A_11, %sign3A_18 : i32
    %rem3A = arith.remsi %sub3A_5, %jit3A : i32
    %ne3A_19 = arith.constant 0 : i32
    %ne3A_20 = arith.cmpi ne, %rem3A, %ne3A_19 : i32
    %and3A = arith.andi %ne3A, %ne3A_20 : i1
    %sub3A_21 = arith.constant 1 : i32
    %sub3A_22 = arith.subi %div3A, %sub3A_21 : i32
    %select_n3A = arith.select %and3A, %sub3A_22, %div3A : i32
    %sub3A_23 = arith.constant 1 : i32
    %sub3A_24 = arith.subi %select_n3A, %sub3A_23 : i32
    "tpu.region"() ({
      %run_scoped3A = tpu.sem_alloc : memref<!tpu.dma_semaphore, #tpu.memory_space<semaphore_mem>>
      tpu.enqueue_dma source(%arg2 : memref<512xf32, #tpu.memory_space<hbm>>) target(%arg5 : memref<512xf32, #tpu.memory_space<vmem>>) target_semaphore(%run_scoped3A : memref<!tpu.dma_semaphore, #tpu.memory_space<semaphore_mem>>)
      tpu.wait_dma2 semaphore(%run_scoped3A : memref<!tpu.dma_semaphore, #tpu.memory_space<semaphore_mem>>) src(%arg2 : memref<512xf32, #tpu.memory_space<hbm>>) dst(%arg5 : memref<512xf32, #tpu.memory_space<vmem>>)
      tpu.yield
    }) : () -> ()
    %min3A = arith.constant 0 : i32
    %min3A_25 = arith.minsi %min3A, %sub3A_24 : i32
    %mul3A_26 = arith.constant 32 : i32
    %mul3A_27 = arith.muli %mul3A_26, %min3A_25 : i32
    %add3A_28 = arith.addi %add3A, %mul3A_27 : i32
    %mul3A_29 = arith.constant 1024 : i32
    %mul3A_30 = arith.muli %add3A_28, %mul3A_29 : i32
    %dma_start3A = tpu.memref_slice %arg3[%mul3A_30] : memref<3200000xi32, #tpu.memory_space<hbm>> -> memref<1024xi32, #tpu.memory_space<hbm>>
    %dma_start3A_31 = tpu.memref_slice %arg3[%mul3A_30] : memref<3200000xi32, #tpu.memory_space<hbm>> -> memref<1024xi32, #tpu.memory_space<hbm>>
    tpu.enqueue_dma source(%dma_start3A_31 : memref<1024xi32, #tpu.memory_space<hbm>>) target(%arg6 : memref<1024xi32, #tpu.memory_space<vmem>>) target_semaphore(%arg12 : memref<!tpu.dma_semaphore, #tpu.memory_space<semaphore_mem>>)
    %scan3A = arith.constant 0 : i32
    %scan3A_32 = arith.constant 0 : i32
    %scan3A_33 = arith.constant 49 : i32
    %scan3A_34 = arith.addi %scan3A_32, %scan3A_33 : i32
    %scan3A_35 = arith.constant 1 : i32
    scf.for %scan3A_90 = %scan3A_32 to %scan3A_34 step %scan3A_35  : i32 {
      %mul3A_91 = arith.constant 2 : i32
      %mul3A_92 = arith.muli %mul3A_91, %scan3A_90 : i32
      %ge3A = arith.constant 1 : i32
      %ge3A_93 = arith.cmpi sge, %scan3A_90, %ge3A : i32
      %min3A_94 = arith.minsi %mul3A_92, %sub3A_24 : i32
      %mul3A_95 = arith.constant 32 : i32
      %mul3A_96 = arith.muli %mul3A_95, %min3A_94 : i32
      %add3A_97 = arith.addi %add3A, %mul3A_96 : i32
      %mul3A_98 = arith.constant 1024 : i32
      %mul3A_99 = arith.muli %add3A_97, %mul3A_98 : i32
      %dma_wait3A_100 = tpu.memref_slice %arg3[%mul3A_99] : memref<3200000xi32, #tpu.memory_space<hbm>> -> memref<1024xi32, #tpu.memory_space<hbm>>
      %dma_wait3A_101 = tpu.memref_slice %arg3[%mul3A_99] : memref<3200000xi32, #tpu.memory_space<hbm>> -> memref<1024xi32, #tpu.memory_space<hbm>>
      tpu.wait_dma2 semaphore(%arg12 : memref<!tpu.dma_semaphore, #tpu.memory_space<semaphore_mem>>) src(%dma_wait3A_101 : memref<1024xi32, #tpu.memory_space<hbm>>) dst(%arg6 : memref<1024xi32, #tpu.memory_space<vmem>>)
      %add3A_102 = arith.constant 1 : i32
      %add3A_103 = arith.addi %mul3A_92, %add3A_102 : i32
      %min3A_104 = arith.minsi %add3A_103, %sub3A_24 : i32
      %mul3A_105 = arith.constant 32 : i32
      %mul3A_106 = arith.muli %mul3A_105, %min3A_104 : i32
      %add3A_107 = arith.addi %add3A, %mul3A_106 : i32
      %mul3A_108 = arith.constant 1024 : i32
      %mul3A_109 = arith.muli %add3A_107, %mul3A_108 : i32
      %dma_start3A_110 = tpu.memref_slice %arg3[%mul3A_109] : memref<3200000xi32, #tpu.memory_space<hbm>> -> memref<1024xi32, #tpu.memory_space<hbm>>
      %dma_start3A_111 = tpu.memref_slice %arg3[%mul3A_109] : memref<3200000xi32, #tpu.memory_space<hbm>> -> memref<1024xi32, #tpu.memory_space<hbm>>
      tpu.enqueue_dma source(%dma_start3A_111 : memref<1024xi32, #tpu.memory_space<hbm>>) target(%arg7 : memref<1024xi32, #tpu.memory_space<vmem>>) target_semaphore(%arg13 : memref<!tpu.dma_semaphore, #tpu.memory_space<semaphore_mem>>)
      %convert_element_type3A = arith.extui %ge3A_93 : i1 to i32
      %cond3A = arith.constant 0 : i32
      %cond3A_112 = arith.cmpi ne, %convert_element_type3A, %cond3A : i32
      scf.if %cond3A_112 {
        %sub3A_196 = arith.constant 2 : i32
        %sub3A_197 = arith.subi %mul3A_92, %sub3A_196 : i32
        %min3A_198 = arith.minsi %sub3A_197, %sub3A_24 : i32
        %mul3A_199 = arith.constant 32 : i32
        %mul3A_200 = arith.muli %mul3A_199, %min3A_198 : i32
        %add3A_201 = arith.addi %add3A, %mul3A_200 : i32
        %mul3A_202 = arith.constant 8 : i32
        %mul3A_203 = arith.muli %add3A_201, %mul3A_202 : i32
        %mul3A_204 = arith.constant 8 : i32
        %mul3A_205 = arith.muli %add3A_201, %mul3A_204 : i32
        %dma_wait3A_206 = arith.constant 0 : i32
        %dma_wait3A_207 = arith.constant 0 : i32
        %dma_wait3A_208 = arith.constant 0 : i32
        %dma_wait3A_209 = tpu.memref_slice %arg4[%dma_wait3A_206, %mul3A_203, %dma_wait3A_207, %dma_wait3A_208] : memref<2x25000x8x128xf32, #tpu.memory_space<hbm>> -> memref<1x8x8x128xf32, #tpu.memory_space<hbm>>
        %dma_wait3A_210 = tpu.memref_squeeze %dma_wait3A_209 : memref<1x8x8x128xf32, #tpu.memory_space<hbm>> -> memref<8x8x128xf32, #tpu.memory_space<hbm>>
        %dma_wait3A_211 = arith.constant 0 : i32
        %dma_wait3A_212 = arith.constant 0 : i32
        %dma_wait3A_213 = tpu.memref_slice %arg4[%dma_wait3A_206, %mul3A_203, %dma_wait3A_211, %dma_wait3A_212] : memref<2x25000x8x128xf32, #tpu.memory_space<hbm>> -> memref<1x8x8x128xf32, #tpu.memory_space<hbm>>
        %dma_wait3A_214 = tpu.memref_squeeze %dma_wait3A_213 : memref<1x8x8x128xf32, #tpu.memory_space<hbm>> -> memref<8x8x128xf32, #tpu.memory_space<hbm>>
        tpu.wait_dma2 semaphore(%arg14 : memref<!tpu.dma_semaphore, #tpu.memory_space<semaphore_mem>>) src(%arg8 : memref<8x8x128xf32, #tpu.memory_space<vmem>>) dst(%dma_wait3A_214 : memref<8x8x128xf32, #tpu.memory_space<hbm>>)
        %dma_wait3A_215 = arith.constant 1 : i32
        %dma_wait3A_216 = arith.constant 0 : i32
        %dma_wait3A_217 = arith.constant 0 : i32
        %dma_wait3A_218 = tpu.memref_slice %arg4[%dma_wait3A_215, %mul3A_205, %dma_wait3A_216, %dma_wait3A_217] : memref<2x25000x8x128xf32, #tpu.memory_space<hbm>> -> memref<1x8x8x128xf32, #tpu.memory_space<hbm>>
        %dma_wait3A_219 = tpu.memref_squeeze %dma_wait3A_218 : memref<1x8x8x128xf32, #tpu.memory_space<hbm>> -> memref<8x8x128xf32, #tpu.memory_space<hbm>>
        %dma_wait3A_220 = arith.constant 0 : i32
        %dma_wait3A_221 = arith.constant 0 : i32
        %dma_wait3A_222 = tpu.memref_slice %arg4[%dma_wait3A_215, %mul3A_205, %dma_wait3A_220, %dma_wait3A_221] : memref<2x25000x8x128xf32, #tpu.memory_space<hbm>> -> memref<1x8x8x128xf32, #tpu.memory_space<hbm>>
        %dma_wait3A_223 = tpu.memref_squeeze %dma_wait3A_222 : memref<1x8x8x128xf32, #tpu.memory_space<hbm>> -> memref<8x8x128xf32, #tpu.memory_space<hbm>>
        tpu.wait_dma2 semaphore(%arg14 : memref<!tpu.dma_semaphore, #tpu.memory_space<semaphore_mem>>) src(%arg10 : memref<8x8x128xf32, #tpu.memory_space<vmem>>) dst(%dma_wait3A_223 : memref<8x8x128xf32, #tpu.memory_space<hbm>>)
      } else {
      }
      %scan3A_113 = arith.constant 0 : i32
      %scan3A_114 = arith.constant 0 : i32
      %scan3A_115 = arith.constant 8 : i32
      %scan3A_116 = arith.addi %scan3A_114, %scan3A_115 : i32
      %scan3A_117 = arith.constant 1 : i32
      scf.for %scan3A_196 = %scan3A_114 to %scan3A_116 step %scan3A_117  : i32 {
        %mul3A_197 = arith.constant 128 : i32
        %mul3A_198 = arith.muli %scan3A_196, %mul3A_197 : i32
        %add3A_199 = arith.constant 0 : i32
        %add3A_200 = arith.addi %mul3A_198, %add3A_199 : i32
        %get3A = arith.index_cast %add3A_200 : i32 to index
        %get3A_201 = tpu.vector_load %arg6[%get3A] {strides = array<i32>} : memref<1024xi32, #tpu.memory_space<vmem>>, vector<16xi32>,
        %add3A_202 = arith.constant 0 : i32
        %add3A_203 = vector.broadcast %add3A_202 : i32 to vector<16xi32>
        %add3A_204 = arith.addi %get3A_201, %add3A_203 : vector<16xi32>
        %gather3A = tpu.vector_load_idx %arg5[%add3A_204] : memref<512xf32, #tpu.memory_space<vmem>>[vector<16xi32>], vector<16xf32>,
        %add3A_205 = arith.constant 32 : i32
        %add3A_206 = vector.broadcast %add3A_205 : i32 to vector<16xi32>
        %add3A_207 = arith.addi %get3A_201, %add3A_206 : vector<16xi32>
        %gather3A_208 = tpu.vector_load_idx %arg5[%add3A_207] : memref<512xf32, #tpu.memory_space<vmem>>[vector<16xi32>], vector<16xf32>,
        %add3A_209 = arith.constant 64 : i32
        %add3A_210 = vector.broadcast %add3A_209 : i32 to vector<16xi32>
        %add3A_211 = arith.addi %get3A_201, %add3A_210 : vector<16xi32>
        %gather3A_212 = tpu.vector_load_idx %arg5[%add3A_211] : memref<512xf32, #tpu.memory_space<vmem>>[vector<16xi32>], vector<16xf32>,
        %add3A_213 = arith.constant 96 : i32
        %add3A_214 = vector.broadcast %add3A_213 : i32 to vector<16xi32>
        %add3A_215 = arith.addi %get3A_201, %add3A_214 : vector<16xi32>
        %gather3A_216 = tpu.vector_load_idx %arg5[%add3A_215] : memref<512xf32, #tpu.memory_space<vmem>>[vector<16xi32>], vector<16xf32>,
        %add3A_217 = arith.constant 128 : i32
        %add3A_218 = vector.broadcast %add3A_217 : i32 to vector<16xi32>
        %add3A_219 = arith.addi %get3A_201, %add3A_218 : vector<16xi32>
        %gather3A_220 = tpu.vector_load_idx %arg5[%add3A_219] : memref<512xf32, #tpu.memory_space<vmem>>[vector<16xi32>], vector<16xf32>,
        %add3A_221 = arith.constant 160 : i32
        %add3A_222 = vector.broadcast %add3A_221 : i32 to vector<16xi32>
        %add3A_223 = arith.addi %get3A_201, %add3A_222 : vector<16xi32>
        %gather3A_224 = tpu.vector_load_idx %arg5[%add3A_223] : memref<512xf32, #tpu.memory_space<vmem>>[vector<16xi32>], vector<16xf32>,
        %add3A_225 = arith.constant 192 : i32
        %add3A_226 = vector.broadcast %add3A_225 : i32 to vector<16xi32>
        %add3A_227 = arith.addi %get3A_201, %add3A_226 : vector<16xi32>
        %gather3A_228 = tpu.vector_load_idx %arg5[%add3A_227] : memref<512xf32, #tpu.memory_space<vmem>>[vector<16xi32>], vector<16xf32>,
        %add3A_229 = arith.constant 224 : i32
        %add3A_230 = vector.broadcast %add3A_229 : i32 to vector<16xi32>
        %add3A_231 = arith.addi %get3A_201, %add3A_230 : vector<16xi32>
        %gather3A_232 = tpu.vector_load_idx %arg5[%add3A_231] : memref<512xf32, #tpu.memory_space<vmem>>[vector<16xi32>], vector<16xf32>,
        %add3A_233 = arith.constant 256 : i32
        %add3A_234 = vector.broadcast %add3A_233 : i32 to vector<16xi32>
        %add3A_235 = arith.addi %get3A_201, %add3A_234 : vector<16xi32>
        %gather3A_236 = tpu.vector_load_idx %arg5[%add3A_235] : memref<512xf32, #tpu.memory_space<vmem>>[vector<16xi32>], vector<16xf32>,
        %add3A_237 = arith.constant 288 : i32
        %add3A_238 = vector.broadcast %add3A_237 : i32 to vector<16xi32>
        %add3A_239 = arith.addi %get3A_201, %add3A_238 : vector<16xi32>
        %gather3A_240 = tpu.vector_load_idx %arg5[%add3A_239] : memref<512xf32, #tpu.memory_space<vmem>>[vector<16xi32>], vector<16xf32>,
        %add3A_241 = arith.constant 320 : i32
        %add3A_242 = vector.broadcast %add3A_241 : i32 to vector<16xi32>
        %add3A_243 = arith.addi %get3A_201, %add3A_242 : vector<16xi32>
        %gather3A_244 = tpu.vector_load_idx %arg5[%add3A_243] : memref<512xf32, #tpu.memory_space<vmem>>[vector<16xi32>], vector<16xf32>,
        %add3A_245 = arith.constant 352 : i32
        %add3A_246 = vector.broadcast %add3A_245 : i32 to vector<16xi32>
        %add3A_247 = arith.addi %get3A_201, %add3A_246 : vector<16xi32>
        %gather3A_248 = tpu.vector_load_idx %arg5[%add3A_247] : memref<512xf32, #tpu.memory_space<vmem>>[vector<16xi32>], vector<16xf32>,
        %add3A_249 = arith.constant 384 : i32
        %add3A_250 = vector.broadcast %add3A_249 : i32 to vector<16xi32>
        %add3A_251 = arith.addi %get3A_201, %add3A_250 : vector<16xi32>
        %gather3A_252 = tpu.vector_load_idx %arg5[%add3A_251] : memref<512xf32, #tpu.memory_space<vmem>>[vector<16xi32>], vector<16xf32>,
        %add3A_253 = arith.constant 416 : i32
        %add3A_254 = vector.broadcast %add3A_253 : i32 to vector<16xi32>
        %add3A_255 = arith.addi %get3A_201, %add3A_254 : vector<16xi32>
        %gather3A_256 = tpu.vector_load_idx %arg5[%add3A_255] : memref<512xf32, #tpu.memory_space<vmem>>[vector<16xi32>], vector<16xf32>,
        %add3A_257 = arith.constant 448 : i32
        %add3A_258 = vector.broadcast %add3A_257 : i32 to vector<16xi32>
        %add3A_259 = arith.addi %get3A_201, %add3A_258 : vector<16xi32>
        %gather3A_260 = tpu.vector_load_idx %arg5[%add3A_259] : memref<512xf32, #tpu.memory_space<vmem>>[vector<16xi32>], vector<16xf32>,
        %add3A_261 = arith.constant 480 : i32
        %add3A_262 = vector.broadcast %add3A_261 : i32 to vector<16xi32>
        %add3A_263 = arith.addi %get3A_201, %add3A_262 : vector<16xi32>
        %gather3A_264 = tpu.vector_load_idx %arg5[%add3A_263] : memref<512xf32, #tpu.memory_space<vmem>>[vector<16xi32>], vector<16xf32>,
        %swap3A = arith.constant 0 : i32
        %swap3A_265 = arith.index_cast %scan3A_196 : i32 to index
        %swap3A_266 = arith.index_cast %swap3A : i32 to index
        %swap3A_267 = arith.constant 0 : index
        %swap3A_268 = tpu.vector_load %arg8[%swap3A_265, %swap3A_266, %swap3A_267] {strides = array<i32>} : memref<8x8x128xf32, #tpu.memory_space<vmem>>, vector<16xf32>,
        tpu.vector_store %arg8[%swap3A_265, %swap3A_266, %swap3A_267], %gather3A {strides = array<i32>} : memref<8x8x128xf32, #tpu.memory_space<vmem>>, vector<16xf32>,
        %swap3A_269 = arith.constant 1 : i32
        %swap3A_270 = arith.index_cast %scan3A_196 : i32 to index
        %swap3A_271 = arith.index_cast %swap3A_269 : i32 to index
        %swap3A_272 = arith.constant 0 : index
        %swap3A_273 = tpu.vector_load %arg8[%swap3A_270, %swap3A_271, %swap3A_272] {strides = array<i32>} : memref<8x8x128xf32, #tpu.memory_space<vmem>>, vector<16xf32>,
        tpu.vector_store %arg8[%swap3A_270, %swap3A_271, %swap3A_272], %gather3A_208 {strides = array<i32>} : memref<8x8x128xf32, #tpu.memory_space<vmem>>, vector<16xf32>,
        %swap3A_274 = arith.constant 2 : i32
        %swap3A_275 = arith.index_cast %scan3A_196 : i32 to index
        %swap3A_276 = arith.index_cast %swap3A_274 : i32 to index
        %swap3A_277 = arith.constant 0 : index
        %swap3A_278 = tpu.vector_load %arg8[%swap3A_275, %swap3A_276, %swap3A_277] {strides = array<i32>} : memref<8x8x128xf32, #tpu.memory_space<vmem>>, vector<16xf32>,
        tpu.vector_store %arg8[%swap3A_275, %swap3A_276, %swap3A_277], %gather3A_212 {strides = array<i32>} : memref<8x8x128xf32, #tpu.memory_space<vmem>>, vector<16xf32>,
        %swap3A_279 = arith.constant 3 : i32
        %swap3A_280 = arith.index_cast %scan3A_196 : i32 to index
        %swap3A_281 = arith.index_cast %swap3A_279 : i32 to index
        %swap3A_282 = arith.constant 0 : index
        %swap3A_283 = tpu.vector_load %arg8[%swap3A_280, %swap3A_281, %swap3A_282] {strides = array<i32>} : memref<8x8x128xf32, #tpu.memory_space<vmem>>, vector<16xf32>,
        tpu.vector_store %arg8[%swap3A_280, %swap3A_281, %swap3A_282], %gather3A_216 {strides = array<i32>} : memref<8x8x128xf32, #tpu.memory_space<vmem>>, vector<16xf32>,
        %swap3A_284 = arith.constant 4 : i32
        %swap3A_285 = arith.index_cast %scan3A_196 : i32 to index
        %swap3A_286 = arith.index_cast %swap3A_284 : i32 to index
        %swap3A_287 = arith.constant 0 : index
        %swap3A_288 = tpu.vector_load %arg8[%swap3A_285, %swap3A_286, %swap3A_287] {strides = array<i32>} : memref<8x8x128xf32, #tpu.memory_space<vmem>>, vector<16xf32>,
        tpu.vector_store %arg8[%swap3A_285, %swap3A_286, %swap3A_287], %gather3A_220 {strides = array<i32>} : memref<8x8x128xf32, #tpu.memory_space<vmem>>, vector<16xf32>,
        %swap3A_289 = arith.constant 5 : i32
        %swap3A_290 = arith.index_cast %scan3A_196 : i32 to index
        %swap3A_291 = arith.index_cast %swap3A_289 : i32 to index
        %swap3A_292 = arith.constant 0 : index
        %swap3A_293 = tpu.vector_load %arg8[%swap3A_290, %swap3A_291, %swap3A_292] {strides = array<i32>} : memref<8x8x128xf32, #tpu.memory_space<vmem>>, vector<16xf32>,
        tpu.vector_store %arg8[%swap3A_290, %swap3A_291, %swap3A_292], %gather3A_224 {strides = array<i32>} : memref<8x8x128xf32, #tpu.memory_space<vmem>>, vector<16xf32>,
        %swap3A_294 = arith.constant 6 : i32
        %swap3A_295 = arith.index_cast %scan3A_196 : i32 to index
        %swap3A_296 = arith.index_cast %swap3A_294 : i32 to index
        %swap3A_297 = arith.constant 0 : index
        %swap3A_298 = tpu.vector_load %arg8[%swap3A_295, %swap3A_296, %swap3A_297] {strides = array<i32>} : memref<8x8x128xf32, #tpu.memory_space<vmem>>, vector<16xf32>,
        tpu.vector_store %arg8[%swap3A_295, %swap3A_296, %swap3A_297], %gather3A_228 {strides = array<i32>} : memref<8x8x128xf32, #tpu.memory_space<vmem>>, vector<16xf32>,
        %swap3A_299 = arith.constant 7 : i32
        %swap3A_300 = arith.index_cast %scan3A_196 : i32 to index
        %swap3A_301 = arith.index_cast %swap3A_299 : i32 to index
        %swap3A_302 = arith.constant 0 : index
        %swap3A_303 = tpu.vector_load %arg8[%swap3A_300, %swap3A_301, %swap3A_302] {strides = array<i32>} : memref<8x8x128xf32, #tpu.memory_space<vmem>>, vector<16xf32>,
        tpu.vector_store %arg8[%swap3A_300, %swap3A_301, %swap3A_302], %gather3A_232 {strides = array<i32>} : memref<8x8x128xf32, #tpu.memory_space<vmem>>, vector<16xf32>,
        %swap3A_304 = arith.constant 0 : i32
        %swap3A_305 = arith.index_cast %scan3A_196 : i32 to index
        %swap3A_306 = arith.index_cast %swap3A_304 : i32 to index
        %swap3A_307 = arith.constant 0 : index
        %swap3A_308 = tpu.vector_load %arg10[%swap3A_305, %swap3A_306, %swap3A_307] {strides = array<i32>} : memref<8x8x128xf32, #tpu.memory_space<vmem>>, vector<16xf32>,
        tpu.vector_store %arg10[%swap3A_305, %swap3A_306, %swap3A_307], %gather3A_236 {strides = array<i32>} : memref<8x8x128xf32, #tpu.memory_space<vmem>>, vector<16xf32>,
        %swap3A_309 = arith.constant 1 : i32
        %swap3A_310 = arith.index_cast %scan3A_196 : i32 to index
        %swap3A_311 = arith.index_cast %swap3A_309 : i32 to index
        %swap3A_312 = arith.constant 0 : index
        %swap3A_313 = tpu.vector_load %arg10[%swap3A_310, %swap3A_311, %swap3A_312] {strides = array<i32>} : memref<8x8x128xf32, #tpu.memory_space<vmem>>, vector<16xf32>,
        tpu.vector_store %arg10[%swap3A_310, %swap3A_311, %swap3A_312], %gather3A_240 {strides = array<i32>} : memref<8x8x128xf32, #tpu.memory_space<vmem>>, vector<16xf32>,
        %swap3A_314 = arith.constant 2 : i32
        %swap3A_315 = arith.index_cast %scan3A_196 : i32 to index
        %swap3A_316 = arith.index_cast %swap3A_314 : i32 to index
        %swap3A_317 = arith.constant 0 : index
        %swap3A_318 = tpu.vector_load %arg10[%swap3A_315, %swap3A_316, %swap3A_317] {strides = array<i32>} : memref<8x8x128xf32, #tpu.memory_space<vmem>>, vector<16xf32>,
        tpu.vector_store %arg10[%swap3A_315, %swap3A_316, %swap3A_317], %gather3A_244 {strides = array<i32>} : memref<8x8x128xf32, #tpu.memory_space<vmem>>, vector<16xf32>,
        %swap3A_319 = arith.constant 3 : i32
        %swap3A_320 = arith.index_cast %scan3A_196 : i32 to index
        %swap3A_321 = arith.index_cast %swap3A_319 : i32 to index
        %swap3A_322 = arith.constant 0 : index
        %swap3A_323 = tpu.vector_load %arg10[%swap3A_320, %swap3A_321, %swap3A_322] {strides = array<i32>} : memref<8x8x128xf32, #tpu.memory_space<vmem>>, vector<16xf32>,
        tpu.vector_store %arg10[%swap3A_320, %swap3A_321, %swap3A_322], %gather3A_248 {strides = array<i32>} : memref<8x8x128xf32, #tpu.memory_space<vmem>>, vector<16xf32>,
        %swap3A_324 = arith.constant 4 : i32
        %swap3A_325 = arith.index_cast %scan3A_196 : i32 to index
        %swap3A_326 = arith.index_cast %swap3A_324 : i32 to index
        %swap3A_327 = arith.constant 0 : index
        %swap3A_328 = tpu.vector_load %arg10[%swap3A_325, %swap3A_326, %swap3A_327] {strides = array<i32>} : memref<8x8x128xf32, #tpu.memory_space<vmem>>, vector<16xf32>,
        tpu.vector_store %arg10[%swap3A_325, %swap3A_326, %swap3A_327], %gather3A_252 {strides = array<i32>} : memref<8x8x128xf32, #tpu.memory_space<vmem>>, vector<16xf32>,
        %swap3A_329 = arith.constant 5 : i32
        %swap3A_330 = arith.index_cast %scan3A_196 : i32 to index
        %swap3A_331 = arith.index_cast %swap3A_329 : i32 to index
        %swap3A_332 = arith.constant 0 : index
        %swap3A_333 = tpu.vector_load %arg10[%swap3A_330, %swap3A_331, %swap3A_332] {strides = array<i32>} : memref<8x8x128xf32, #tpu.memory_space<vmem>>, vector<16xf32>,
        tpu.vector_store %arg10[%swap3A_330, %swap3A_331, %swap3A_332], %gather3A_256 {strides = array<i32>} : memref<8x8x128xf32, #tpu.memory_space<vmem>>, vector<16xf32>,
        %swap3A_334 = arith.constant 6 : i32
        %swap3A_335 = arith.index_cast %scan3A_196 : i32 to index
        %swap3A_336 = arith.index_cast %swap3A_334 : i32 to index
        %swap3A_337 = arith.constant 0 : index
        %swap3A_338 = tpu.vector_load %arg10[%swap3A_335, %swap3A_336, %swap3A_337] {strides = array<i32>} : memref<8x8x128xf32, #tpu.memory_space<vmem>>, vector<16xf32>,
        tpu.vector_store %arg10[%swap3A_335, %swap3A_336, %swap3A_337], %gather3A_260 {strides = array<i32>} : memref<8x8x128xf32, #tpu.memory_space<vmem>>, vector<16xf32>,
        %swap3A_339 = arith.constant 7 : i32
        %swap3A_340 = arith.index_cast %scan3A_196 : i32 to index
        %swap3A_341 = arith.index_cast %swap3A_339 : i32 to index
        %swap3A_342 = arith.constant 0 : index
        %swap3A_343 = tpu.vector_load %arg10[%swap3A_340, %swap3A_341, %swap3A_342] {strides = array<i32>} : memref<8x8x128xf32, #tpu.memory_space<vmem>>, vector<16xf32>,
        tpu.vector_store %arg10[%swap3A_340, %swap3A_341, %swap3A_342], %gather3A_264 {strides = array<i32>} : memref<8x8x128xf32, #tpu.memory_space<vmem>>, vector<16xf32>,
        %mul3A_344 = arith.constant 128 : i32
        %mul3A_345 = arith.muli %scan3A_196, %mul3A_344 : i32
        %add3A_346 = arith.constant 16 : i32
        %add3A_347 = arith.addi %mul3A_345, %add3A_346 : i32
        %get3A_348 = arith.index_cast %add3A_347 : i32 to index
        %get3A_349 = tpu.vector_load %arg6[%get3A_348] {strides = array<i32>} : memref<1024xi32, #tpu.memory_space<vmem>>, vector<16xi32>,
        %add3A_350 = arith.constant 0 : i32
        %add3A_351 = vector.broadcast %add3A_350 : i32 to vector<16xi32>
        %add3A_352 = arith.addi %get3A_349, %add3A_351 : vector<16xi32>
        %gather3A_353 = tpu.vector_load_idx %arg5[%add3A_352] : memref<512xf32, #tpu.memory_space<vmem>>[vector<16xi32>], vector<16xf32>,
        %add3A_354 = arith.constant 32 : i32
        %add3A_355 = vector.broadcast %add3A_354 : i32 to vector<16xi32>
        %add3A_356 = arith.addi %get3A_349, %add3A_355 : vector<16xi32>
        %gather3A_357 = tpu.vector_load_idx %arg5[%add3A_356] : memref<512xf32, #tpu.memory_space<vmem>>[vector<16xi32>], vector<16xf32>,
        %add3A_358 = arith.constant 64 : i32
        %add3A_359 = vector.broadcast %add3A_358 : i32 to vector<16xi32>
        %add3A_360 = arith.addi %get3A_349, %add3A_359 : vector<16xi32>
        %gather3A_361 = tpu.vector_load_idx %arg5[%add3A_360] : memref<512xf32, #tpu.memory_space<vmem>>[vector<16xi32>], vector<16xf32>,
        %add3A_362 = arith.constant 96 : i32
        %add3A_363 = vector.broadcast %add3A_362 : i32 to vector<16xi32>
        %add3A_364 = arith.addi %get3A_349, %add3A_363 : vector<16xi32>
        %gather3A_365 = tpu.vector_load_idx %arg5[%add3A_364] : memref<512xf32, #tpu.memory_space<vmem>>[vector<16xi32>], vector<16xf32>,
        %add3A_366 = arith.constant 128 : i32
        %add3A_367 = vector.broadcast %add3A_366 : i32 to vector<16xi32>
        %add3A_368 = arith.addi %get3A_349, %add3A_367 : vector<16xi32>
        %gather3A_369 = tpu.vector_load_idx %arg5[%add3A_368] : memref<512xf32, #tpu.memory_space<vmem>>[vector<16xi32>], vector<16xf32>,
        %add3A_370 = arith.constant 160 : i32
        %add3A_371 = vector.broadcast %add3A_370 : i32 to vector<16xi32>
        %add3A_372 = arith.addi %get3A_349, %add3A_371 : vector<16xi32>
        %gather3A_373 = tpu.vector_load_idx %arg5[%add3A_372] : memref<512xf32, #tpu.memory_space<vmem>>[vector<16xi32>], vector<16xf32>,
        %add3A_374 = arith.constant 192 : i32
        %add3A_375 = vector.broadcast %add3A_374 : i32 to vector<16xi32>
        %add3A_376 = arith.addi %get3A_349, %add3A_375 : vector<16xi32>
        %gather3A_377 = tpu.vector_load_idx %arg5[%add3A_376] : memref<512xf32, #tpu.memory_space<vmem>>[vector<16xi32>], vector<16xf32>,
        %add3A_378 = arith.constant 224 : i32
        %add3A_379 = vector.broadcast %add3A_378 : i32 to vector<16xi32>
        %add3A_380 = arith.addi %get3A_349, %add3A_379 : vector<16xi32>
        %gather3A_381 = tpu.vector_load_idx %arg5[%add3A_380] : memref<512xf32, #tpu.memory_space<vmem>>[vector<16xi32>], vector<16xf32>,
        %add3A_382 = arith.constant 256 : i32
        %add3A_383 = vector.broadcast %add3A_382 : i32 to vector<16xi32>
        %add3A_384 = arith.addi %get3A_349, %add3A_383 : vector<16xi32>
        %gather3A_385 = tpu.vector_load_idx %arg5[%add3A_384] : memref<512xf32, #tpu.memory_space<vmem>>[vector<16xi32>], vector<16xf32>,
        %add3A_386 = arith.constant 288 : i32
        %add3A_387 = vector.broadcast %add3A_386 : i32 to vector<16xi32>
        %add3A_388 = arith.addi %get3A_349, %add3A_387 : vector<16xi32>
        %gather3A_389 = tpu.vector_load_idx %arg5[%add3A_388] : memref<512xf32, #tpu.memory_space<vmem>>[vector<16xi32>], vector<16xf32>,
        %add3A_390 = arith.constant 320 : i32
        %add3A_391 = vector.broadcast %add3A_390 : i32 to vector<16xi32>
        %add3A_392 = arith.addi %get3A_349, %add3A_391 : vector<16xi32>
        %gather3A_393 = tpu.vector_load_idx %arg5[%add3A_392] : memref<512xf32, #tpu.memory_space<vmem>>[vector<16xi32>], vector<16xf32>,
        %add3A_394 = arith.constant 352 : i32
        %add3A_395 = vector.broadcast %add3A_394 : i32 to vector<16xi32>
        %add3A_396 = arith.addi %get3A_349, %add3A_395 : vector<16xi32>
        %gather3A_397 = tpu.vector_load_idx %arg5[%add3A_396] : memref<512xf32, #tpu.memory_space<vmem>>[vector<16xi32>], vector<16xf32>,
        %add3A_398 = arith.constant 384 : i32
        %add3A_399 = vector.broadcast %add3A_398 : i32 to vector<16xi32>
        %add3A_400 = arith.addi %get3A_349, %add3A_399 : vector<16xi32>
        %gather3A_401 = tpu.vector_load_idx %arg5[%add3A_400] : memref<512xf32, #tpu.memory_space<vmem>>[vector<16xi32>], vector<16xf32>,
        %add3A_402 = arith.constant 416 : i32
        %add3A_403 = vector.broadcast %add3A_402 : i32 to vector<16xi32>
        %add3A_404 = arith.addi %get3A_349, %add3A_403 : vector<16xi32>
        %gather3A_405 = tpu.vector_load_idx %arg5[%add3A_404] : memref<512xf32, #tpu.memory_space<vmem>>[vector<16xi32>], vector<16xf32>,
        %add3A_406 = arith.constant 448 : i32
        %add3A_407 = vector.broadcast %add3A_406 : i32 to vector<16xi32>
        %add3A_408 = arith.addi %get3A_349, %add3A_407 : vector<16xi32>
        %gather3A_409 = tpu.vector_load_idx %arg5[%add3A_408] : memref<512xf32, #tpu.memory_space<vmem>>[vector<16xi32>], vector<16xf32>,
        %add3A_410 = arith.constant 480 : i32
        %add3A_411 = vector.broadcast %add3A_410 : i32 to vector<16xi32>
        %add3A_412 = arith.addi %get3A_349, %add3A_411 : vector<16xi32>
        %gather3A_413 = tpu.vector_load_idx %arg5[%add3A_412] : memref<512xf32, #tpu.memory_space<vmem>>[vector<16xi32>], vector<16xf32>,
        %swap3A_414 = arith.constant 0 : i32
        %swap3A_415 = arith.index_cast %scan3A_196 : i32 to index
        %swap3A_416 = arith.index_cast %swap3A_414 : i32 to index
        %swap3A_417 = arith.constant 16 : index
        %swap3A_418 = tpu.vector_load %arg8[%swap3A_415, %swap3A_416, %swap3A_417] {strides = array<i32>} : memref<8x8x128xf32, #tpu.memory_space<vmem>>, vector<16xf32>,
        tpu.vector_store %arg8[%swap3A_415, %swap3A_416, %swap3A_417], %gather3A_353 {strides = array<i32>} : memref<8x8x128xf32, #tpu.memory_space<vmem>>, vector<16xf32>,
        %swap3A_419 = arith.constant 1 : i32
        %swap3A_420 = arith.index_cast %scan3A_196 : i32 to index
        %swap3A_421 = arith.index_cast %swap3A_419 : i32 to index
        %swap3A_422 = arith.constant 16 : index
        %swap3A_423 = tpu.vector_load %arg8[%swap3A_420, %swap3A_421, %swap3A_422] {strides = array<i32>} : memref<8x8x128xf32, #tpu.memory_space<vmem>>, vector<16xf32>,
        tpu.vector_store %arg8[%swap3A_420, %swap3A_421, %swap3A_422], %gather3A_357 {strides = array<i32>} : memref<8x8x128xf32, #tpu.memory_space<vmem>>, vector<16xf32>,
        %swap3A_424 = arith.constant 2 : i32
        %swap3A_425 = arith.index_cast %scan3A_196 : i32 to index
        %swap3A_426 = arith.index_cast %swap3A_424 : i32 to index
        %swap3A_427 = arith.constant 16 : index
        %swap3A_428 = tpu.vector_load %arg8[%swap3A_425, %swap3A_426, %swap3A_427] {strides = array<i32>} : memref<8x8x128xf32, #tpu.memory_space<vmem>>, vector<16xf32>,
        tpu.vector_store %arg8[%swap3A_425, %swap3A_426, %swap3A_427], %gather3A_361 {strides = array<i32>} : memref<8x8x128xf32, #tpu.memory_space<vmem>>, vector<16xf32>,
        %swap3A_429 = arith.constant 3 : i32
        %swap3A_430 = arith.index_cast %scan3A_196 : i32 to index
        %swap3A_431 = arith.index_cast %swap3A_429 : i32 to index
        %swap3A_432 = arith.constant 16 : index
        %swap3A_433 = tpu.vector_load %arg8[%swap3A_430, %swap3A_431, %swap3A_432] {strides = array<i32>} : memref<8x8x128xf32, #tpu.memory_space<vmem>>, vector<16xf32>,
        tpu.vector_store %arg8[%swap3A_430, %swap3A_431, %swap3A_432], %gather3A_365 {strides = array<i32>} : memref<8x8x128xf32, #tpu.memory_space<vmem>>, vector<16xf32>,
        %swap3A_434 = arith.constant 4 : i32
        %swap3A_435 = arith.index_cast %scan3A_196 : i32 to index
        %swap3A_436 = arith.index_cast %swap3A_434 : i32 to index
        %swap3A_437 = arith.constant 16 : index
        %swap3A_438 = tpu.vector_load %arg8[%swap3A_435, %swap3A_436, %swap3A_437] {strides = array<i32>} : memref<8x8x128xf32, #tpu.memory_space<vmem>>, vector<16xf32>,
        tpu.vector_store %arg8[%swap3A_435, %swap3A_436, %swap3A_437], %gather3A_369 {strides = array<i32>} : memref<8x8x128xf32, #tpu.memory_space<vmem>>, vector<16xf32>,
        %swap3A_439 = arith.constant 5 : i32
        %swap3A_440 = arith.index_cast %scan3A_196 : i32 to index
        %swap3A_441 = arith.index_cast %swap3A_439 : i32 to index
        %swap3A_442 = arith.constant 16 : index
        %swap3A_443 = tpu.vector_load %arg8[%swap3A_440, %swap3A_441, %swap3A_442] {strides = array<i32>} : memref<8x8x128xf32, #tpu.memory_space<vmem>>, vector<16xf32>,
        tpu.vector_store %arg8[%swap3A_440, %swap3A_441, %swap3A_442], %gather3A_373 {strides = array<i32>} : memref<8x8x128xf32, #tpu.memory_space<vmem>>, vector<16xf32>,
        %swap3A_444 = arith.constant 6 : i32
        %swap3A_445 = arith.index_cast %scan3A_196 : i32 to index
        %swap3A_446 = arith.index_cast %swap3A_444 : i32 to index
        %swap3A_447 = arith.constant 16 : index
        %swap3A_448 = tpu.vector_load %arg8[%swap3A_445, %swap3A_446, %swap3A_447] {strides = array<i32>} : memref<8x8x128xf32, #tpu.memory_space<vmem>>, vector<16xf32>,
        tpu.vector_store %arg8[%swap3A_445, %swap3A_446, %swap3A_447], %gather3A_377 {strides = array<i32>} : memref<8x8x128xf32, #tpu.memory_space<vmem>>, vector<16xf32>,
        %swap3A_449 = arith.constant 7 : i32
        %swap3A_450 = arith.index_cast %scan3A_196 : i32 to index
        %swap3A_451 = arith.index_cast %swap3A_449 : i32 to index
        %swap3A_452 = arith.constant 16 : index
        %swap3A_453 = tpu.vector_load %arg8[%swap3A_450, %swap3A_451, %swap3A_452] {strides = array<i32>} : memref<8x8x128xf32, #tpu.memory_space<vmem>>, vector<16xf32>,
        tpu.vector_store %arg8[%swap3A_450, %swap3A_451, %swap3A_452], %gather3A_381 {strides = array<i32>} : memref<8x8x128xf32, #tpu.memory_space<vmem>>, vector<16xf32>,
        %swap3A_454 = arith.constant 0 : i32
        %swap3A_455 = arith.index_cast %scan3A_196 : i32 to index
        %swap3A_456 = arith.index_cast %swap3A_454 : i32 to index
        %swap3A_457 = arith.constant 16 : index
        %swap3A_458 = tpu.vector_load %arg10[%swap3A_455, %swap3A_456, %swap3A_457] {strides = array<i32>} : memref<8x8x128xf32, #tpu.memory_space<vmem>>, vector<16xf32>,
        tpu.vector_store %arg10[%swap3A_455, %swap3A_456, %swap3A_457], %gather3A_385 {strides = array<i32>} : memref<8x8x128xf32, #tpu.memory_space<vmem>>, vector<16xf32>,
        %swap3A_459 = arith.constant 1 : i32
        %swap3A_460 = arith.index_cast %scan3A_196 : i32 to index
        %swap3A_461 = arith.index_cast %swap3A_459 : i32 to index
        %swap3A_462 = arith.constant 16 : index
        %swap3A_463 = tpu.vector_load %arg10[%swap3A_460, %swap3A_461, %swap3A_462] {strides = array<i32>} : memref<8x8x128xf32, #tpu.memory_space<vmem>>, vector<16xf32>,
        tpu.vector_store %arg10[%swap3A_460, %swap3A_461, %swap3A_462], %gather3A_389 {strides = array<i32>} : memref<8x8x128xf32, #tpu.memory_space<vmem>>, vector<16xf32>,
        %swap3A_464 = arith.constant 2 : i32
        %swap3A_465 = arith.index_cast %scan3A_196 : i32 to index
        %swap3A_466 = arith.index_cast %swap3A_464 : i32 to index
        %swap3A_467 = arith.constant 16 : index
        %swap3A_468 = tpu.vector_load %arg10[%swap3A_465, %swap3A_466, %swap3A_467] {strides = array<i32>} : memref<8x8x128xf32, #tpu.memory_space<vmem>>, vector<16xf32>,
        tpu.vector_store %arg10[%swap3A_465, %swap3A_466, %swap3A_467], %gather3A_393 {strides = array<i32>} : memref<8x8x128xf32, #tpu.memory_space<vmem>>, vector<16xf32>,
        %swap3A_469 = arith.constant 3 : i32
        %swap3A_470 = arith.index_cast %scan3A_196 : i32 to index
        %swap3A_471 = arith.index_cast %swap3A_469 : i32 to index
        %swap3A_472 = arith.constant 16 : index
        %swap3A_473 = tpu.vector_load %arg10[%swap3A_470, %swap3A_471, %swap3A_472] {strides = array<i32>} : memref<8x8x128xf32, #tpu.memory_space<vmem>>, vector<16xf32>,
        tpu.vector_store %arg10[%swap3A_470, %swap3A_471, %swap3A_472], %gather3A_397 {strides = array<i32>} : memref<8x8x128xf32, #tpu.memory_space<vmem>>, vector<16xf32>,
        %swap3A_474 = arith.constant 4 : i32
        %swap3A_475 = arith.index_cast %scan3A_196 : i32 to index
        %swap3A_476 = arith.index_cast %swap3A_474 : i32 to index
        %swap3A_477 = arith.constant 16 : index
        %swap3A_478 = tpu.vector_load %arg10[%swap3A_475, %swap3A_476, %swap3A_477] {strides = array<i32>} : memref<8x8x128xf32, #tpu.memory_space<vmem>>, vector<16xf32>,
        tpu.vector_store %arg10[%swap3A_475, %swap3A_476, %swap3A_477], %gather3A_401 {strides = array<i32>} : memref<8x8x128xf32, #tpu.memory_space<vmem>>, vector<16xf32>,
        %swap3A_479 = arith.constant 5 : i32
        %swap3A_480 = arith.index_cast %scan3A_196 : i32 to index
        %swap3A_481 = arith.index_cast %swap3A_479 : i32 to index
        %swap3A_482 = arith.constant 16 : index
        %swap3A_483 = tpu.vector_load %arg10[%swap3A_480, %swap3A_481, %swap3A_482] {strides = array<i32>} : memref<8x8x128xf32, #tpu.memory_space<vmem>>, vector<16xf32>,
        tpu.vector_store %arg10[%swap3A_480, %swap3A_481, %swap3A_482], %gather3A_405 {strides = array<i32>} : memref<8x8x128xf32, #tpu.memory_space<vmem>>, vector<16xf32>,
        %swap3A_484 = arith.constant 6 : i32
        %swap3A_485 = arith.index_cast %scan3A_196 : i32 to index
        %swap3A_486 = arith.index_cast %swap3A_484 : i32 to index
        %swap3A_487 = arith.constant 16 : index
        %swap3A_488 = tpu.vector_load %arg10[%swap3A_485, %swap3A_486, %swap3A_487] {strides = array<i32>} : memref<8x8x128xf32, #tpu.memory_space<vmem>>, vector<16xf32>,
        tpu.vector_store %arg10[%swap3A_485, %swap3A_486, %swap3A_487], %gather3A_409 {strides = array<i32>} : memref<8x8x128xf32, #tpu.memory_space<vmem>>, vector<16xf32>,
        %swap3A_489 = arith.constant 7 : i32
        %swap3A_490 = arith.index_cast %scan3A_196 : i32 to index
        %swap3A_491 = arith.index_cast %swap3A_489 : i32 to index
        %swap3A_492 = arith.constant 16 : index
        %swap3A_493 = tpu.vector_load %arg10[%swap3A_490, %swap3A_491, %swap3A_492] {strides = array<i32>} : memref<8x8x128xf32, #tpu.memory_space<vmem>>, vector<16xf32>,
        tpu.vector_store %arg10[%swap3A_490, %swap3A_491, %swap3A_492], %gather3A_413 {strides = array<i32>} : memref<8x8x128xf32, #tpu.memory_space<vmem>>, vector<16xf32>,
        %mul3A_494 = arith.constant 128 : i32
        %mul3A_495 = arith.muli %scan3A_196, %mul3A_494 : i32
        %add3A_496 = arith.constant 32 : i32
        %add3A_497 = arith.addi %mul3A_495, %add3A_496 : i32
        %get3A_498 = arith.index_cast %add3A_497 : i32 to index
        %get3A_499 = tpu.vector_load %arg6[%get3A_498] {strides = array<i32>} : memref<1024xi32, #tpu.memory_space<vmem>>, vector<16xi32>,
        %add3A_500 = arith.constant 0 : i32
        %add3A_501 = vector.broadcast %add3A_500 : i32 to vector<16xi32>
        %add3A_502 = arith.addi %get3A_499, %add3A_501 : vector<16xi32>
        %gather3A_503 = tpu.vector_load_idx %arg5[%add3A_502] : memref<512xf32, #tpu.memory_space<vmem>>[vector<16xi32>], vector<16xf32>,
        %add3A_504 = arith.constant 32 : i32
        %add3A_505 = vector.broadcast %add3A_504 : i32 to vector<16xi32>
        %add3A_506 = arith.addi %get3A_499, %add3A_505 : vector<16xi32>
        %gather3A_507 = tpu.vector_load_idx %arg5[%add3A_506] : memref<512xf32, #tpu.memory_space<vmem>>[vector<16xi32>], vector<16xf32>,
        %add3A_508 = arith.constant 64 : i32
        %add3A_509 = vector.broadcast %add3A_508 : i32 to vector<16xi32>
        %add3A_510 = arith.addi %get3A_499, %add3A_509 : vector<16xi32>
        %gather3A_511 = tpu.vector_load_idx %arg5[%add3A_510] : memref<512xf32, #tpu.memory_space<vmem>>[vector<16xi32>], vector<16xf32>,
        %add3A_512 = arith.constant 96 : i32
        %add3A_513 = vector.broadcast %add3A_512 : i32 to vector<16xi32>
        %add3A_514 = arith.addi %get3A_499, %add3A_513 : vector<16xi32>
        %gather3A_515 = tpu.vector_load_idx %arg5[%add3A_514] : memref<512xf32, #tpu.memory_space<vmem>>[vector<16xi32>], vector<16xf32>,
        %add3A_516 = arith.constant 128 : i32
        %add3A_517 = vector.broadcast %add3A_516 : i32 to vector<16xi32>
        %add3A_518 = arith.addi %get3A_499, %add3A_517 : vector<16xi32>
        %gather3A_519 = tpu.vector_load_idx %arg5[%add3A_518] : memref<512xf32, #tpu.memory_space<vmem>>[vector<16xi32>], vector<16xf32>,
        %add3A_520 = arith.constant 160 : i32
        %add3A_521 = vector.broadcast %add3A_520 : i32 to vector<16xi32>
        %add3A_522 = arith.addi %get3A_499, %add3A_521 : vector<16xi32>
        %gather3A_523 = tpu.vector_load_idx %arg5[%add3A_522] : memref<512xf32, #tpu.memory_space<vmem>>[vector<16xi32>], vector<16xf32>,
        %add3A_524 = arith.constant 192 : i32
        %add3A_525 = vector.broadcast %add3A_524 : i32 to vector<16xi32>
        %add3A_526 = arith.addi %get3A_499, %add3A_525 : vector<16xi32>
        %gather3A_527 = tpu.vector_load_idx %arg5[%add3A_526] : memref<512xf32, #tpu.memory_space<vmem>>[vector<16xi32>], vector<16xf32>,
        %add3A_528 = arith.constant 224 : i32
        %add3A_529 = vector.broadcast %add3A_528 : i32 to vector<16xi32>
        %add3A_530 = arith.addi %get3A_499, %add3A_529 : vector<16xi32>
        %gather3A_531 = tpu.vector_load_idx %arg5[%add3A_530] : memref<512xf32, #tpu.memory_space<vmem>>[vector<16xi32>], vector<16xf32>,
        %add3A_532 = arith.constant 256 : i32
        %add3A_533 = vector.broadcast %add3A_532 : i32 to vector<16xi32>
        %add3A_534 = arith.addi %get3A_499, %add3A_533 : vector<16xi32>
        %gather3A_535 = tpu.vector_load_idx %arg5[%add3A_534] : memref<512xf32, #tpu.memory_space<vmem>>[vector<16xi32>], vector<16xf32>,
        %add3A_536 = arith.constant 288 : i32
        %add3A_537 = vector.broadcast %add3A_536 : i32 to vector<16xi32>
        %add3A_538 = arith.addi %get3A_499, %add3A_537 : vector<16xi32>
        %gather3A_539 = tpu.vector_load_idx %arg5[%add3A_538] : memref<512xf32, #tpu.memory_space<vmem>>[vector<16xi32>], vector<16xf32>,
        %add3A_540 = arith.constant 320 : i32
        %add3A_541 = vector.broadcast %add3A_540 : i32 to vector<16xi32>
        %add3A_542 = arith.addi %get3A_499, %add3A_541 : vector<16xi32>
        %gather3A_543 = tpu.vector_load_idx %arg5[%add3A_542] : memref<512xf32, #tpu.memory_space<vmem>>[vector<16xi32>], vector<16xf32>,
        %add3A_544 = arith.constant 352 : i32
        %add3A_545 = vector.broadcast %add3A_544 : i32 to vector<16xi32>
        %add3A_546 = arith.addi %get3A_499, %add3A_545 : vector<16xi32>
        %gather3A_547 = tpu.vector_load_idx %arg5[%add3A_546] : memref<512xf32, #tpu.memory_space<vmem>>[vector<16xi32>], vector<16xf32>,
        %add3A_548 = arith.constant 384 : i32
        %add3A_549 = vector.broadcast %add3A_548 : i32 to vector<16xi32>
        %add3A_550 = arith.addi %get3A_499, %add3A_549 : vector<16xi32>
        %gather3A_551 = tpu.vector_load_idx %arg5[%add3A_550] : memref<512xf32, #tpu.memory_space<vmem>>[vector<16xi32>], vector<16xf32>,
        %add3A_552 = arith.constant 416 : i32
        %add3A_553 = vector.broadcast %add3A_552 : i32 to vector<16xi32>
        %add3A_554 = arith.addi %get3A_499, %add3A_553 : vector<16xi32>
        %gather3A_555 = tpu.vector_load_idx %arg5[%add3A_554] : memref<512xf32, #tpu.memory_space<vmem>>[vector<16xi32>], vector<16xf32>,
        %add3A_556 = arith.constant 448 : i32
        %add3A_557 = vector.broadcast %add3A_556 : i32 to vector<16xi32>
        %add3A_558 = arith.addi %get3A_499, %add3A_557 : vector<16xi32>
        %gather3A_559 = tpu.vector_load_idx %arg5[%add3A_558] : memref<512xf32, #tpu.memory_space<vmem>>[vector<16xi32>], vector<16xf32>,
        %add3A_560 = arith.constant 480 : i32
        %add3A_561 = vector.broadcast %add3A_560 : i32 to vector<16xi32>
        %add3A_562 = arith.addi %get3A_499, %add3A_561 : vector<16xi32>
        %gather3A_563 = tpu.vector_load_idx %arg5[%add3A_562] : memref<512xf32, #tpu.memory_space<vmem>>[vector<16xi32>], vector<16xf32>,
        %swap3A_564 = arith.constant 0 : i32
        %swap3A_565 = arith.index_cast %scan3A_196 : i32 to index
        %swap3A_566 = arith.index_cast %swap3A_564 : i32 to index
        %swap3A_567 = arith.constant 32 : index
        %swap3A_568 = tpu.vector_load %arg8[%swap3A_565, %swap3A_566, %swap3A_567] {strides = array<i32>} : memref<8x8x128xf32, #tpu.memory_space<vmem>>, vector<16xf32>,
        tpu.vector_store %arg8[%swap3A_565, %swap3A_566, %swap3A_567], %gather3A_503 {strides = array<i32>} : memref<8x8x128xf32, #tpu.memory_space<vmem>>, vector<16xf32>,
        %swap3A_569 = arith.constant 1 : i32
        %swap3A_570 = arith.index_cast %scan3A_196 : i32 to index
        %swap3A_571 = arith.index_cast %swap3A_569 : i32 to index
        %swap3A_572 = arith.constant 32 : index
        %swap3A_573 = tpu.vector_load %arg8[%swap3A_570, %swap3A_571, %swap3A_572] {strides = array<i32>} : memref<8x8x128xf32, #tpu.memory_space<vmem>>, vector<16xf32>,
        tpu.vector_store %arg8[%swap3A_570, %swap3A_571, %swap3A_572], %gather3A_507 {strides = array<i32>} : memref<8x8x128xf32, #tpu.memory_space<vmem>>, vector<16xf32>,
        %swap3A_574 = arith.constant 2 : i32
        %swap3A_575 = arith.index_cast %scan3A_196 : i32 to index
        %swap3A_576 = arith.index_cast %swap3A_574 : i32 to index
        %swap3A_577 = arith.constant 32 : index
        %swap3A_578 = tpu.vector_load %arg8[%swap3A_575, %swap3A_576, %swap3A_577] {strides = array<i32>} : memref<8x8x128xf32, #tpu.memory_space<vmem>>, vector<16xf32>,
        tpu.vector_store %arg8[%swap3A_575, %swap3A_576, %swap3A_577], %gather3A_511 {strides = array<i32>} : memref<8x8x128xf32, #tpu.memory_space<vmem>>, vector<16xf32>,
        %swap3A_579 = arith.constant 3 : i32
        %swap3A_580 = arith.index_cast %scan3A_196 : i32 to index
        %swap3A_581 = arith.index_cast %swap3A_579 : i32 to index
        %swap3A_582 = arith.constant 32 : index
        %swap3A_583 = tpu.vector_load %arg8[%swap3A_580, %swap3A_581, %swap3A_582] {strides = array<i32>} : memref<8x8x128xf32, #tpu.memory_space<vmem>>, vector<16xf32>,
        tpu.vector_store %arg8[%swap3A_580, %swap3A_581, %swap3A_582], %gather3A_515 {strides = array<i32>} : memref<8x8x128xf32, #tpu.memory_space<vmem>>, vector<16xf32>,
        %swap3A_584 = arith.constant 4 : i32
        %swap3A_585 = arith.index_cast %scan3A_196 : i32 to index
        %swap3A_586 = arith.index_cast %swap3A_584 : i32 to index
        %swap3A_587 = arith.constant 32 : index
        %swap3A_588 = tpu.vector_load %arg8[%swap3A_585, %swap3A_586, %swap3A_587] {strides = array<i32>} : memref<8x8x128xf32, #tpu.memory_space<vmem>>, vector<16xf32>,
        tpu.vector_store %arg8[%swap3A_585, %swap3A_586, %swap3A_587], %gather3A_519 {strides = array<i32>} : memref<8x8x128xf32, #tpu.memory_space<vmem>>, vector<16xf32>,
        %swap3A_589 = arith.constant 5 : i32
        %swap3A_590 = arith.index_cast %scan3A_196 : i32 to index
        %swap3A_591 = arith.index_cast %swap3A_589 : i32 to index
        %swap3A_592 = arith.constant 32 : index
        %swap3A_593 = tpu.vector_load %arg8[%swap3A_590, %swap3A_591, %swap3A_592] {strides = array<i32>} : memref<8x8x128xf32, #tpu.memory_space<vmem>>, vector<16xf32>,
        tpu.vector_store %arg8[%swap3A_590, %swap3A_591, %swap3A_592], %gather3A_523 {strides = array<i32>} : memref<8x8x128xf32, #tpu.memory_space<vmem>>, vector<16xf32>,
        %swap3A_594 = arith.constant 6 : i32
        %swap3A_595 = arith.index_cast %scan3A_196 : i32 to index
        %swap3A_596 = arith.index_cast %swap3A_594 : i32 to index
        %swap3A_597 = arith.constant 32 : index
        %swap3A_598 = tpu.vector_load %arg8[%swap3A_595, %swap3A_596, %swap3A_597] {strides = array<i32>} : memref<8x8x128xf32, #tpu.memory_space<vmem>>, vector<16xf32>,
        tpu.vector_store %arg8[%swap3A_595, %swap3A_596, %swap3A_597], %gather3A_527 {strides = array<i32>} : memref<8x8x128xf32, #tpu.memory_space<vmem>>, vector<16xf32>,
        %swap3A_599 = arith.constant 7 : i32
        %swap3A_600 = arith.index_cast %scan3A_196 : i32 to index
        %swap3A_601 = arith.index_cast %swap3A_599 : i32 to index
        %swap3A_602 = arith.constant 32 : index
        %swap3A_603 = tpu.vector_load %arg8[%swap3A_600, %swap3A_601, %swap3A_602] {strides = array<i32>} : memref<8x8x128xf32, #tpu.memory_space<vmem>>, vector<16xf32>,
        tpu.vector_store %arg8[%swap3A_600, %swap3A_601, %swap3A_602], %gather3A_531 {strides = array<i32>} : memref<8x8x128xf32, #tpu.memory_space<vmem>>, vector<16xf32>,
        %swap3A_604 = arith.constant 0 : i32
        %swap3A_605 = arith.index_cast %scan3A_196 : i32 to index
        %swap3A_606 = arith.index_cast %swap3A_604 : i32 to index
        %swap3A_607 = arith.constant 32 : index
        %swap3A_608 = tpu.vector_load %arg10[%swap3A_605, %swap3A_606, %swap3A_607] {strides = array<i32>} : memref<8x8x128xf32, #tpu.memory_space<vmem>>, vector<16xf32>,
        tpu.vector_store %arg10[%swap3A_605, %swap3A_606, %swap3A_607], %gather3A_535 {strides = array<i32>} : memref<8x8x128xf32, #tpu.memory_space<vmem>>, vector<16xf32>,
        %swap3A_609 = arith.constant 1 : i32
        %swap3A_610 = arith.index_cast %scan3A_196 : i32 to index
        %swap3A_611 = arith.index_cast %swap3A_609 : i32 to index
        %swap3A_612 = arith.constant 32 : index
        %swap3A_613 = tpu.vector_load %arg10[%swap3A_610, %swap3A_611, %swap3A_612] {strides = array<i32>} : memref<8x8x128xf32, #tpu.memory_space<vmem>>, vector<16xf32>,
        tpu.vector_store %arg10[%swap3A_610, %swap3A_611, %swap3A_612], %gather3A_539 {strides = array<i32>} : memref<8x8x128xf32, #tpu.memory_space<vmem>>, vector<16xf32>,
        %swap3A_614 = arith.constant 2 : i32
        %swap3A_615 = arith.index_cast %scan3A_196 : i32 to index
        %swap3A_616 = arith.index_cast %swap3A_614 : i32 to index
        %swap3A_617 = arith.constant 32 : index
        %swap3A_618 = tpu.vector_load %arg10[%swap3A_615, %swap3A_616, %swap3A_617] {strides = array<i32>} : memref<8x8x128xf32, #tpu.memory_space<vmem>>, vector<16xf32>,
        tpu.vector_store %arg10[%swap3A_615, %swap3A_616, %swap3A_617], %gather3A_543 {strides = array<i32>} : memref<8x8x128xf32, #tpu.memory_space<vmem>>, vector<16xf32>,
        %swap3A_619 = arith.constant 3 : i32
        %swap3A_620 = arith.index_cast %scan3A_196 : i32 to index
        %swap3A_621 = arith.index_cast %swap3A_619 : i32 to index
        %swap3A_622 = arith.constant 32 : index
        %swap3A_623 = tpu.vector_load %arg10[%swap3A_620, %swap3A_621, %swap3A_622] {strides = array<i32>} : memref<8x8x128xf32, #tpu.memory_space<vmem>>, vector<16xf32>,
        tpu.vector_store %arg10[%swap3A_620, %swap3A_621, %swap3A_622], %gather3A_547 {strides = array<i32>} : memref<8x8x128xf32, #tpu.memory_space<vmem>>, vector<16xf32>,
        %swap3A_624 = arith.constant 4 : i32
        %swap3A_625 = arith.index_cast %scan3A_196 : i32 to index
        %swap3A_626 = arith.index_cast %swap3A_624 : i32 to index
        %swap3A_627 = arith.constant 32 : index
        %swap3A_628 = tpu.vector_load %arg10[%swap3A_625, %swap3A_626, %swap3A_627] {strides = array<i32>} : memref<8x8x128xf32, #tpu.memory_space<vmem>>, vector<16xf32>,
        tpu.vector_store %arg10[%swap3A_625, %swap3A_626, %swap3A_627], %gather3A_551 {strides = array<i32>} : memref<8x8x128xf32, #tpu.memory_space<vmem>>, vector<16xf32>,
        %swap3A_629 = arith.constant 5 : i32
        %swap3A_630 = arith.index_cast %scan3A_196 : i32 to index
        %swap3A_631 = arith.index_cast %swap3A_629 : i32 to index
        %swap3A_632 = arith.constant 32 : index
        %swap3A_633 = tpu.vector_load %arg10[%swap3A_630, %swap3A_631, %swap3A_632] {strides = array<i32>} : memref<8x8x128xf32, #tpu.memory_space<vmem>>, vector<16xf32>,
        tpu.vector_store %arg10[%swap3A_630, %swap3A_631, %swap3A_632], %gather3A_555 {strides = array<i32>} : memref<8x8x128xf32, #tpu.memory_space<vmem>>, vector<16xf32>,
        %swap3A_634 = arith.constant 6 : i32
        %swap3A_635 = arith.index_cast %scan3A_196 : i32 to index
        %swap3A_636 = arith.index_cast %swap3A_634 : i32 to index
        %swap3A_637 = arith.constant 32 : index
        %swap3A_638 = tpu.vector_load %arg10[%swap3A_635, %swap3A_636, %swap3A_637] {strides = array<i32>} : memref<8x8x128xf32, #tpu.memory_space<vmem>>, vector<16xf32>,
        tpu.vector_store %arg10[%swap3A_635, %swap3A_636, %swap3A_637], %gather3A_559 {strides = array<i32>} : memref<8x8x128xf32, #tpu.memory_space<vmem>>, vector<16xf32>,
        %swap3A_639 = arith.constant 7 : i32
        %swap3A_640 = arith.index_cast %scan3A_196 : i32 to index
        %swap3A_641 = arith.index_cast %swap3A_639 : i32 to index
        %swap3A_642 = arith.constant 32 : index
        %swap3A_643 = tpu.vector_load %arg10[%swap3A_640, %swap3A_641, %swap3A_642] {strides = array<i32>} : memref<8x8x128xf32, #tpu.memory_space<vmem>>, vector<16xf32>,
        tpu.vector_store %arg10[%swap3A_640, %swap3A_641, %swap3A_642], %gather3A_563 {strides = array<i32>} : memref<8x8x128xf32, #tpu.memory_space<vmem>>, vector<16xf32>,
        %mul3A_644 = arith.constant 128 : i32
        %mul3A_645 = arith.muli %scan3A_196, %mul3A_644 : i32
        %add3A_646 = arith.constant 48 : i32
        %add3A_647 = arith.addi %mul3A_645, %add3A_646 : i32
        %get3A_648 = arith.index_cast %add3A_647 : i32 to index
        %get3A_649 = tpu.vector_load %arg6[%get3A_648] {strides = array<i32>} : memref<1024xi32, #tpu.memory_space<vmem>>, vector<16xi32>,
        %add3A_650 = arith.constant 0 : i32
        %add3A_651 = vector.broadcast %add3A_650 : i32 to vector<16xi32>
        %add3A_652 = arith.addi %get3A_649, %add3A_651 : vector<16xi32>
        %gather3A_653 = tpu.vector_load_idx %arg5[%add3A_652] : memref<512xf32, #tpu.memory_space<vmem>>[vector<16xi32>], vector<16xf32>,
        %add3A_654 = arith.constant 32 : i32
        %add3A_655 = vector.broadcast %add3A_654 : i32 to vector<16xi32>
        %add3A_656 = arith.addi %get3A_649, %add3A_655 : vector<16xi32>
        %gather3A_657 = tpu.vector_load_idx %arg5[%add3A_656] : memref<512xf32, #tpu.memory_space<vmem>>[vector<16xi32>], vector<16xf32>,
        %add3A_658 = arith.constant 64 : i32
        %add3A_659 = vector.broadcast %add3A_658 : i32 to vector<16xi32>
        %add3A_660 = arith.addi %get3A_649, %add3A_659 : vector<16xi32>
        %gather3A_661 = tpu.vector_load_idx %arg5[%add3A_660] : memref<512xf32, #tpu.memory_space<vmem>>[vector<16xi32>], vector<16xf32>,
        %add3A_662 = arith.constant 96 : i32
        %add3A_663 = vector.broadcast %add3A_662 : i32 to vector<16xi32>
        %add3A_664 = arith.addi %get3A_649, %add3A_663 : vector<16xi32>
        %gather3A_665 = tpu.vector_load_idx %arg5[%add3A_664] : memref<512xf32, #tpu.memory_space<vmem>>[vector<16xi32>], vector<16xf32>,
        %add3A_666 = arith.constant 128 : i32
        %add3A_667 = vector.broadcast %add3A_666 : i32 to vector<16xi32>
        %add3A_668 = arith.addi %get3A_649, %add3A_667 : vector<16xi32>
        %gather3A_669 = tpu.vector_load_idx %arg5[%add3A_668] : memref<512xf32, #tpu.memory_space<vmem>>[vector<16xi32>], vector<16xf32>,
        %add3A_670 = arith.constant 160 : i32
        %add3A_671 = vector.broadcast %add3A_670 : i32 to vector<16xi32>
        %add3A_672 = arith.addi %get3A_649, %add3A_671 : vector<16xi32>
        %gather3A_673 = tpu.vector_load_idx %arg5[%add3A_672] : memref<512xf32, #tpu.memory_space<vmem>>[vector<16xi32>], vector<16xf32>,
        %add3A_674 = arith.constant 192 : i32
        %add3A_675 = vector.broadcast %add3A_674 : i32 to vector<16xi32>
        %add3A_676 = arith.addi %get3A_649, %add3A_675 : vector<16xi32>
        %gather3A_677 = tpu.vector_load_idx %arg5[%add3A_676] : memref<512xf32, #tpu.memory_space<vmem>>[vector<16xi32>], vector<16xf32>,
        %add3A_678 = arith.constant 224 : i32
        %add3A_679 = vector.broadcast %add3A_678 : i32 to vector<16xi32>
        %add3A_680 = arith.addi %get3A_649, %add3A_679 : vector<16xi32>
        %gather3A_681 = tpu.vector_load_idx %arg5[%add3A_680] : memref<512xf32, #tpu.memory_space<vmem>>[vector<16xi32>], vector<16xf32>,
        %add3A_682 = arith.constant 256 : i32
        %add3A_683 = vector.broadcast %add3A_682 : i32 to vector<16xi32>
        %add3A_684 = arith.addi %get3A_649, %add3A_683 : vector<16xi32>
        %gather3A_685 = tpu.vector_load_idx %arg5[%add3A_684] : memref<512xf32, #tpu.memory_space<vmem>>[vector<16xi32>], vector<16xf32>,
        %add3A_686 = arith.constant 288 : i32
        %add3A_687 = vector.broadcast %add3A_686 : i32 to vector<16xi32>
        %add3A_688 = arith.addi %get3A_649, %add3A_687 : vector<16xi32>
        %gather3A_689 = tpu.vector_load_idx %arg5[%add3A_688] : memref<512xf32, #tpu.memory_space<vmem>>[vector<16xi32>], vector<16xf32>,
        %add3A_690 = arith.constant 320 : i32
        %add3A_691 = vector.broadcast %add3A_690 : i32 to vector<16xi32>
        %add3A_692 = arith.addi %get3A_649, %add3A_691 : vector<16xi32>
        %gather3A_693 = tpu.vector_load_idx %arg5[%add3A_692] : memref<512xf32, #tpu.memory_space<vmem>>[vector<16xi32>], vector<16xf32>,
        %add3A_694 = arith.constant 352 : i32
        %add3A_695 = vector.broadcast %add3A_694 : i32 to vector<16xi32>
        %add3A_696 = arith.addi %get3A_649, %add3A_695 : vector<16xi32>
        %gather3A_697 = tpu.vector_load_idx %arg5[%add3A_696] : memref<512xf32, #tpu.memory_space<vmem>>[vector<16xi32>], vector<16xf32>,
        %add3A_698 = arith.constant 384 : i32
        %add3A_699 = vector.broadcast %add3A_698 : i32 to vector<16xi32>
        %add3A_700 = arith.addi %get3A_649, %add3A_699 : vector<16xi32>
        %gather3A_701 = tpu.vector_load_idx %arg5[%add3A_700] : memref<512xf32, #tpu.memory_space<vmem>>[vector<16xi32>], vector<16xf32>,
        %add3A_702 = arith.constant 416 : i32
        %add3A_703 = vector.broadcast %add3A_702 : i32 to vector<16xi32>
        %add3A_704 = arith.addi %get3A_649, %add3A_703 : vector<16xi32>
        %gather3A_705 = tpu.vector_load_idx %arg5[%add3A_704] : memref<512xf32, #tpu.memory_space<vmem>>[vector<16xi32>], vector<16xf32>,
        %add3A_706 = arith.constant 448 : i32
        %add3A_707 = vector.broadcast %add3A_706 : i32 to vector<16xi32>
        %add3A_708 = arith.addi %get3A_649, %add3A_707 : vector<16xi32>
        %gather3A_709 = tpu.vector_load_idx %arg5[%add3A_708] : memref<512xf32, #tpu.memory_space<vmem>>[vector<16xi32>], vector<16xf32>,
        %add3A_710 = arith.constant 480 : i32
        %add3A_711 = vector.broadcast %add3A_710 : i32 to vector<16xi32>
        %add3A_712 = arith.addi %get3A_649, %add3A_711 : vector<16xi32>
        %gather3A_713 = tpu.vector_load_idx %arg5[%add3A_712] : memref<512xf32, #tpu.memory_space<vmem>>[vector<16xi32>], vector<16xf32>,
        %swap3A_714 = arith.constant 0 : i32
        %swap3A_715 = arith.index_cast %scan3A_196 : i32 to index
        %swap3A_716 = arith.index_cast %swap3A_714 : i32 to index
        %swap3A_717 = arith.constant 48 : index
        %swap3A_718 = tpu.vector_load %arg8[%swap3A_715, %swap3A_716, %swap3A_717] {strides = array<i32>} : memref<8x8x128xf32, #tpu.memory_space<vmem>>, vector<16xf32>,
        tpu.vector_store %arg8[%swap3A_715, %swap3A_716, %swap3A_717], %gather3A_653 {strides = array<i32>} : memref<8x8x128xf32, #tpu.memory_space<vmem>>, vector<16xf32>,
        %swap3A_719 = arith.constant 1 : i32
        %swap3A_720 = arith.index_cast %scan3A_196 : i32 to index
        %swap3A_721 = arith.index_cast %swap3A_719 : i32 to index
        %swap3A_722 = arith.constant 48 : index
        %swap3A_723 = tpu.vector_load %arg8[%swap3A_720, %swap3A_721, %swap3A_722] {strides = array<i32>} : memref<8x8x128xf32, #tpu.memory_space<vmem>>, vector<16xf32>,
        tpu.vector_store %arg8[%swap3A_720, %swap3A_721, %swap3A_722], %gather3A_657 {strides = array<i32>} : memref<8x8x128xf32, #tpu.memory_space<vmem>>, vector<16xf32>,
        %swap3A_724 = arith.constant 2 : i32
        %swap3A_725 = arith.index_cast %scan3A_196 : i32 to index
        %swap3A_726 = arith.index_cast %swap3A_724 : i32 to index
        %swap3A_727 = arith.constant 48 : index
        %swap3A_728 = tpu.vector_load %arg8[%swap3A_725, %swap3A_726, %swap3A_727] {strides = array<i32>} : memref<8x8x128xf32, #tpu.memory_space<vmem>>, vector<16xf32>,
        tpu.vector_store %arg8[%swap3A_725, %swap3A_726, %swap3A_727], %gather3A_661 {strides = array<i32>} : memref<8x8x128xf32, #tpu.memory_space<vmem>>, vector<16xf32>,
        %swap3A_729 = arith.constant 3 : i32
        %swap3A_730 = arith.index_cast %scan3A_196 : i32 to index
        %swap3A_731 = arith.index_cast %swap3A_729 : i32 to index
        %swap3A_732 = arith.constant 48 : index
        %swap3A_733 = tpu.vector_load %arg8[%swap3A_730, %swap3A_731, %swap3A_732] {strides = array<i32>} : memref<8x8x128xf32, #tpu.memory_space<vmem>>, vector<16xf32>,
        tpu.vector_store %arg8[%swap3A_730, %swap3A_731, %swap3A_732], %gather3A_665 {strides = array<i32>} : memref<8x8x128xf32, #tpu.memory_space<vmem>>, vector<16xf32>,
        %swap3A_734 = arith.constant 4 : i32
        %swap3A_735 = arith.index_cast %scan3A_196 : i32 to index
        %swap3A_736 = arith.index_cast %swap3A_734 : i32 to index
        %swap3A_737 = arith.constant 48 : index
        %swap3A_738 = tpu.vector_load %arg8[%swap3A_735, %swap3A_736, %swap3A_737] {strides = array<i32>} : memref<8x8x128xf32, #tpu.memory_space<vmem>>, vector<16xf32>,
        tpu.vector_store %arg8[%swap3A_735, %swap3A_736, %swap3A_737], %gather3A_669 {strides = array<i32>} : memref<8x8x128xf32, #tpu.memory_space<vmem>>, vector<16xf32>,
        %swap3A_739 = arith.constant 5 : i32
        %swap3A_740 = arith.index_cast %scan3A_196 : i32 to index
        %swap3A_741 = arith.index_cast %swap3A_739 : i32 to index
        %swap3A_742 = arith.constant 48 : index
        %swap3A_743 = tpu.vector_load %arg8[%swap3A_740, %swap3A_741, %swap3A_742] {strides = array<i32>} : memref<8x8x128xf32, #tpu.memory_space<vmem>>, vector<16xf32>,
        tpu.vector_store %arg8[%swap3A_740, %swap3A_741, %swap3A_742], %gather3A_673 {strides = array<i32>} : memref<8x8x128xf32, #tpu.memory_space<vmem>>, vector<16xf32>,
        %swap3A_744 = arith.constant 6 : i32
        %swap3A_745 = arith.index_cast %scan3A_196 : i32 to index
        %swap3A_746 = arith.index_cast %swap3A_744 : i32 to index
        %swap3A_747 = arith.constant 48 : index
        %swap3A_748 = tpu.vector_load %arg8[%swap3A_745, %swap3A_746, %swap3A_747] {strides = array<i32>} : memref<8x8x128xf32, #tpu.memory_space<vmem>>, vector<16xf32>,
        tpu.vector_store %arg8[%swap3A_745, %swap3A_746, %swap3A_747], %gather3A_677 {strides = array<i32>} : memref<8x8x128xf32, #tpu.memory_space<vmem>>, vector<16xf32>,
        %swap3A_749 = arith.constant 7 : i32
        %swap3A_750 = arith.index_cast %scan3A_196 : i32 to index
        %swap3A_751 = arith.index_cast %swap3A_749 : i32 to index
        %swap3A_752 = arith.constant 48 : index
        %swap3A_753 = tpu.vector_load %arg8[%swap3A_750, %swap3A_751, %swap3A_752] {strides = array<i32>} : memref<8x8x128xf32, #tpu.memory_space<vmem>>, vector<16xf32>,
        tpu.vector_store %arg8[%swap3A_750, %swap3A_751, %swap3A_752], %gather3A_681 {strides = array<i32>} : memref<8x8x128xf32, #tpu.memory_space<vmem>>, vector<16xf32>,
        %swap3A_754 = arith.constant 0 : i32
        %swap3A_755 = arith.index_cast %scan3A_196 : i32 to index
        %swap3A_756 = arith.index_cast %swap3A_754 : i32 to index
        %swap3A_757 = arith.constant 48 : index
        %swap3A_758 = tpu.vector_load %arg10[%swap3A_755, %swap3A_756, %swap3A_757] {strides = array<i32>} : memref<8x8x128xf32, #tpu.memory_space<vmem>>, vector<16xf32>,
        tpu.vector_store %arg10[%swap3A_755, %swap3A_756, %swap3A_757], %gather3A_685 {strides = array<i32>} : memref<8x8x128xf32, #tpu.memory_space<vmem>>, vector<16xf32>,
        %swap3A_759 = arith.constant 1 : i32
        %swap3A_760 = arith.index_cast %scan3A_196 : i32 to index
        %swap3A_761 = arith.index_cast %swap3A_759 : i32 to index
        %swap3A_762 = arith.constant 48 : index
        %swap3A_763 = tpu.vector_load %arg10[%swap3A_760, %swap3A_761, %swap3A_762] {strides = array<i32>} : memref<8x8x128xf32, #tpu.memory_space<vmem>>, vector<16xf32>,
        tpu.vector_store %arg10[%swap3A_760, %swap3A_761, %swap3A_762], %gather3A_689 {strides = array<i32>} : memref<8x8x128xf32, #tpu.memory_space<vmem>>, vector<16xf32>,
        %swap3A_764 = arith.constant 2 : i32
        %swap3A_765 = arith.index_cast %scan3A_196 : i32 to index
        %swap3A_766 = arith.index_cast %swap3A_764 : i32 to index
        %swap3A_767 = arith.constant 48 : index
        %swap3A_768 = tpu.vector_load %arg10[%swap3A_765, %swap3A_766, %swap3A_767] {strides = array<i32>} : memref<8x8x128xf32, #tpu.memory_space<vmem>>, vector<16xf32>,
        tpu.vector_store %arg10[%swap3A_765, %swap3A_766, %swap3A_767], %gather3A_693 {strides = array<i32>} : memref<8x8x128xf32, #tpu.memory_space<vmem>>, vector<16xf32>,
        %swap3A_769 = arith.constant 3 : i32
        %swap3A_770 = arith.index_cast %scan3A_196 : i32 to index
        %swap3A_771 = arith.index_cast %swap3A_769 : i32 to index
        %swap3A_772 = arith.constant 48 : index
        %swap3A_773 = tpu.vector_load %arg10[%swap3A_770, %swap3A_771, %swap3A_772] {strides = array<i32>} : memref<8x8x128xf32, #tpu.memory_space<vmem>>, vector<16xf32>,
        tpu.vector_store %arg10[%swap3A_770, %swap3A_771, %swap3A_772], %gather3A_697 {strides = array<i32>} : memref<8x8x128xf32, #tpu.memory_space<vmem>>, vector<16xf32>,
        %swap3A_774 = arith.constant 4 : i32
        %swap3A_775 = arith.index_cast %scan3A_196 : i32 to index
        %swap3A_776 = arith.index_cast %swap3A_774 : i32 to index
        %swap3A_777 = arith.constant 48 : index
        %swap3A_778 = tpu.vector_load %arg10[%swap3A_775, %swap3A_776, %swap3A_777] {strides = array<i32>} : memref<8x8x128xf32, #tpu.memory_space<vmem>>, vector<16xf32>,
        tpu.vector_store %arg10[%swap3A_775, %swap3A_776, %swap3A_777], %gather3A_701 {strides = array<i32>} : memref<8x8x128xf32, #tpu.memory_space<vmem>>, vector<16xf32>,
        %swap3A_779 = arith.constant 5 : i32
        %swap3A_780 = arith.index_cast %scan3A_196 : i32 to index
        %swap3A_781 = arith.index_cast %swap3A_779 : i32 to index
        %swap3A_782 = arith.constant 48 : index
        %swap3A_783 = tpu.vector_load %arg10[%swap3A_780, %swap3A_781, %swap3A_782] {strides = array<i32>} : memref<8x8x128xf32, #tpu.memory_space<vmem>>, vector<16xf32>,
        tpu.vector_store %arg10[%swap3A_780, %swap3A_781, %swap3A_782], %gather3A_705 {strides = array<i32>} : memref<8x8x128xf32, #tpu.memory_space<vmem>>, vector<16xf32>,
        %swap3A_784 = arith.constant 6 : i32
        %swap3A_785 = arith.index_cast %scan3A_196 : i32 to index
        %swap3A_786 = arith.index_cast %swap3A_784 : i32 to index
        %swap3A_787 = arith.constant 48 : index
        %swap3A_788 = tpu.vector_load %arg10[%swap3A_785, %swap3A_786, %swap3A_787] {strides = array<i32>} : memref<8x8x128xf32, #tpu.memory_space<vmem>>, vector<16xf32>,
        tpu.vector_store %arg10[%swap3A_785, %swap3A_786, %swap3A_787], %gather3A_709 {strides = array<i32>} : memref<8x8x128xf32, #tpu.memory_space<vmem>>, vector<16xf32>,
        %swap3A_789 = arith.constant 7 : i32
        %swap3A_790 = arith.index_cast %scan3A_196 : i32 to index
        %swap3A_791 = arith.index_cast %swap3A_789 : i32 to index
        %swap3A_792 = arith.constant 48 : index
        %swap3A_793 = tpu.vector_load %arg10[%swap3A_790, %swap3A_791, %swap3A_792] {strides = array<i32>} : memref<8x8x128xf32, #tpu.memory_space<vmem>>, vector<16xf32>,
        tpu.vector_store %arg10[%swap3A_790, %swap3A_791, %swap3A_792], %gather3A_713 {strides = array<i32>} : memref<8x8x128xf32, #tpu.memory_space<vmem>>, vector<16xf32>,
        %mul3A_794 = arith.constant 128 : i32
        %mul3A_795 = arith.muli %scan3A_196, %mul3A_794 : i32
        %add3A_796 = arith.constant 64 : i32
        %add3A_797 = arith.addi %mul3A_795, %add3A_796 : i32
        %get3A_798 = arith.index_cast %add3A_797 : i32 to index
        %get3A_799 = tpu.vector_load %arg6[%get3A_798] {strides = array<i32>} : memref<1024xi32, #tpu.memory_space<vmem>>, vector<16xi32>,
        %add3A_800 = arith.constant 0 : i32
        %add3A_801 = vector.broadcast %add3A_800 : i32 to vector<16xi32>
        %add3A_802 = arith.addi %get3A_799, %add3A_801 : vector<16xi32>
        %gather3A_803 = tpu.vector_load_idx %arg5[%add3A_802] : memref<512xf32, #tpu.memory_space<vmem>>[vector<16xi32>], vector<16xf32>,
        %add3A_804 = arith.constant 32 : i32
        %add3A_805 = vector.broadcast %add3A_804 : i32 to vector<16xi32>
        %add3A_806 = arith.addi %get3A_799, %add3A_805 : vector<16xi32>
        %gather3A_807 = tpu.vector_load_idx %arg5[%add3A_806] : memref<512xf32, #tpu.memory_space<vmem>>[vector<16xi32>], vector<16xf32>,
        %add3A_808 = arith.constant 64 : i32
        %add3A_809 = vector.broadcast %add3A_808 : i32 to vector<16xi32>
        %add3A_810 = arith.addi %get3A_799, %add3A_809 : vector<16xi32>
        %gather3A_811 = tpu.vector_load_idx %arg5[%add3A_810] : memref<512xf32, #tpu.memory_space<vmem>>[vector<16xi32>], vector<16xf32>,
        %add3A_812 = arith.constant 96 : i32
        %add3A_813 = vector.broadcast %add3A_812 : i32 to vector<16xi32>
        %add3A_814 = arith.addi %get3A_799, %add3A_813 : vector<16xi32>
        %gather3A_815 = tpu.vector_load_idx %arg5[%add3A_814] : memref<512xf32, #tpu.memory_space<vmem>>[vector<16xi32>], vector<16xf32>,
        %add3A_816 = arith.constant 128 : i32
        %add3A_817 = vector.broadcast %add3A_816 : i32 to vector<16xi32>
        %add3A_818 = arith.addi %get3A_799, %add3A_817 : vector<16xi32>
        %gather3A_819 = tpu.vector_load_idx %arg5[%add3A_818] : memref<512xf32, #tpu.memory_space<vmem>>[vector<16xi32>], vector<16xf32>,
        %add3A_820 = arith.constant 160 : i32
        %add3A_821 = vector.broadcast %add3A_820 : i32 to vector<16xi32>
        %add3A_822 = arith.addi %get3A_799, %add3A_821 : vector<16xi32>
        %gather3A_823 = tpu.vector_load_idx %arg5[%add3A_822] : memref<512xf32, #tpu.memory_space<vmem>>[vector<16xi32>], vector<16xf32>,
        %add3A_824 = arith.constant 192 : i32
        %add3A_825 = vector.broadcast %add3A_824 : i32 to vector<16xi32>
        %add3A_826 = arith.addi %get3A_799, %add3A_825 : vector<16xi32>
        %gather3A_827 = tpu.vector_load_idx %arg5[%add3A_826] : memref<512xf32, #tpu.memory_space<vmem>>[vector<16xi32>], vector<16xf32>,
        %add3A_828 = arith.constant 224 : i32
        %add3A_829 = vector.broadcast %add3A_828 : i32 to vector<16xi32>
        %add3A_830 = arith.addi %get3A_799, %add3A_829 : vector<16xi32>
        %gather3A_831 = tpu.vector_load_idx %arg5[%add3A_830] : memref<512xf32, #tpu.memory_space<vmem>>[vector<16xi32>], vector<16xf32>,
        %add3A_832 = arith.constant 256 : i32
        %add3A_833 = vector.broadcast %add3A_832 : i32 to vector<16xi32>
        %add3A_834 = arith.addi %get3A_799, %add3A_833 : vector<16xi32>
        %gather3A_835 = tpu.vector_load_idx %arg5[%add3A_834] : memref<512xf32, #tpu.memory_space<vmem>>[vector<16xi32>], vector<16xf32>,
        %add3A_836 = arith.constant 288 : i32
        %add3A_837 = vector.broadcast %add3A_836 : i32 to vector<16xi32>
        %add3A_838 = arith.addi %get3A_799, %add3A_837 : vector<16xi32>
        %gather3A_839 = tpu.vector_load_idx %arg5[%add3A_838] : memref<512xf32, #tpu.memory_space<vmem>>[vector<16xi32>], vector<16xf32>,
        %add3A_840 = arith.constant 320 : i32
        %add3A_841 = vector.broadcast %add3A_840 : i32 to vector<16xi32>
        %add3A_842 = arith.addi %get3A_799, %add3A_841 : vector<16xi32>
        %gather3A_843 = tpu.vector_load_idx %arg5[%add3A_842] : memref<512xf32, #tpu.memory_space<vmem>>[vector<16xi32>], vector<16xf32>,
        %add3A_844 = arith.constant 352 : i32
        %add3A_845 = vector.broadcast %add3A_844 : i32 to vector<16xi32>
        %add3A_846 = arith.addi %get3A_799, %add3A_845 : vector<16xi32>
        %gather3A_847 = tpu.vector_load_idx %arg5[%add3A_846] : memref<512xf32, #tpu.memory_space<vmem>>[vector<16xi32>], vector<16xf32>,
        %add3A_848 = arith.constant 384 : i32
        %add3A_849 = vector.broadcast %add3A_848 : i32 to vector<16xi32>
        %add3A_850 = arith.addi %get3A_799, %add3A_849 : vector<16xi32>
        %gather3A_851 = tpu.vector_load_idx %arg5[%add3A_850] : memref<512xf32, #tpu.memory_space<vmem>>[vector<16xi32>], vector<16xf32>,
        %add3A_852 = arith.constant 416 : i32
        %add3A_853 = vector.broadcast %add3A_852 : i32 to vector<16xi32>
        %add3A_854 = arith.addi %get3A_799, %add3A_853 : vector<16xi32>
        %gather3A_855 = tpu.vector_load_idx %arg5[%add3A_854] : memref<512xf32, #tpu.memory_space<vmem>>[vector<16xi32>], vector<16xf32>,
        %add3A_856 = arith.constant 448 : i32
        %add3A_857 = vector.broadcast %add3A_856 : i32 to vector<16xi32>
        %add3A_858 = arith.addi %get3A_799, %add3A_857 : vector<16xi32>
        %gather3A_859 = tpu.vector_load_idx %arg5[%add3A_858] : memref<512xf32, #tpu.memory_space<vmem>>[vector<16xi32>], vector<16xf32>,
        %add3A_860 = arith.constant 480 : i32
        %add3A_861 = vector.broadcast %add3A_860 : i32 to vector<16xi32>
        %add3A_862 = arith.addi %get3A_799, %add3A_861 : vector<16xi32>
        %gather3A_863 = tpu.vector_load_idx %arg5[%add3A_862] : memref<512xf32, #tpu.memory_space<vmem>>[vector<16xi32>], vector<16xf32>,
        %swap3A_864 = arith.constant 0 : i32
        %swap3A_865 = arith.index_cast %scan3A_196 : i32 to index
        %swap3A_866 = arith.index_cast %swap3A_864 : i32 to index
        %swap3A_867 = arith.constant 64 : index
        %swap3A_868 = tpu.vector_load %arg8[%swap3A_865, %swap3A_866, %swap3A_867] {strides = array<i32>} : memref<8x8x128xf32, #tpu.memory_space<vmem>>, vector<16xf32>,
        tpu.vector_store %arg8[%swap3A_865, %swap3A_866, %swap3A_867], %gather3A_803 {strides = array<i32>} : memref<8x8x128xf32, #tpu.memory_space<vmem>>, vector<16xf32>,
        %swap3A_869 = arith.constant 1 : i32
        %swap3A_870 = arith.index_cast %scan3A_196 : i32 to index
        %swap3A_871 = arith.index_cast %swap3A_869 : i32 to index
        %swap3A_872 = arith.constant 64 : index
        %swap3A_873 = tpu.vector_load %arg8[%swap3A_870, %swap3A_871, %swap3A_872] {strides = array<i32>} : memref<8x8x128xf32, #tpu.memory_space<vmem>>, vector<16xf32>,
        tpu.vector_store %arg8[%swap3A_870, %swap3A_871, %swap3A_872], %gather3A_807 {strides = array<i32>} : memref<8x8x128xf32, #tpu.memory_space<vmem>>, vector<16xf32>,
        %swap3A_874 = arith.constant 2 : i32
        %swap3A_875 = arith.index_cast %scan3A_196 : i32 to index
        %swap3A_876 = arith.index_cast %swap3A_874 : i32 to index
        %swap3A_877 = arith.constant 64 : index
        %swap3A_878 = tpu.vector_load %arg8[%swap3A_875, %swap3A_876, %swap3A_877] {strides = array<i32>} : memref<8x8x128xf32, #tpu.memory_space<vmem>>, vector<16xf32>,
        tpu.vector_store %arg8[%swap3A_875, %swap3A_876, %swap3A_877], %gather3A_811 {strides = array<i32>} : memref<8x8x128xf32, #tpu.memory_space<vmem>>, vector<16xf32>,
        %swap3A_879 = arith.constant 3 : i32
        %swap3A_880 = arith.index_cast %scan3A_196 : i32 to index
        %swap3A_881 = arith.index_cast %swap3A_879 : i32 to index
        %swap3A_882 = arith.constant 64 : index
        %swap3A_883 = tpu.vector_load %arg8[%swap3A_880, %swap3A_881, %swap3A_882] {strides = array<i32>} : memref<8x8x128xf32, #tpu.memory_space<vmem>>, vector<16xf32>,
        tpu.vector_store %arg8[%swap3A_880, %swap3A_881, %swap3A_882], %gather3A_815 {strides = array<i32>} : memref<8x8x128xf32, #tpu.memory_space<vmem>>, vector<16xf32>,
        %swap3A_884 = arith.constant 4 : i32
        %swap3A_885 = arith.index_cast %scan3A_196 : i32 to index
        %swap3A_886 = arith.index_cast %swap3A_884 : i32 to index
        %swap3A_887 = arith.constant 64 : index
        %swap3A_888 = tpu.vector_load %arg8[%swap3A_885, %swap3A_886, %swap3A_887] {strides = array<i32>} : memref<8x8x128xf32, #tpu.memory_space<vmem>>, vector<16xf32>,
        tpu.vector_store %arg8[%swap3A_885, %swap3A_886, %swap3A_887], %gather3A_819 {strides = array<i32>} : memref<8x8x128xf32, #tpu.memory_space<vmem>>, vector<16xf32>,
        %swap3A_889 = arith.constant 5 : i32
        %swap3A_890 = arith.index_cast %scan3A_196 : i32 to index
        %swap3A_891 = arith.index_cast %swap3A_889 : i32 to index
        %swap3A_892 = arith.constant 64 : index
        %swap3A_893 = tpu.vector_load %arg8[%swap3A_890, %swap3A_891, %swap3A_892] {strides = array<i32>} : memref<8x8x128xf32, #tpu.memory_space<vmem>>, vector<16xf32>,
        tpu.vector_store %arg8[%swap3A_890, %swap3A_891, %swap3A_892], %gather3A_823 {strides = array<i32>} : memref<8x8x128xf32, #tpu.memory_space<vmem>>, vector<16xf32>,
        %swap3A_894 = arith.constant 6 : i32
        %swap3A_895 = arith.index_cast %scan3A_196 : i32 to index
        %swap3A_896 = arith.index_cast %swap3A_894 : i32 to index
        %swap3A_897 = arith.constant 64 : index
        %swap3A_898 = tpu.vector_load %arg8[%swap3A_895, %swap3A_896, %swap3A_897] {strides = array<i32>} : memref<8x8x128xf32, #tpu.memory_space<vmem>>, vector<16xf32>,
        tpu.vector_store %arg8[%swap3A_895, %swap3A_896, %swap3A_897], %gather3A_827 {strides = array<i32>} : memref<8x8x128xf32, #tpu.memory_space<vmem>>, vector<16xf32>,
        %swap3A_899 = arith.constant 7 : i32
        %swap3A_900 = arith.index_cast %scan3A_196 : i32 to index
        %swap3A_901 = arith.index_cast %swap3A_899 : i32 to index
        %swap3A_902 = arith.constant 64 : index
        %swap3A_903 = tpu.vector_load %arg8[%swap3A_900, %swap3A_901, %swap3A_902] {strides = array<i32>} : memref<8x8x128xf32, #tpu.memory_space<vmem>>, vector<16xf32>,
        tpu.vector_store %arg8[%swap3A_900, %swap3A_901, %swap3A_902], %gather3A_831 {strides = array<i32>} : memref<8x8x128xf32, #tpu.memory_space<vmem>>, vector<16xf32>,
        %swap3A_904 = arith.constant 0 : i32
        %swap3A_905 = arith.index_cast %scan3A_196 : i32 to index
        %swap3A_906 = arith.index_cast %swap3A_904 : i32 to index
        %swap3A_907 = arith.constant 64 : index
        %swap3A_908 = tpu.vector_load %arg10[%swap3A_905, %swap3A_906, %swap3A_907] {strides = array<i32>} : memref<8x8x128xf32, #tpu.memory_space<vmem>>, vector<16xf32>,
        tpu.vector_store %arg10[%swap3A_905, %swap3A_906, %swap3A_907], %gather3A_835 {strides = array<i32>} : memref<8x8x128xf32, #tpu.memory_space<vmem>>, vector<16xf32>,
        %swap3A_909 = arith.constant 1 : i32
        %swap3A_910 = arith.index_cast %scan3A_196 : i32 to index
        %swap3A_911 = arith.index_cast %swap3A_909 : i32 to index
        %swap3A_912 = arith.constant 64 : index
        %swap3A_913 = tpu.vector_load %arg10[%swap3A_910, %swap3A_911, %swap3A_912] {strides = array<i32>} : memref<8x8x128xf32, #tpu.memory_space<vmem>>, vector<16xf32>,
        tpu.vector_store %arg10[%swap3A_910, %swap3A_911, %swap3A_912], %gather3A_839 {strides = array<i32>} : memref<8x8x128xf32, #tpu.memory_space<vmem>>, vector<16xf32>,
        %swap3A_914 = arith.constant 2 : i32
        %swap3A_915 = arith.index_cast %scan3A_196 : i32 to index
        %swap3A_916 = arith.index_cast %swap3A_914 : i32 to index
        %swap3A_917 = arith.constant 64 : index
        %swap3A_918 = tpu.vector_load %arg10[%swap3A_915, %swap3A_916, %swap3A_917] {strides = array<i32>} : memref<8x8x128xf32, #tpu.memory_space<vmem>>, vector<16xf32>,
        tpu.vector_store %arg10[%swap3A_915, %swap3A_916, %swap3A_917], %gather3A_843 {strides = array<i32>} : memref<8x8x128xf32, #tpu.memory_space<vmem>>, vector<16xf32>,
        %swap3A_919 = arith.constant 3 : i32
        %swap3A_920 = arith.index_cast %scan3A_196 : i32 to index
        %swap3A_921 = arith.index_cast %swap3A_919 : i32 to index
        %swap3A_922 = arith.constant 64 : index
        %swap3A_923 = tpu.vector_load %arg10[%swap3A_920, %swap3A_921, %swap3A_922] {strides = array<i32>} : memref<8x8x128xf32, #tpu.memory_space<vmem>>, vector<16xf32>,
        tpu.vector_store %arg10[%swap3A_920, %swap3A_921, %swap3A_922], %gather3A_847 {strides = array<i32>} : memref<8x8x128xf32, #tpu.memory_space<vmem>>, vector<16xf32>,
        %swap3A_924 = arith.constant 4 : i32
        %swap3A_925 = arith.index_cast %scan3A_196 : i32 to index
        %swap3A_926 = arith.index_cast %swap3A_924 : i32 to index
        %swap3A_927 = arith.constant 64 : index
        %swap3A_928 = tpu.vector_load %arg10[%swap3A_925, %swap3A_926, %swap3A_927] {strides = array<i32>} : memref<8x8x128xf32, #tpu.memory_space<vmem>>, vector<16xf32>,
        tpu.vector_store %arg10[%swap3A_925, %swap3A_926, %swap3A_927], %gather3A_851 {strides = array<i32>} : memref<8x8x128xf32, #tpu.memory_space<vmem>>, vector<16xf32>,
        %swap3A_929 = arith.constant 5 : i32
        %swap3A_930 = arith.index_cast %scan3A_196 : i32 to index
        %swap3A_931 = arith.index_cast %swap3A_929 : i32 to index
        %swap3A_932 = arith.constant 64 : index
        %swap3A_933 = tpu.vector_load %arg10[%swap3A_930, %swap3A_931, %swap3A_932] {strides = array<i32>} : memref<8x8x128xf32, #tpu.memory_space<vmem>>, vector<16xf32>,
        tpu.vector_store %arg10[%swap3A_930, %swap3A_931, %swap3A_932], %gather3A_855 {strides = array<i32>} : memref<8x8x128xf32, #tpu.memory_space<vmem>>, vector<16xf32>,
        %swap3A_934 = arith.constant 6 : i32
        %swap3A_935 = arith.index_cast %scan3A_196 : i32 to index
        %swap3A_936 = arith.index_cast %swap3A_934 : i32 to index
        %swap3A_937 = arith.constant 64 : index
        %swap3A_938 = tpu.vector_load %arg10[%swap3A_935, %swap3A_936, %swap3A_937] {strides = array<i32>} : memref<8x8x128xf32, #tpu.memory_space<vmem>>, vector<16xf32>,
        tpu.vector_store %arg10[%swap3A_935, %swap3A_936, %swap3A_937], %gather3A_859 {strides = array<i32>} : memref<8x8x128xf32, #tpu.memory_space<vmem>>, vector<16xf32>,
        %swap3A_939 = arith.constant 7 : i32
        %swap3A_940 = arith.index_cast %scan3A_196 : i32 to index
        %swap3A_941 = arith.index_cast %swap3A_939 : i32 to index
        %swap3A_942 = arith.constant 64 : index
        %swap3A_943 = tpu.vector_load %arg10[%swap3A_940, %swap3A_941, %swap3A_942] {strides = array<i32>} : memref<8x8x128xf32, #tpu.memory_space<vmem>>, vector<16xf32>,
        tpu.vector_store %arg10[%swap3A_940, %swap3A_941, %swap3A_942], %gather3A_863 {strides = array<i32>} : memref<8x8x128xf32, #tpu.memory_space<vmem>>, vector<16xf32>,
        %mul3A_944 = arith.constant 128 : i32
        %mul3A_945 = arith.muli %scan3A_196, %mul3A_944 : i32
        %add3A_946 = arith.constant 80 : i32
        %add3A_947 = arith.addi %mul3A_945, %add3A_946 : i32
        %get3A_948 = arith.index_cast %add3A_947 : i32 to index
        %get3A_949 = tpu.vector_load %arg6[%get3A_948] {strides = array<i32>} : memref<1024xi32, #tpu.memory_space<vmem>>, vector<16xi32>,
        %add3A_950 = arith.constant 0 : i32
        %add3A_951 = vector.broadcast %add3A_950 : i32 to vector<16xi32>
        %add3A_952 = arith.addi %get3A_949, %add3A_951 : vector<16xi32>
        %gather3A_953 = tpu.vector_load_idx %arg5[%add3A_952] : memref<512xf32, #tpu.memory_space<vmem>>[vector<16xi32>], vector<16xf32>,
        %add3A_954 = arith.constant 32 : i32
        %add3A_955 = vector.broadcast %add3A_954 : i32 to vector<16xi32>
        %add3A_956 = arith.addi %get3A_949, %add3A_955 : vector<16xi32>
        %gather3A_957 = tpu.vector_load_idx %arg5[%add3A_956] : memref<512xf32, #tpu.memory_space<vmem>>[vector<16xi32>], vector<16xf32>,
        %add3A_958 = arith.constant 64 : i32
        %add3A_959 = vector.broadcast %add3A_958 : i32 to vector<16xi32>
        %add3A_960 = arith.addi %get3A_949, %add3A_959 : vector<16xi32>
        %gather3A_961 = tpu.vector_load_idx %arg5[%add3A_960] : memref<512xf32, #tpu.memory_space<vmem>>[vector<16xi32>], vector<16xf32>,
        %add3A_962 = arith.constant 96 : i32
        %add3A_963 = vector.broadcast %add3A_962 : i32 to vector<16xi32>
        %add3A_964 = arith.addi %get3A_949, %add3A_963 : vector<16xi32>
        %gather3A_965 = tpu.vector_load_idx %arg5[%add3A_964] : memref<512xf32, #tpu.memory_space<vmem>>[vector<16xi32>], vector<16xf32>,
        %add3A_966 = arith.constant 128 : i32
        %add3A_967 = vector.broadcast %add3A_966 : i32 to vector<16xi32>
        %add3A_968 = arith.addi %get3A_949, %add3A_967 : vector<16xi32>
        %gather3A_969 = tpu.vector_load_idx %arg5[%add3A_968] : memref<512xf32, #tpu.memory_space<vmem>>[vector<16xi32>], vector<16xf32>,
        %add3A_970 = arith.constant 160 : i32
        %add3A_971 = vector.broadcast %add3A_970 : i32 to vector<16xi32>
        %add3A_972 = arith.addi %get3A_949, %add3A_971 : vector<16xi32>
        %gather3A_973 = tpu.vector_load_idx %arg5[%add3A_972] : memref<512xf32, #tpu.memory_space<vmem>>[vector<16xi32>], vector<16xf32>,
        %add3A_974 = arith.constant 192 : i32
        %add3A_975 = vector.broadcast %add3A_974 : i32 to vector<16xi32>
        %add3A_976 = arith.addi %get3A_949, %add3A_975 : vector<16xi32>
        %gather3A_977 = tpu.vector_load_idx %arg5[%add3A_976] : memref<512xf32, #tpu.memory_space<vmem>>[vector<16xi32>], vector<16xf32>,
        %add3A_978 = arith.constant 224 : i32
        %add3A_979 = vector.broadcast %add3A_978 : i32 to vector<16xi32>
        %add3A_980 = arith.addi %get3A_949, %add3A_979 : vector<16xi32>
        %gather3A_981 = tpu.vector_load_idx %arg5[%add3A_980] : memref<512xf32, #tpu.memory_space<vmem>>[vector<16xi32>], vector<16xf32>,
        %add3A_982 = arith.constant 256 : i32
        %add3A_983 = vector.broadcast %add3A_982 : i32 to vector<16xi32>
        %add3A_984 = arith.addi %get3A_949, %add3A_983 : vector<16xi32>
        %gather3A_985 = tpu.vector_load_idx %arg5[%add3A_984] : memref<512xf32, #tpu.memory_space<vmem>>[vector<16xi32>], vector<16xf32>,
        %add3A_986 = arith.constant 288 : i32
        %add3A_987 = vector.broadcast %add3A_986 : i32 to vector<16xi32>
        %add3A_988 = arith.addi %get3A_949, %add3A_987 : vector<16xi32>
        %gather3A_989 = tpu.vector_load_idx %arg5[%add3A_988] : memref<512xf32, #tpu.memory_space<vmem>>[vector<16xi32>], vector<16xf32>,
        %add3A_990 = arith.constant 320 : i32
        %add3A_991 = vector.broadcast %add3A_990 : i32 to vector<16xi32>
        %add3A_992 = arith.addi %get3A_949, %add3A_991 : vector<16xi32>
        %gather3A_993 = tpu.vector_load_idx %arg5[%add3A_992] : memref<512xf32, #tpu.memory_space<vmem>>[vector<16xi32>], vector<16xf32>,
        %add3A_994 = arith.constant 352 : i32
        %add3A_995 = vector.broadcast %add3A_994 : i32 to vector<16xi32>
        %add3A_996 = arith.addi %get3A_949, %add3A_995 : vector<16xi32>
        %gather3A_997 = tpu.vector_load_idx %arg5[%add3A_996] : memref<512xf32, #tpu.memory_space<vmem>>[vector<16xi32>], vector<16xf32>,
        %add3A_998 = arith.constant 384 : i32
        %add3A_999 = vector.broadcast %add3A_998 : i32 to vector<16xi32>
        %add3A_1000 = arith.addi %get3A_949, %add3A_999 : vector<16xi32>
        %gather3A_1001 = tpu.vector_load_idx %arg5[%add3A_1000] : memref<512xf32, #tpu.memory_space<vmem>>[vector<16xi32>], vector<16xf32>,
        %add3A_1002 = arith.constant 416 : i32
        %add3A_1003 = vector.broadcast %add3A_1002 : i32 to vector<16xi32>
        %add3A_1004 = arith.addi %get3A_949, %add3A_1003 : vector<16xi32>
        %gather3A_1005 = tpu.vector_load_idx %arg5[%add3A_1004] : memref<512xf32, #tpu.memory_space<vmem>>[vector<16xi32>], vector<16xf32>,
        %add3A_1006 = arith.constant 448 : i32
        %add3A_1007 = vector.broadcast %add3A_1006 : i32 to vector<16xi32>
        %add3A_1008 = arith.addi %get3A_949, %add3A_1007 : vector<16xi32>
        %gather3A_1009 = tpu.vector_load_idx %arg5[%add3A_1008] : memref<512xf32, #tpu.memory_space<vmem>>[vector<16xi32>], vector<16xf32>,
        %add3A_1010 = arith.constant 480 : i32
        %add3A_1011 = vector.broadcast %add3A_1010 : i32 to vector<16xi32>
        %add3A_1012 = arith.addi %get3A_949, %add3A_1011 : vector<16xi32>
        %gather3A_1013 = tpu.vector_load_idx %arg5[%add3A_1012] : memref<512xf32, #tpu.memory_space<vmem>>[vector<16xi32>], vector<16xf32>,
        %swap3A_1014 = arith.constant 0 : i32
        %swap3A_1015 = arith.index_cast %scan3A_196 : i32 to index
        %swap3A_1016 = arith.index_cast %swap3A_1014 : i32 to index
        %swap3A_1017 = arith.constant 80 : index
        %swap3A_1018 = tpu.vector_load %arg8[%swap3A_1015, %swap3A_1016, %swap3A_1017] {strides = array<i32>} : memref<8x8x128xf32, #tpu.memory_space<vmem>>, vector<16xf32>,
        tpu.vector_store %arg8[%swap3A_1015, %swap3A_1016, %swap3A_1017], %gather3A_953 {strides = array<i32>} : memref<8x8x128xf32, #tpu.memory_space<vmem>>, vector<16xf32>,
        %swap3A_1019 = arith.constant 1 : i32
        %swap3A_1020 = arith.index_cast %scan3A_196 : i32 to index
        %swap3A_1021 = arith.index_cast %swap3A_1019 : i32 to index
        %swap3A_1022 = arith.constant 80 : index
        %swap3A_1023 = tpu.vector_load %arg8[%swap3A_1020, %swap3A_1021, %swap3A_1022] {strides = array<i32>} : memref<8x8x128xf32, #tpu.memory_space<vmem>>, vector<16xf32>,
        tpu.vector_store %arg8[%swap3A_1020, %swap3A_1021, %swap3A_1022], %gather3A_957 {strides = array<i32>} : memref<8x8x128xf32, #tpu.memory_space<vmem>>, vector<16xf32>,
        %swap3A_1024 = arith.constant 2 : i32
        %swap3A_1025 = arith.index_cast %scan3A_196 : i32 to index
        %swap3A_1026 = arith.index_cast %swap3A_1024 : i32 to index
        %swap3A_1027 = arith.constant 80 : index
        %swap3A_1028 = tpu.vector_load %arg8[%swap3A_1025, %swap3A_1026, %swap3A_1027] {strides = array<i32>} : memref<8x8x128xf32, #tpu.memory_space<vmem>>, vector<16xf32>,
        tpu.vector_store %arg8[%swap3A_1025, %swap3A_1026, %swap3A_1027], %gather3A_961 {strides = array<i32>} : memref<8x8x128xf32, #tpu.memory_space<vmem>>, vector<16xf32>,
        %swap3A_1029 = arith.constant 3 : i32
        %swap3A_1030 = arith.index_cast %scan3A_196 : i32 to index
        %swap3A_1031 = arith.index_cast %swap3A_1029 : i32 to index
        %swap3A_1032 = arith.constant 80 : index
        %swap3A_1033 = tpu.vector_load %arg8[%swap3A_1030, %swap3A_1031, %swap3A_1032] {strides = array<i32>} : memref<8x8x128xf32, #tpu.memory_space<vmem>>, vector<16xf32>,
        tpu.vector_store %arg8[%swap3A_1030, %swap3A_1031, %swap3A_1032], %gather3A_965 {strides = array<i32>} : memref<8x8x128xf32, #tpu.memory_space<vmem>>, vector<16xf32>,
        %swap3A_1034 = arith.constant 4 : i32
        %swap3A_1035 = arith.index_cast %scan3A_196 : i32 to index
        %swap3A_1036 = arith.index_cast %swap3A_1034 : i32 to index
        %swap3A_1037 = arith.constant 80 : index
        %swap3A_1038 = tpu.vector_load %arg8[%swap3A_1035, %swap3A_1036, %swap3A_1037] {strides = array<i32>} : memref<8x8x128xf32, #tpu.memory_space<vmem>>, vector<16xf32>,
        tpu.vector_store %arg8[%swap3A_1035, %swap3A_1036, %swap3A_1037], %gather3A_969 {strides = array<i32>} : memref<8x8x128xf32, #tpu.memory_space<vmem>>, vector<16xf32>,
        %swap3A_1039 = arith.constant 5 : i32
        %swap3A_1040 = arith.index_cast %scan3A_196 : i32 to index
        %swap3A_1041 = arith.index_cast %swap3A_1039 : i32 to index
        %swap3A_1042 = arith.constant 80 : index
        %swap3A_1043 = tpu.vector_load %arg8[%swap3A_1040, %swap3A_1041, %swap3A_1042] {strides = array<i32>} : memref<8x8x128xf32, #tpu.memory_space<vmem>>, vector<16xf32>,
        tpu.vector_store %arg8[%swap3A_1040, %swap3A_1041, %swap3A_1042], %gather3A_973 {strides = array<i32>} : memref<8x8x128xf32, #tpu.memory_space<vmem>>, vector<16xf32>,
        %swap3A_1044 = arith.constant 6 : i32
        %swap3A_1045 = arith.index_cast %scan3A_196 : i32 to index
        %swap3A_1046 = arith.index_cast %swap3A_1044 : i32 to index
        %swap3A_1047 = arith.constant 80 : index
        %swap3A_1048 = tpu.vector_load %arg8[%swap3A_1045, %swap3A_1046, %swap3A_1047] {strides = array<i32>} : memref<8x8x128xf32, #tpu.memory_space<vmem>>, vector<16xf32>,
        tpu.vector_store %arg8[%swap3A_1045, %swap3A_1046, %swap3A_1047], %gather3A_977 {strides = array<i32>} : memref<8x8x128xf32, #tpu.memory_space<vmem>>, vector<16xf32>,
        %swap3A_1049 = arith.constant 7 : i32
        %swap3A_1050 = arith.index_cast %scan3A_196 : i32 to index
        %swap3A_1051 = arith.index_cast %swap3A_1049 : i32 to index
        %swap3A_1052 = arith.constant 80 : index
        %swap3A_1053 = tpu.vector_load %arg8[%swap3A_1050, %swap3A_1051, %swap3A_1052] {strides = array<i32>} : memref<8x8x128xf32, #tpu.memory_space<vmem>>, vector<16xf32>,
        tpu.vector_store %arg8[%swap3A_1050, %swap3A_1051, %swap3A_1052], %gather3A_981 {strides = array<i32>} : memref<8x8x128xf32, #tpu.memory_space<vmem>>, vector<16xf32>,
        %swap3A_1054 = arith.constant 0 : i32
        %swap3A_1055 = arith.index_cast %scan3A_196 : i32 to index
        %swap3A_1056 = arith.index_cast %swap3A_1054 : i32 to index
        %swap3A_1057 = arith.constant 80 : index
        %swap3A_1058 = tpu.vector_load %arg10[%swap3A_1055, %swap3A_1056, %swap3A_1057] {strides = array<i32>} : memref<8x8x128xf32, #tpu.memory_space<vmem>>, vector<16xf32>,
        tpu.vector_store %arg10[%swap3A_1055, %swap3A_1056, %swap3A_1057], %gather3A_985 {strides = array<i32>} : memref<8x8x128xf32, #tpu.memory_space<vmem>>, vector<16xf32>,
        %swap3A_1059 = arith.constant 1 : i32
        %swap3A_1060 = arith.index_cast %scan3A_196 : i32 to index
        %swap3A_1061 = arith.index_cast %swap3A_1059 : i32 to index
        %swap3A_1062 = arith.constant 80 : index
        %swap3A_1063 = tpu.vector_load %arg10[%swap3A_1060, %swap3A_1061, %swap3A_1062] {strides = array<i32>} : memref<8x8x128xf32, #tpu.memory_space<vmem>>, vector<16xf32>,
        tpu.vector_store %arg10[%swap3A_1060, %swap3A_1061, %swap3A_1062], %gather3A_989 {strides = array<i32>} : memref<8x8x128xf32, #tpu.memory_space<vmem>>, vector<16xf32>,
        %swap3A_1064 = arith.constant 2 : i32
        %swap3A_1065 = arith.index_cast %scan3A_196 : i32 to index
        %swap3A_1066 = arith.index_cast %swap3A_1064 : i32 to index
        %swap3A_1067 = arith.constant 80 : index
        %swap3A_1068 = tpu.vector_load %arg10[%swap3A_1065, %swap3A_1066, %swap3A_1067] {strides = array<i32>} : memref<8x8x128xf32, #tpu.memory_space<vmem>>, vector<16xf32>,
        tpu.vector_store %arg10[%swap3A_1065, %swap3A_1066, %swap3A_1067], %gather3A_993 {strides = array<i32>} : memref<8x8x128xf32, #tpu.memory_space<vmem>>, vector<16xf32>,
        %swap3A_1069 = arith.constant 3 : i32
        %swap3A_1070 = arith.index_cast %scan3A_196 : i32 to index
        %swap3A_1071 = arith.index_cast %swap3A_1069 : i32 to index
        %swap3A_1072 = arith.constant 80 : index
        %swap3A_1073 = tpu.vector_load %arg10[%swap3A_1070, %swap3A_1071, %swap3A_1072] {strides = array<i32>} : memref<8x8x128xf32, #tpu.memory_space<vmem>>, vector<16xf32>,
        tpu.vector_store %arg10[%swap3A_1070, %swap3A_1071, %swap3A_1072], %gather3A_997 {strides = array<i32>} : memref<8x8x128xf32, #tpu.memory_space<vmem>>, vector<16xf32>,
        %swap3A_1074 = arith.constant 4 : i32
        %swap3A_1075 = arith.index_cast %scan3A_196 : i32 to index
        %swap3A_1076 = arith.index_cast %swap3A_1074 : i32 to index
        %swap3A_1077 = arith.constant 80 : index
        %swap3A_1078 = tpu.vector_load %arg10[%swap3A_1075, %swap3A_1076, %swap3A_1077] {strides = array<i32>} : memref<8x8x128xf32, #tpu.memory_space<vmem>>, vector<16xf32>,
        tpu.vector_store %arg10[%swap3A_1075, %swap3A_1076, %swap3A_1077], %gather3A_1001 {strides = array<i32>} : memref<8x8x128xf32, #tpu.memory_space<vmem>>, vector<16xf32>,
        %swap3A_1079 = arith.constant 5 : i32
        %swap3A_1080 = arith.index_cast %scan3A_196 : i32 to index
        %swap3A_1081 = arith.index_cast %swap3A_1079 : i32 to index
        %swap3A_1082 = arith.constant 80 : index
        %swap3A_1083 = tpu.vector_load %arg10[%swap3A_1080, %swap3A_1081, %swap3A_1082] {strides = array<i32>} : memref<8x8x128xf32, #tpu.memory_space<vmem>>, vector<16xf32>,
        tpu.vector_store %arg10[%swap3A_1080, %swap3A_1081, %swap3A_1082], %gather3A_1005 {strides = array<i32>} : memref<8x8x128xf32, #tpu.memory_space<vmem>>, vector<16xf32>,
        %swap3A_1084 = arith.constant 6 : i32
        %swap3A_1085 = arith.index_cast %scan3A_196 : i32 to index
        %swap3A_1086 = arith.index_cast %swap3A_1084 : i32 to index
        %swap3A_1087 = arith.constant 80 : index
        %swap3A_1088 = tpu.vector_load %arg10[%swap3A_1085, %swap3A_1086, %swap3A_1087] {strides = array<i32>} : memref<8x8x128xf32, #tpu.memory_space<vmem>>, vector<16xf32>,
        tpu.vector_store %arg10[%swap3A_1085, %swap3A_1086, %swap3A_1087], %gather3A_1009 {strides = array<i32>} : memref<8x8x128xf32, #tpu.memory_space<vmem>>, vector<16xf32>,
        %swap3A_1089 = arith.constant 7 : i32
        %swap3A_1090 = arith.index_cast %scan3A_196 : i32 to index
        %swap3A_1091 = arith.index_cast %swap3A_1089 : i32 to index
        %swap3A_1092 = arith.constant 80 : index
        %swap3A_1093 = tpu.vector_load %arg10[%swap3A_1090, %swap3A_1091, %swap3A_1092] {strides = array<i32>} : memref<8x8x128xf32, #tpu.memory_space<vmem>>, vector<16xf32>,
        tpu.vector_store %arg10[%swap3A_1090, %swap3A_1091, %swap3A_1092], %gather3A_1013 {strides = array<i32>} : memref<8x8x128xf32, #tpu.memory_space<vmem>>, vector<16xf32>,
        %mul3A_1094 = arith.constant 128 : i32
        %mul3A_1095 = arith.muli %scan3A_196, %mul3A_1094 : i32
        %add3A_1096 = arith.constant 96 : i32
        %add3A_1097 = arith.addi %mul3A_1095, %add3A_1096 : i32
        %get3A_1098 = arith.index_cast %add3A_1097 : i32 to index
        %get3A_1099 = tpu.vector_load %arg6[%get3A_1098] {strides = array<i32>} : memref<1024xi32, #tpu.memory_space<vmem>>, vector<16xi32>,
        %add3A_1100 = arith.constant 0 : i32
        %add3A_1101 = vector.broadcast %add3A_1100 : i32 to vector<16xi32>
        %add3A_1102 = arith.addi %get3A_1099, %add3A_1101 : vector<16xi32>
        %gather3A_1103 = tpu.vector_load_idx %arg5[%add3A_1102] : memref<512xf32, #tpu.memory_space<vmem>>[vector<16xi32>], vector<16xf32>,
        %add3A_1104 = arith.constant 32 : i32
        %add3A_1105 = vector.broadcast %add3A_1104 : i32 to vector<16xi32>
        %add3A_1106 = arith.addi %get3A_1099, %add3A_1105 : vector<16xi32>
        %gather3A_1107 = tpu.vector_load_idx %arg5[%add3A_1106] : memref<512xf32, #tpu.memory_space<vmem>>[vector<16xi32>], vector<16xf32>,
        %add3A_1108 = arith.constant 64 : i32
        %add3A_1109 = vector.broadcast %add3A_1108 : i32 to vector<16xi32>
        %add3A_1110 = arith.addi %get3A_1099, %add3A_1109 : vector<16xi32>
        %gather3A_1111 = tpu.vector_load_idx %arg5[%add3A_1110] : memref<512xf32, #tpu.memory_space<vmem>>[vector<16xi32>], vector<16xf32>,
        %add3A_1112 = arith.constant 96 : i32
        %add3A_1113 = vector.broadcast %add3A_1112 : i32 to vector<16xi32>
        %add3A_1114 = arith.addi %get3A_1099, %add3A_1113 : vector<16xi32>
        %gather3A_1115 = tpu.vector_load_idx %arg5[%add3A_1114] : memref<512xf32, #tpu.memory_space<vmem>>[vector<16xi32>], vector<16xf32>,
        %add3A_1116 = arith.constant 128 : i32
        %add3A_1117 = vector.broadcast %add3A_1116 : i32 to vector<16xi32>
        %add3A_1118 = arith.addi %get3A_1099, %add3A_1117 : vector<16xi32>
        %gather3A_1119 = tpu.vector_load_idx %arg5[%add3A_1118] : memref<512xf32, #tpu.memory_space<vmem>>[vector<16xi32>], vector<16xf32>,
        %add3A_1120 = arith.constant 160 : i32
        %add3A_1121 = vector.broadcast %add3A_1120 : i32 to vector<16xi32>
        %add3A_1122 = arith.addi %get3A_1099, %add3A_1121 : vector<16xi32>
        %gather3A_1123 = tpu.vector_load_idx %arg5[%add3A_1122] : memref<512xf32, #tpu.memory_space<vmem>>[vector<16xi32>], vector<16xf32>,
        %add3A_1124 = arith.constant 192 : i32
        %add3A_1125 = vector.broadcast %add3A_1124 : i32 to vector<16xi32>
        %add3A_1126 = arith.addi %get3A_1099, %add3A_1125 : vector<16xi32>
        %gather3A_1127 = tpu.vector_load_idx %arg5[%add3A_1126] : memref<512xf32, #tpu.memory_space<vmem>>[vector<16xi32>], vector<16xf32>,
        %add3A_1128 = arith.constant 224 : i32
        %add3A_1129 = vector.broadcast %add3A_1128 : i32 to vector<16xi32>
        %add3A_1130 = arith.addi %get3A_1099, %add3A_1129 : vector<16xi32>
        %gather3A_1131 = tpu.vector_load_idx %arg5[%add3A_1130] : memref<512xf32, #tpu.memory_space<vmem>>[vector<16xi32>], vector<16xf32>,
        %add3A_1132 = arith.constant 256 : i32
        %add3A_1133 = vector.broadcast %add3A_1132 : i32 to vector<16xi32>
        %add3A_1134 = arith.addi %get3A_1099, %add3A_1133 : vector<16xi32>
        %gather3A_1135 = tpu.vector_load_idx %arg5[%add3A_1134] : memref<512xf32, #tpu.memory_space<vmem>>[vector<16xi32>], vector<16xf32>,
        %add3A_1136 = arith.constant 288 : i32
        %add3A_1137 = vector.broadcast %add3A_1136 : i32 to vector<16xi32>
        %add3A_1138 = arith.addi %get3A_1099, %add3A_1137 : vector<16xi32>
        %gather3A_1139 = tpu.vector_load_idx %arg5[%add3A_1138] : memref<512xf32, #tpu.memory_space<vmem>>[vector<16xi32>], vector<16xf32>,
        %add3A_1140 = arith.constant 320 : i32
        %add3A_1141 = vector.broadcast %add3A_1140 : i32 to vector<16xi32>
        %add3A_1142 = arith.addi %get3A_1099, %add3A_1141 : vector<16xi32>
        %gather3A_1143 = tpu.vector_load_idx %arg5[%add3A_1142] : memref<512xf32, #tpu.memory_space<vmem>>[vector<16xi32>], vector<16xf32>,
        %add3A_1144 = arith.constant 352 : i32
        %add3A_1145 = vector.broadcast %add3A_1144 : i32 to vector<16xi32>
        %add3A_1146 = arith.addi %get3A_1099, %add3A_1145 : vector<16xi32>
        %gather3A_1147 = tpu.vector_load_idx %arg5[%add3A_1146] : memref<512xf32, #tpu.memory_space<vmem>>[vector<16xi32>], vector<16xf32>,
        %add3A_1148 = arith.constant 384 : i32
        %add3A_1149 = vector.broadcast %add3A_1148 : i32 to vector<16xi32>
        %add3A_1150 = arith.addi %get3A_1099, %add3A_1149 : vector<16xi32>
        %gather3A_1151 = tpu.vector_load_idx %arg5[%add3A_1150] : memref<512xf32, #tpu.memory_space<vmem>>[vector<16xi32>], vector<16xf32>,
        %add3A_1152 = arith.constant 416 : i32
        %add3A_1153 = vector.broadcast %add3A_1152 : i32 to vector<16xi32>
        %add3A_1154 = arith.addi %get3A_1099, %add3A_1153 : vector<16xi32>
        %gather3A_1155 = tpu.vector_load_idx %arg5[%add3A_1154] : memref<512xf32, #tpu.memory_space<vmem>>[vector<16xi32>], vector<16xf32>,
        %add3A_1156 = arith.constant 448 : i32
        %add3A_1157 = vector.broadcast %add3A_1156 : i32 to vector<16xi32>
        %add3A_1158 = arith.addi %get3A_1099, %add3A_1157 : vector<16xi32>
        %gather3A_1159 = tpu.vector_load_idx %arg5[%add3A_1158] : memref<512xf32, #tpu.memory_space<vmem>>[vector<16xi32>], vector<16xf32>,
        %add3A_1160 = arith.constant 480 : i32
        %add3A_1161 = vector.broadcast %add3A_1160 : i32 to vector<16xi32>
        %add3A_1162 = arith.addi %get3A_1099, %add3A_1161 : vector<16xi32>
        %gather3A_1163 = tpu.vector_load_idx %arg5[%add3A_1162] : memref<512xf32, #tpu.memory_space<vmem>>[vector<16xi32>], vector<16xf32>,
        %swap3A_1164 = arith.constant 0 : i32
        %swap3A_1165 = arith.index_cast %scan3A_196 : i32 to index
        %swap3A_1166 = arith.index_cast %swap3A_1164 : i32 to index
        %swap3A_1167 = arith.constant 96 : index
        %swap3A_1168 = tpu.vector_load %arg8[%swap3A_1165, %swap3A_1166, %swap3A_1167] {strides = array<i32>} : memref<8x8x128xf32, #tpu.memory_space<vmem>>, vector<16xf32>,
        tpu.vector_store %arg8[%swap3A_1165, %swap3A_1166, %swap3A_1167], %gather3A_1103 {strides = array<i32>} : memref<8x8x128xf32, #tpu.memory_space<vmem>>, vector<16xf32>,
        %swap3A_1169 = arith.constant 1 : i32
        %swap3A_1170 = arith.index_cast %scan3A_196 : i32 to index
        %swap3A_1171 = arith.index_cast %swap3A_1169 : i32 to index
        %swap3A_1172 = arith.constant 96 : index
        %swap3A_1173 = tpu.vector_load %arg8[%swap3A_1170, %swap3A_1171, %swap3A_1172] {strides = array<i32>} : memref<8x8x128xf32, #tpu.memory_space<vmem>>, vector<16xf32>,
        tpu.vector_store %arg8[%swap3A_1170, %swap3A_1171, %swap3A_1172], %gather3A_1107 {strides = array<i32>} : memref<8x8x128xf32, #tpu.memory_space<vmem>>, vector<16xf32>,
        %swap3A_1174 = arith.constant 2 : i32
        %swap3A_1175 = arith.index_cast %scan3A_196 : i32 to index
        %swap3A_1176 = arith.index_cast %swap3A_1174 : i32 to index
        %swap3A_1177 = arith.constant 96 : index
        %swap3A_1178 = tpu.vector_load %arg8[%swap3A_1175, %swap3A_1176, %swap3A_1177] {strides = array<i32>} : memref<8x8x128xf32, #tpu.memory_space<vmem>>, vector<16xf32>,
        tpu.vector_store %arg8[%swap3A_1175, %swap3A_1176, %swap3A_1177], %gather3A_1111 {strides = array<i32>} : memref<8x8x128xf32, #tpu.memory_space<vmem>>, vector<16xf32>,
        %swap3A_1179 = arith.constant 3 : i32
        %swap3A_1180 = arith.index_cast %scan3A_196 : i32 to index
        %swap3A_1181 = arith.index_cast %swap3A_1179 : i32 to index
        %swap3A_1182 = arith.constant 96 : index
        %swap3A_1183 = tpu.vector_load %arg8[%swap3A_1180, %swap3A_1181, %swap3A_1182] {strides = array<i32>} : memref<8x8x128xf32, #tpu.memory_space<vmem>>, vector<16xf32>,
        tpu.vector_store %arg8[%swap3A_1180, %swap3A_1181, %swap3A_1182], %gather3A_1115 {strides = array<i32>} : memref<8x8x128xf32, #tpu.memory_space<vmem>>, vector<16xf32>,
        %swap3A_1184 = arith.constant 4 : i32
        %swap3A_1185 = arith.index_cast %scan3A_196 : i32 to index
        %swap3A_1186 = arith.index_cast %swap3A_1184 : i32 to index
        %swap3A_1187 = arith.constant 96 : index
        %swap3A_1188 = tpu.vector_load %arg8[%swap3A_1185, %swap3A_1186, %swap3A_1187] {strides = array<i32>} : memref<8x8x128xf32, #tpu.memory_space<vmem>>, vector<16xf32>,
        tpu.vector_store %arg8[%swap3A_1185, %swap3A_1186, %swap3A_1187], %gather3A_1119 {strides = array<i32>} : memref<8x8x128xf32, #tpu.memory_space<vmem>>, vector<16xf32>,
        %swap3A_1189 = arith.constant 5 : i32
        %swap3A_1190 = arith.index_cast %scan3A_196 : i32 to index
        %swap3A_1191 = arith.index_cast %swap3A_1189 : i32 to index
        %swap3A_1192 = arith.constant 96 : index
        %swap3A_1193 = tpu.vector_load %arg8[%swap3A_1190, %swap3A_1191, %swap3A_1192] {strides = array<i32>} : memref<8x8x128xf32, #tpu.memory_space<vmem>>, vector<16xf32>,
        tpu.vector_store %arg8[%swap3A_1190, %swap3A_1191, %swap3A_1192], %gather3A_1123 {strides = array<i32>} : memref<8x8x128xf32, #tpu.memory_space<vmem>>, vector<16xf32>,
        %swap3A_1194 = arith.constant 6 : i32
        %swap3A_1195 = arith.index_cast %scan3A_196 : i32 to index
        %swap3A_1196 = arith.index_cast %swap3A_1194 : i32 to index
        %swap3A_1197 = arith.constant 96 : index
        %swap3A_1198 = tpu.vector_load %arg8[%swap3A_1195, %swap3A_1196, %swap3A_1197] {strides = array<i32>} : memref<8x8x128xf32, #tpu.memory_space<vmem>>, vector<16xf32>,
        tpu.vector_store %arg8[%swap3A_1195, %swap3A_1196, %swap3A_1197], %gather3A_1127 {strides = array<i32>} : memref<8x8x128xf32, #tpu.memory_space<vmem>>, vector<16xf32>,
        %swap3A_1199 = arith.constant 7 : i32
        %swap3A_1200 = arith.index_cast %scan3A_196 : i32 to index
        %swap3A_1201 = arith.index_cast %swap3A_1199 : i32 to index
        %swap3A_1202 = arith.constant 96 : index
        %swap3A_1203 = tpu.vector_load %arg8[%swap3A_1200, %swap3A_1201, %swap3A_1202] {strides = array<i32>} : memref<8x8x128xf32, #tpu.memory_space<vmem>>, vector<16xf32>,
        tpu.vector_store %arg8[%swap3A_1200, %swap3A_1201, %swap3A_1202], %gather3A_1131 {strides = array<i32>} : memref<8x8x128xf32, #tpu.memory_space<vmem>>, vector<16xf32>,
        %swap3A_1204 = arith.constant 0 : i32
        %swap3A_1205 = arith.index_cast %scan3A_196 : i32 to index
        %swap3A_1206 = arith.index_cast %swap3A_1204 : i32 to index
        %swap3A_1207 = arith.constant 96 : index
        %swap3A_1208 = tpu.vector_load %arg10[%swap3A_1205, %swap3A_1206, %swap3A_1207] {strides = array<i32>} : memref<8x8x128xf32, #tpu.memory_space<vmem>>, vector<16xf32>,
        tpu.vector_store %arg10[%swap3A_1205, %swap3A_1206, %swap3A_1207], %gather3A_1135 {strides = array<i32>} : memref<8x8x128xf32, #tpu.memory_space<vmem>>, vector<16xf32>,
        %swap3A_1209 = arith.constant 1 : i32
        %swap3A_1210 = arith.index_cast %scan3A_196 : i32 to index
        %swap3A_1211 = arith.index_cast %swap3A_1209 : i32 to index
        %swap3A_1212 = arith.constant 96 : index
        %swap3A_1213 = tpu.vector_load %arg10[%swap3A_1210, %swap3A_1211, %swap3A_1212] {strides = array<i32>} : memref<8x8x128xf32, #tpu.memory_space<vmem>>, vector<16xf32>,
        tpu.vector_store %arg10[%swap3A_1210, %swap3A_1211, %swap3A_1212], %gather3A_1139 {strides = array<i32>} : memref<8x8x128xf32, #tpu.memory_space<vmem>>, vector<16xf32>,
        %swap3A_1214 = arith.constant 2 : i32
        %swap3A_1215 = arith.index_cast %scan3A_196 : i32 to index
        %swap3A_1216 = arith.index_cast %swap3A_1214 : i32 to index
        %swap3A_1217 = arith.constant 96 : index
        %swap3A_1218 = tpu.vector_load %arg10[%swap3A_1215, %swap3A_1216, %swap3A_1217] {strides = array<i32>} : memref<8x8x128xf32, #tpu.memory_space<vmem>>, vector<16xf32>,
        tpu.vector_store %arg10[%swap3A_1215, %swap3A_1216, %swap3A_1217], %gather3A_1143 {strides = array<i32>} : memref<8x8x128xf32, #tpu.memory_space<vmem>>, vector<16xf32>,
        %swap3A_1219 = arith.constant 3 : i32
        %swap3A_1220 = arith.index_cast %scan3A_196 : i32 to index
        %swap3A_1221 = arith.index_cast %swap3A_1219 : i32 to index
        %swap3A_1222 = arith.constant 96 : index
        %swap3A_1223 = tpu.vector_load %arg10[%swap3A_1220, %swap3A_1221, %swap3A_1222] {strides = array<i32>} : memref<8x8x128xf32, #tpu.memory_space<vmem>>, vector<16xf32>,
        tpu.vector_store %arg10[%swap3A_1220, %swap3A_1221, %swap3A_1222], %gather3A_1147 {strides = array<i32>} : memref<8x8x128xf32, #tpu.memory_space<vmem>>, vector<16xf32>,
        %swap3A_1224 = arith.constant 4 : i32
        %swap3A_1225 = arith.index_cast %scan3A_196 : i32 to index
        %swap3A_1226 = arith.index_cast %swap3A_1224 : i32 to index
        %swap3A_1227 = arith.constant 96 : index
        %swap3A_1228 = tpu.vector_load %arg10[%swap3A_1225, %swap3A_1226, %swap3A_1227] {strides = array<i32>} : memref<8x8x128xf32, #tpu.memory_space<vmem>>, vector<16xf32>,
        tpu.vector_store %arg10[%swap3A_1225, %swap3A_1226, %swap3A_1227], %gather3A_1151 {strides = array<i32>} : memref<8x8x128xf32, #tpu.memory_space<vmem>>, vector<16xf32>,
        %swap3A_1229 = arith.constant 5 : i32
        %swap3A_1230 = arith.index_cast %scan3A_196 : i32 to index
        %swap3A_1231 = arith.index_cast %swap3A_1229 : i32 to index
        %swap3A_1232 = arith.constant 96 : index
        %swap3A_1233 = tpu.vector_load %arg10[%swap3A_1230, %swap3A_1231, %swap3A_1232] {strides = array<i32>} : memref<8x8x128xf32, #tpu.memory_space<vmem>>, vector<16xf32>,
        tpu.vector_store %arg10[%swap3A_1230, %swap3A_1231, %swap3A_1232], %gather3A_1155 {strides = array<i32>} : memref<8x8x128xf32, #tpu.memory_space<vmem>>, vector<16xf32>,
        %swap3A_1234 = arith.constant 6 : i32
        %swap3A_1235 = arith.index_cast %scan3A_196 : i32 to index
        %swap3A_1236 = arith.index_cast %swap3A_1234 : i32 to index
        %swap3A_1237 = arith.constant 96 : index
        %swap3A_1238 = tpu.vector_load %arg10[%swap3A_1235, %swap3A_1236, %swap3A_1237] {strides = array<i32>} : memref<8x8x128xf32, #tpu.memory_space<vmem>>, vector<16xf32>,
        tpu.vector_store %arg10[%swap3A_1235, %swap3A_1236, %swap3A_1237], %gather3A_1159 {strides = array<i32>} : memref<8x8x128xf32, #tpu.memory_space<vmem>>, vector<16xf32>,
        %swap3A_1239 = arith.constant 7 : i32
        %swap3A_1240 = arith.index_cast %scan3A_196 : i32 to index
        %swap3A_1241 = arith.index_cast %swap3A_1239 : i32 to index
        %swap3A_1242 = arith.constant 96 : index
        %swap3A_1243 = tpu.vector_load %arg10[%swap3A_1240, %swap3A_1241, %swap3A_1242] {strides = array<i32>} : memref<8x8x128xf32, #tpu.memory_space<vmem>>, vector<16xf32>,
        tpu.vector_store %arg10[%swap3A_1240, %swap3A_1241, %swap3A_1242], %gather3A_1163 {strides = array<i32>} : memref<8x8x128xf32, #tpu.memory_space<vmem>>, vector<16xf32>,
        %mul3A_1244 = arith.constant 128 : i32
        %mul3A_1245 = arith.muli %scan3A_196, %mul3A_1244 : i32
        %add3A_1246 = arith.constant 112 : i32
        %add3A_1247 = arith.addi %mul3A_1245, %add3A_1246 : i32
        %get3A_1248 = arith.index_cast %add3A_1247 : i32 to index
        %get3A_1249 = tpu.vector_load %arg6[%get3A_1248] {strides = array<i32>} : memref<1024xi32, #tpu.memory_space<vmem>>, vector<16xi32>,
        %add3A_1250 = arith.constant 0 : i32
        %add3A_1251 = vector.broadcast %add3A_1250 : i32 to vector<16xi32>
        %add3A_1252 = arith.addi %get3A_1249, %add3A_1251 : vector<16xi32>
        %gather3A_1253 = tpu.vector_load_idx %arg5[%add3A_1252] : memref<512xf32, #tpu.memory_space<vmem>>[vector<16xi32>], vector<16xf32>,
        %add3A_1254 = arith.constant 32 : i32
        %add3A_1255 = vector.broadcast %add3A_1254 : i32 to vector<16xi32>
        %add3A_1256 = arith.addi %get3A_1249, %add3A_1255 : vector<16xi32>
        %gather3A_1257 = tpu.vector_load_idx %arg5[%add3A_1256] : memref<512xf32, #tpu.memory_space<vmem>>[vector<16xi32>], vector<16xf32>,
        %add3A_1258 = arith.constant 64 : i32
        %add3A_1259 = vector.broadcast %add3A_1258 : i32 to vector<16xi32>
        %add3A_1260 = arith.addi %get3A_1249, %add3A_1259 : vector<16xi32>
        %gather3A_1261 = tpu.vector_load_idx %arg5[%add3A_1260] : memref<512xf32, #tpu.memory_space<vmem>>[vector<16xi32>], vector<16xf32>,
        %add3A_1262 = arith.constant 96 : i32
        %add3A_1263 = vector.broadcast %add3A_1262 : i32 to vector<16xi32>
        %add3A_1264 = arith.addi %get3A_1249, %add3A_1263 : vector<16xi32>
        %gather3A_1265 = tpu.vector_load_idx %arg5[%add3A_1264] : memref<512xf32, #tpu.memory_space<vmem>>[vector<16xi32>], vector<16xf32>,
        %add3A_1266 = arith.constant 128 : i32
        %add3A_1267 = vector.broadcast %add3A_1266 : i32 to vector<16xi32>
        %add3A_1268 = arith.addi %get3A_1249, %add3A_1267 : vector<16xi32>
        %gather3A_1269 = tpu.vector_load_idx %arg5[%add3A_1268] : memref<512xf32, #tpu.memory_space<vmem>>[vector<16xi32>], vector<16xf32>,
        %add3A_1270 = arith.constant 160 : i32
        %add3A_1271 = vector.broadcast %add3A_1270 : i32 to vector<16xi32>
        %add3A_1272 = arith.addi %get3A_1249, %add3A_1271 : vector<16xi32>
        %gather3A_1273 = tpu.vector_load_idx %arg5[%add3A_1272] : memref<512xf32, #tpu.memory_space<vmem>>[vector<16xi32>], vector<16xf32>,
        %add3A_1274 = arith.constant 192 : i32
        %add3A_1275 = vector.broadcast %add3A_1274 : i32 to vector<16xi32>
        %add3A_1276 = arith.addi %get3A_1249, %add3A_1275 : vector<16xi32>
        %gather3A_1277 = tpu.vector_load_idx %arg5[%add3A_1276] : memref<512xf32, #tpu.memory_space<vmem>>[vector<16xi32>], vector<16xf32>,
        %add3A_1278 = arith.constant 224 : i32
        %add3A_1279 = vector.broadcast %add3A_1278 : i32 to vector<16xi32>
        %add3A_1280 = arith.addi %get3A_1249, %add3A_1279 : vector<16xi32>
        %gather3A_1281 = tpu.vector_load_idx %arg5[%add3A_1280] : memref<512xf32, #tpu.memory_space<vmem>>[vector<16xi32>], vector<16xf32>,
        %add3A_1282 = arith.constant 256 : i32
        %add3A_1283 = vector.broadcast %add3A_1282 : i32 to vector<16xi32>
        %add3A_1284 = arith.addi %get3A_1249, %add3A_1283 : vector<16xi32>
        %gather3A_1285 = tpu.vector_load_idx %arg5[%add3A_1284] : memref<512xf32, #tpu.memory_space<vmem>>[vector<16xi32>], vector<16xf32>,
        %add3A_1286 = arith.constant 288 : i32
        %add3A_1287 = vector.broadcast %add3A_1286 : i32 to vector<16xi32>
        %add3A_1288 = arith.addi %get3A_1249, %add3A_1287 : vector<16xi32>
        %gather3A_1289 = tpu.vector_load_idx %arg5[%add3A_1288] : memref<512xf32, #tpu.memory_space<vmem>>[vector<16xi32>], vector<16xf32>,
        %add3A_1290 = arith.constant 320 : i32
        %add3A_1291 = vector.broadcast %add3A_1290 : i32 to vector<16xi32>
        %add3A_1292 = arith.addi %get3A_1249, %add3A_1291 : vector<16xi32>
        %gather3A_1293 = tpu.vector_load_idx %arg5[%add3A_1292] : memref<512xf32, #tpu.memory_space<vmem>>[vector<16xi32>], vector<16xf32>,
        %add3A_1294 = arith.constant 352 : i32
        %add3A_1295 = vector.broadcast %add3A_1294 : i32 to vector<16xi32>
        %add3A_1296 = arith.addi %get3A_1249, %add3A_1295 : vector<16xi32>
        %gather3A_1297 = tpu.vector_load_idx %arg5[%add3A_1296] : memref<512xf32, #tpu.memory_space<vmem>>[vector<16xi32>], vector<16xf32>,
        %add3A_1298 = arith.constant 384 : i32
        %add3A_1299 = vector.broadcast %add3A_1298 : i32 to vector<16xi32>
        %add3A_1300 = arith.addi %get3A_1249, %add3A_1299 : vector<16xi32>
        %gather3A_1301 = tpu.vector_load_idx %arg5[%add3A_1300] : memref<512xf32, #tpu.memory_space<vmem>>[vector<16xi32>], vector<16xf32>,
        %add3A_1302 = arith.constant 416 : i32
        %add3A_1303 = vector.broadcast %add3A_1302 : i32 to vector<16xi32>
        %add3A_1304 = arith.addi %get3A_1249, %add3A_1303 : vector<16xi32>
        %gather3A_1305 = tpu.vector_load_idx %arg5[%add3A_1304] : memref<512xf32, #tpu.memory_space<vmem>>[vector<16xi32>], vector<16xf32>,
        %add3A_1306 = arith.constant 448 : i32
        %add3A_1307 = vector.broadcast %add3A_1306 : i32 to vector<16xi32>
        %add3A_1308 = arith.addi %get3A_1249, %add3A_1307 : vector<16xi32>
        %gather3A_1309 = tpu.vector_load_idx %arg5[%add3A_1308] : memref<512xf32, #tpu.memory_space<vmem>>[vector<16xi32>], vector<16xf32>,
        %add3A_1310 = arith.constant 480 : i32
        %add3A_1311 = vector.broadcast %add3A_1310 : i32 to vector<16xi32>
        %add3A_1312 = arith.addi %get3A_1249, %add3A_1311 : vector<16xi32>
        %gather3A_1313 = tpu.vector_load_idx %arg5[%add3A_1312] : memref<512xf32, #tpu.memory_space<vmem>>[vector<16xi32>], vector<16xf32>,
        %swap3A_1314 = arith.constant 0 : i32
        %swap3A_1315 = arith.index_cast %scan3A_196 : i32 to index
        %swap3A_1316 = arith.index_cast %swap3A_1314 : i32 to index
        %swap3A_1317 = arith.constant 112 : index
        %swap3A_1318 = tpu.vector_load %arg8[%swap3A_1315, %swap3A_1316, %swap3A_1317] {strides = array<i32>} : memref<8x8x128xf32, #tpu.memory_space<vmem>>, vector<16xf32>,
        tpu.vector_store %arg8[%swap3A_1315, %swap3A_1316, %swap3A_1317], %gather3A_1253 {strides = array<i32>} : memref<8x8x128xf32, #tpu.memory_space<vmem>>, vector<16xf32>,
        %swap3A_1319 = arith.constant 1 : i32
        %swap3A_1320 = arith.index_cast %scan3A_196 : i32 to index
        %swap3A_1321 = arith.index_cast %swap3A_1319 : i32 to index
        %swap3A_1322 = arith.constant 112 : index
        %swap3A_1323 = tpu.vector_load %arg8[%swap3A_1320, %swap3A_1321, %swap3A_1322] {strides = array<i32>} : memref<8x8x128xf32, #tpu.memory_space<vmem>>, vector<16xf32>,
        tpu.vector_store %arg8[%swap3A_1320, %swap3A_1321, %swap3A_1322], %gather3A_1257 {strides = array<i32>} : memref<8x8x128xf32, #tpu.memory_space<vmem>>, vector<16xf32>,
        %swap3A_1324 = arith.constant 2 : i32
        %swap3A_1325 = arith.index_cast %scan3A_196 : i32 to index
        %swap3A_1326 = arith.index_cast %swap3A_1324 : i32 to index
        %swap3A_1327 = arith.constant 112 : index
        %swap3A_1328 = tpu.vector_load %arg8[%swap3A_1325, %swap3A_1326, %swap3A_1327] {strides = array<i32>} : memref<8x8x128xf32, #tpu.memory_space<vmem>>, vector<16xf32>,
        tpu.vector_store %arg8[%swap3A_1325, %swap3A_1326, %swap3A_1327], %gather3A_1261 {strides = array<i32>} : memref<8x8x128xf32, #tpu.memory_space<vmem>>, vector<16xf32>,
        %swap3A_1329 = arith.constant 3 : i32
        %swap3A_1330 = arith.index_cast %scan3A_196 : i32 to index
        %swap3A_1331 = arith.index_cast %swap3A_1329 : i32 to index
        %swap3A_1332 = arith.constant 112 : index
        %swap3A_1333 = tpu.vector_load %arg8[%swap3A_1330, %swap3A_1331, %swap3A_1332] {strides = array<i32>} : memref<8x8x128xf32, #tpu.memory_space<vmem>>, vector<16xf32>,
        tpu.vector_store %arg8[%swap3A_1330, %swap3A_1331, %swap3A_1332], %gather3A_1265 {strides = array<i32>} : memref<8x8x128xf32, #tpu.memory_space<vmem>>, vector<16xf32>,
        %swap3A_1334 = arith.constant 4 : i32
        %swap3A_1335 = arith.index_cast %scan3A_196 : i32 to index
        %swap3A_1336 = arith.index_cast %swap3A_1334 : i32 to index
        %swap3A_1337 = arith.constant 112 : index
        %swap3A_1338 = tpu.vector_load %arg8[%swap3A_1335, %swap3A_1336, %swap3A_1337] {strides = array<i32>} : memref<8x8x128xf32, #tpu.memory_space<vmem>>, vector<16xf32>,
        tpu.vector_store %arg8[%swap3A_1335, %swap3A_1336, %swap3A_1337], %gather3A_1269 {strides = array<i32>} : memref<8x8x128xf32, #tpu.memory_space<vmem>>, vector<16xf32>,
        %swap3A_1339 = arith.constant 5 : i32
        %swap3A_1340 = arith.index_cast %scan3A_196 : i32 to index
        %swap3A_1341 = arith.index_cast %swap3A_1339 : i32 to index
        %swap3A_1342 = arith.constant 112 : index
        %swap3A_1343 = tpu.vector_load %arg8[%swap3A_1340, %swap3A_1341, %swap3A_1342] {strides = array<i32>} : memref<8x8x128xf32, #tpu.memory_space<vmem>>, vector<16xf32>,
        tpu.vector_store %arg8[%swap3A_1340, %swap3A_1341, %swap3A_1342], %gather3A_1273 {strides = array<i32>} : memref<8x8x128xf32, #tpu.memory_space<vmem>>, vector<16xf32>,
        %swap3A_1344 = arith.constant 6 : i32
        %swap3A_1345 = arith.index_cast %scan3A_196 : i32 to index
        %swap3A_1346 = arith.index_cast %swap3A_1344 : i32 to index
        %swap3A_1347 = arith.constant 112 : index
        %swap3A_1348 = tpu.vector_load %arg8[%swap3A_1345, %swap3A_1346, %swap3A_1347] {strides = array<i32>} : memref<8x8x128xf32, #tpu.memory_space<vmem>>, vector<16xf32>,
        tpu.vector_store %arg8[%swap3A_1345, %swap3A_1346, %swap3A_1347], %gather3A_1277 {strides = array<i32>} : memref<8x8x128xf32, #tpu.memory_space<vmem>>, vector<16xf32>,
        %swap3A_1349 = arith.constant 7 : i32
        %swap3A_1350 = arith.index_cast %scan3A_196 : i32 to index
        %swap3A_1351 = arith.index_cast %swap3A_1349 : i32 to index
        %swap3A_1352 = arith.constant 112 : index
        %swap3A_1353 = tpu.vector_load %arg8[%swap3A_1350, %swap3A_1351, %swap3A_1352] {strides = array<i32>} : memref<8x8x128xf32, #tpu.memory_space<vmem>>, vector<16xf32>,
        tpu.vector_store %arg8[%swap3A_1350, %swap3A_1351, %swap3A_1352], %gather3A_1281 {strides = array<i32>} : memref<8x8x128xf32, #tpu.memory_space<vmem>>, vector<16xf32>,
        %swap3A_1354 = arith.constant 0 : i32
        %swap3A_1355 = arith.index_cast %scan3A_196 : i32 to index
        %swap3A_1356 = arith.index_cast %swap3A_1354 : i32 to index
        %swap3A_1357 = arith.constant 112 : index
        %swap3A_1358 = tpu.vector_load %arg10[%swap3A_1355, %swap3A_1356, %swap3A_1357] {strides = array<i32>} : memref<8x8x128xf32, #tpu.memory_space<vmem>>, vector<16xf32>,
        tpu.vector_store %arg10[%swap3A_1355, %swap3A_1356, %swap3A_1357], %gather3A_1285 {strides = array<i32>} : memref<8x8x128xf32, #tpu.memory_space<vmem>>, vector<16xf32>,
        %swap3A_1359 = arith.constant 1 : i32
        %swap3A_1360 = arith.index_cast %scan3A_196 : i32 to index
        %swap3A_1361 = arith.index_cast %swap3A_1359 : i32 to index
        %swap3A_1362 = arith.constant 112 : index
        %swap3A_1363 = tpu.vector_load %arg10[%swap3A_1360, %swap3A_1361, %swap3A_1362] {strides = array<i32>} : memref<8x8x128xf32, #tpu.memory_space<vmem>>, vector<16xf32>,
        tpu.vector_store %arg10[%swap3A_1360, %swap3A_1361, %swap3A_1362], %gather3A_1289 {strides = array<i32>} : memref<8x8x128xf32, #tpu.memory_space<vmem>>, vector<16xf32>,
        %swap3A_1364 = arith.constant 2 : i32
        %swap3A_1365 = arith.index_cast %scan3A_196 : i32 to index
        %swap3A_1366 = arith.index_cast %swap3A_1364 : i32 to index
        %swap3A_1367 = arith.constant 112 : index
        %swap3A_1368 = tpu.vector_load %arg10[%swap3A_1365, %swap3A_1366, %swap3A_1367] {strides = array<i32>} : memref<8x8x128xf32, #tpu.memory_space<vmem>>, vector<16xf32>,
        tpu.vector_store %arg10[%swap3A_1365, %swap3A_1366, %swap3A_1367], %gather3A_1293 {strides = array<i32>} : memref<8x8x128xf32, #tpu.memory_space<vmem>>, vector<16xf32>,
        %swap3A_1369 = arith.constant 3 : i32
        %swap3A_1370 = arith.index_cast %scan3A_196 : i32 to index
        %swap3A_1371 = arith.index_cast %swap3A_1369 : i32 to index
        %swap3A_1372 = arith.constant 112 : index
        %swap3A_1373 = tpu.vector_load %arg10[%swap3A_1370, %swap3A_1371, %swap3A_1372] {strides = array<i32>} : memref<8x8x128xf32, #tpu.memory_space<vmem>>, vector<16xf32>,
        tpu.vector_store %arg10[%swap3A_1370, %swap3A_1371, %swap3A_1372], %gather3A_1297 {strides = array<i32>} : memref<8x8x128xf32, #tpu.memory_space<vmem>>, vector<16xf32>,
        %swap3A_1374 = arith.constant 4 : i32
        %swap3A_1375 = arith.index_cast %scan3A_196 : i32 to index
        %swap3A_1376 = arith.index_cast %swap3A_1374 : i32 to index
        %swap3A_1377 = arith.constant 112 : index
        %swap3A_1378 = tpu.vector_load %arg10[%swap3A_1375, %swap3A_1376, %swap3A_1377] {strides = array<i32>} : memref<8x8x128xf32, #tpu.memory_space<vmem>>, vector<16xf32>,
        tpu.vector_store %arg10[%swap3A_1375, %swap3A_1376, %swap3A_1377], %gather3A_1301 {strides = array<i32>} : memref<8x8x128xf32, #tpu.memory_space<vmem>>, vector<16xf32>,
        %swap3A_1379 = arith.constant 5 : i32
        %swap3A_1380 = arith.index_cast %scan3A_196 : i32 to index
        %swap3A_1381 = arith.index_cast %swap3A_1379 : i32 to index
        %swap3A_1382 = arith.constant 112 : index
        %swap3A_1383 = tpu.vector_load %arg10[%swap3A_1380, %swap3A_1381, %swap3A_1382] {strides = array<i32>} : memref<8x8x128xf32, #tpu.memory_space<vmem>>, vector<16xf32>,
        tpu.vector_store %arg10[%swap3A_1380, %swap3A_1381, %swap3A_1382], %gather3A_1305 {strides = array<i32>} : memref<8x8x128xf32, #tpu.memory_space<vmem>>, vector<16xf32>,
        %swap3A_1384 = arith.constant 6 : i32
        %swap3A_1385 = arith.index_cast %scan3A_196 : i32 to index
        %swap3A_1386 = arith.index_cast %swap3A_1384 : i32 to index
        %swap3A_1387 = arith.constant 112 : index
        %swap3A_1388 = tpu.vector_load %arg10[%swap3A_1385, %swap3A_1386, %swap3A_1387] {strides = array<i32>} : memref<8x8x128xf32, #tpu.memory_space<vmem>>, vector<16xf32>,
        tpu.vector_store %arg10[%swap3A_1385, %swap3A_1386, %swap3A_1387], %gather3A_1309 {strides = array<i32>} : memref<8x8x128xf32, #tpu.memory_space<vmem>>, vector<16xf32>,
        %swap3A_1389 = arith.constant 7 : i32
        %swap3A_1390 = arith.index_cast %scan3A_196 : i32 to index
        %swap3A_1391 = arith.index_cast %swap3A_1389 : i32 to index
        %swap3A_1392 = arith.constant 112 : index
        %swap3A_1393 = tpu.vector_load %arg10[%swap3A_1390, %swap3A_1391, %swap3A_1392] {strides = array<i32>} : memref<8x8x128xf32, #tpu.memory_space<vmem>>, vector<16xf32>,
        tpu.vector_store %arg10[%swap3A_1390, %swap3A_1391, %swap3A_1392], %gather3A_1313 {strides = array<i32>} : memref<8x8x128xf32, #tpu.memory_space<vmem>>, vector<16xf32>,
      }
      %scan3A_118 = arith.constant 8 : i32
      %min3A_119 = arith.minsi %mul3A_92, %sub3A_24 : i32
      %mul3A_120 = arith.constant 32 : i32
      %mul3A_121 = arith.muli %mul3A_120, %min3A_119 : i32
      %add3A_122 = arith.addi %add3A, %mul3A_121 : i32
      %mul3A_123 = arith.constant 8 : i32
      %mul3A_124 = arith.muli %add3A_122, %mul3A_123 : i32
      %mul3A_125 = arith.constant 8 : i32
      %mul3A_126 = arith.muli %add3A_122, %mul3A_125 : i32
      %dma_start3A_127 = arith.constant 0 : i32
      %dma_start3A_128 = arith.constant 0 : i32
      %dma_start3A_129 = arith.constant 0 : i32
      %dma_start3A_130 = tpu.memref_slice %arg4[%dma_start3A_127, %mul3A_124, %dma_start3A_128, %dma_start3A_129] : memref<2x25000x8x128xf32, #tpu.memory_space<hbm>> -> memref<1x8x8x128xf32, #tpu.memory_space<hbm>>
      %dma_start3A_131 = tpu.memref_squeeze %dma_start3A_130 : memref<1x8x8x128xf32, #tpu.memory_space<hbm>> -> memref<8x8x128xf32, #tpu.memory_space<hbm>>
      %dma_start3A_132 = arith.constant 0 : i32
      %dma_start3A_133 = arith.constant 0 : i32
      %dma_start3A_134 = tpu.memref_slice %arg4[%dma_start3A_127, %mul3A_124, %dma_start3A_132, %dma_start3A_133] : memref<2x25000x8x128xf32, #tpu.memory_space<hbm>> -> memref<1x8x8x128xf32, #tpu.memory_space<hbm>>
      %dma_start3A_135 = tpu.memref_squeeze %dma_start3A_134 : memref<1x8x8x128xf32, #tpu.memory_space<hbm>> -> memref<8x8x128xf32, #tpu.memory_space<hbm>>
      tpu.enqueue_dma source(%arg8 : memref<8x8x128xf32, #tpu.memory_space<vmem>>) target(%dma_start3A_135 : memref<8x8x128xf32, #tpu.memory_space<hbm>>) target_semaphore(%arg14 : memref<!tpu.dma_semaphore, #tpu.memory_space<semaphore_mem>>)
      %dma_start3A_136 = arith.constant 1 : i32
      %dma_start3A_137 = arith.constant 0 : i32
      %dma_start3A_138 = arith.constant 0 : i32
      %dma_start3A_139 = tpu.memref_slice %arg4[%dma_start3A_136, %mul3A_126, %dma_start3A_137, %dma_start3A_138] : memref<2x25000x8x128xf32, #tpu.memory_space<hbm>> -> memref<1x8x8x128xf32, #tpu.memory_space<hbm>>
      %dma_start3A_140 = tpu.memref_squeeze %dma_start3A_139 : memref<1x8x8x128xf32, #tpu.memory_space<hbm>> -> memref<8x8x128xf32, #tpu.memory_space<hbm>>
      %dma_start3A_141 = arith.constant 0 : i32
      %dma_start3A_142 = arith.constant 0 : i32
      %dma_start3A_143 = tpu.memref_slice %arg4[%dma_start3A_136, %mul3A_126, %dma_start3A_141, %dma_start3A_142] : memref<2x25000x8x128xf32, #tpu.memory_space<hbm>> -> memref<1x8x8x128xf32, #tpu.memory_space<hbm>>
      %dma_start3A_144 = tpu.memref_squeeze %dma_start3A_143 : memref<1x8x8x128xf32, #tpu.memory_space<hbm>> -> memref<8x8x128xf32, #tpu.memory_space<hbm>>
      tpu.enqueue_dma source(%arg10 : memref<8x8x128xf32, #tpu.memory_space<vmem>>) target(%dma_start3A_144 : memref<8x8x128xf32, #tpu.memory_space<hbm>>) target_semaphore(%arg14 : memref<!tpu.dma_semaphore, #tpu.memory_space<semaphore_mem>>)
      %add3A_145 = arith.constant 1 : i32
      %add3A_146 = arith.addi %mul3A_92, %add3A_145 : i32
      %ge3A_147 = arith.constant 1 : i32
      %ge3A_148 = arith.cmpi sge, %scan3A_90, %ge3A_147 : i32
      %lt3A = arith.constant 48 : i32
      %lt3A_149 = arith.cmpi slt, %scan3A_90, %lt3A : i32
      %min3A_150 = arith.minsi %add3A_146, %sub3A_24 : i32
      %mul3A_151 = arith.constant 32 : i32
      %mul3A_152 = arith.muli %mul3A_151, %min3A_150 : i32
      %add3A_153 = arith.addi %add3A, %mul3A_152 : i32
      %mul3A_154 = arith.constant 1024 : i32
      %mul3A_155 = arith.muli %add3A_153, %mul3A_154 : i32
      %dma_wait3A_156 = tpu.memref_slice %arg3[%mul3A_155] : memref<3200000xi32, #tpu.memory_space<hbm>> -> memref<1024xi32, #tpu.memory_space<hbm>>
      %dma_wait3A_157 = tpu.memref_slice %arg3[%mul3A_155] : memref<3200000xi32, #tpu.memory_space<hbm>> -> memref<1024xi32, #tpu.memory_space<hbm>>
      tpu.wait_dma2 semaphore(%arg13 : memref<!tpu.dma_semaphore, #tpu.memory_space<semaphore_mem>>) src(%dma_wait3A_157 : memref<1024xi32, #tpu.memory_space<hbm>>) dst(%arg7 : memref<1024xi32, #tpu.memory_space<vmem>>)
      %convert_element_type3A_158 = arith.extui %lt3A_149 : i1 to i32
      %cond3A_159 = arith.constant 0 : i32
      %cond3A_160 = arith.cmpi ne, %convert_element_type3A_158, %cond3A_159 : i32
      scf.if %cond3A_160 {
        %add3A_196 = arith.constant 1 : i32
        %add3A_197 = arith.addi %add3A_146, %add3A_196 : i32
        %min3A_198 = arith.minsi %add3A_197, %sub3A_24 : i32
        %mul3A_199 = arith.constant 32 : i32
        %mul3A_200 = arith.muli %mul3A_199, %min3A_198 : i32
        %add3A_201 = arith.addi %add3A, %mul3A_200 : i32
        %mul3A_202 = arith.constant 1024 : i32
        %mul3A_203 = arith.muli %add3A_201, %mul3A_202 : i32
        %dma_start3A_204 = tpu.memref_slice %arg3[%mul3A_203] : memref<3200000xi32, #tpu.memory_space<hbm>> -> memref<1024xi32, #tpu.memory_space<hbm>>
        %dma_start3A_205 = tpu.memref_slice %arg3[%mul3A_203] : memref<3200000xi32, #tpu.memory_space<hbm>> -> memref<1024xi32, #tpu.memory_space<hbm>>
        tpu.enqueue_dma source(%dma_start3A_205 : memref<1024xi32, #tpu.memory_space<hbm>>) target(%arg6 : memref<1024xi32, #tpu.memory_space<vmem>>) target_semaphore(%arg12 : memref<!tpu.dma_semaphore, #tpu.memory_space<semaphore_mem>>)
      } else {
      }
      %convert_element_type3A_161 = arith.extui %ge3A_148 : i1 to i32
      %cond3A_162 = arith.constant 0 : i32
      %cond3A_163 = arith.cmpi ne, %convert_element_type3A_161, %cond3A_162 : i32
      scf.if %cond3A_163 {
        %sub3A_196 = arith.constant 2 : i32
        %sub3A_197 = arith.subi %add3A_146, %sub3A_196 : i32
        %min3A_198 = arith.minsi %sub3A_197, %sub3A_24 : i32
        %mul3A_199 = arith.constant 32 : i32
        %mul3A_200 = arith.muli %mul3A_199, %min3A_198 : i32
        %add3A_201 = arith.addi %add3A, %mul3A_200 : i32
        %mul3A_202 = arith.constant 8 : i32
        %mul3A_203 = arith.muli %add3A_201, %mul3A_202 : i32
        %mul3A_204 = arith.constant 8 : i32
        %mul3A_205 = arith.muli %add3A_201, %mul3A_204 : i32
        %dma_wait3A_206 = arith.constant 0 : i32
        %dma_wait3A_207 = arith.constant 0 : i32
        %dma_wait3A_208 = arith.constant 0 : i32
        %dma_wait3A_209 = tpu.memref_slice %arg4[%dma_wait3A_206, %mul3A_203, %dma_wait3A_207, %dma_wait3A_208] : memref<2x25000x8x128xf32, #tpu.memory_space<hbm>> -> memref<1x8x8x128xf32, #tpu.memory_space<hbm>>
        %dma_wait3A_210 = tpu.memref_squeeze %dma_wait3A_209 : memref<1x8x8x128xf32, #tpu.memory_space<hbm>> -> memref<8x8x128xf32, #tpu.memory_space<hbm>>
        %dma_wait3A_211 = arith.constant 0 : i32
        %dma_wait3A_212 = arith.constant 0 : i32
        %dma_wait3A_213 = tpu.memref_slice %arg4[%dma_wait3A_206, %mul3A_203, %dma_wait3A_211, %dma_wait3A_212] : memref<2x25000x8x128xf32, #tpu.memory_space<hbm>> -> memref<1x8x8x128xf32, #tpu.memory_space<hbm>>
        %dma_wait3A_214 = tpu.memref_squeeze %dma_wait3A_213 : memref<1x8x8x128xf32, #tpu.memory_space<hbm>> -> memref<8x8x128xf32, #tpu.memory_space<hbm>>
        tpu.wait_dma2 semaphore(%arg15 : memref<!tpu.dma_semaphore, #tpu.memory_space<semaphore_mem>>) src(%arg9 : memref<8x8x128xf32, #tpu.memory_space<vmem>>) dst(%dma_wait3A_214 : memref<8x8x128xf32, #tpu.memory_space<hbm>>)
        %dma_wait3A_215 = arith.constant 1 : i32
        %dma_wait3A_216 = arith.constant 0 : i32
        %dma_wait3A_217 = arith.constant 0 : i32
        %dma_wait3A_218 = tpu.memref_slice %arg4[%dma_wait3A_215, %mul3A_205, %dma_wait3A_216, %dma_wait3A_217] : memref<2x25000x8x128xf32, #tpu.memory_space<hbm>> -> memref<1x8x8x128xf32, #tpu.memory_space<hbm>>
        %dma_wait3A_219 = tpu.memref_squeeze %dma_wait3A_218 : memref<1x8x8x128xf32, #tpu.memory_space<hbm>> -> memref<8x8x128xf32, #tpu.memory_space<hbm>>
        %dma_wait3A_220 = arith.constant 0 : i32
        %dma_wait3A_221 = arith.constant 0 : i32
        %dma_wait3A_222 = tpu.memref_slice %arg4[%dma_wait3A_215, %mul3A_205, %dma_wait3A_220, %dma_wait3A_221] : memref<2x25000x8x128xf32, #tpu.memory_space<hbm>> -> memref<1x8x8x128xf32, #tpu.memory_space<hbm>>
        %dma_wait3A_223 = tpu.memref_squeeze %dma_wait3A_222 : memref<1x8x8x128xf32, #tpu.memory_space<hbm>> -> memref<8x8x128xf32, #tpu.memory_space<hbm>>
        tpu.wait_dma2 semaphore(%arg15 : memref<!tpu.dma_semaphore, #tpu.memory_space<semaphore_mem>>) src(%arg11 : memref<8x8x128xf32, #tpu.memory_space<vmem>>) dst(%dma_wait3A_223 : memref<8x8x128xf32, #tpu.memory_space<hbm>>)
      } else {
      }
      %scan3A_164 = arith.constant 0 : i32
      %scan3A_165 = arith.constant 0 : i32
      %scan3A_166 = arith.constant 8 : i32
      %scan3A_167 = arith.addi %scan3A_165, %scan3A_166 : i32
      %scan3A_168 = arith.constant 1 : i32
      scf.for %scan3A_196 = %scan3A_165 to %scan3A_167 step %scan3A_168  : i32 {
        %mul3A_197 = arith.constant 128 : i32
        %mul3A_198 = arith.muli %scan3A_196, %mul3A_197 : i32
        %add3A_199 = arith.constant 0 : i32
        %add3A_200 = arith.addi %mul3A_198, %add3A_199 : i32
        %get3A = arith.index_cast %add3A_200 : i32 to index
        %get3A_201 = tpu.vector_load %arg7[%get3A] {strides = array<i32>} : memref<1024xi32, #tpu.memory_space<vmem>>, vector<16xi32>,
        %add3A_202 = arith.constant 0 : i32
        %add3A_203 = vector.broadcast %add3A_202 : i32 to vector<16xi32>
        %add3A_204 = arith.addi %get3A_201, %add3A_203 : vector<16xi32>
        %gather3A = tpu.vector_load_idx %arg5[%add3A_204] : memref<512xf32, #tpu.memory_space<vmem>>[vector<16xi32>], vector<16xf32>,
        %add3A_205 = arith.constant 32 : i32
        %add3A_206 = vector.broadcast %add3A_205 : i32 to vector<16xi32>
        %add3A_207 = arith.addi %get3A_201, %add3A_206 : vector<16xi32>
        %gather3A_208 = tpu.vector_load_idx %arg5[%add3A_207] : memref<512xf32, #tpu.memory_space<vmem>>[vector<16xi32>], vector<16xf32>,
        %add3A_209 = arith.constant 64 : i32
        %add3A_210 = vector.broadcast %add3A_209 : i32 to vector<16xi32>
        %add3A_211 = arith.addi %get3A_201, %add3A_210 : vector<16xi32>
        %gather3A_212 = tpu.vector_load_idx %arg5[%add3A_211] : memref<512xf32, #tpu.memory_space<vmem>>[vector<16xi32>], vector<16xf32>,
        %add3A_213 = arith.constant 96 : i32
        %add3A_214 = vector.broadcast %add3A_213 : i32 to vector<16xi32>
        %add3A_215 = arith.addi %get3A_201, %add3A_214 : vector<16xi32>
        %gather3A_216 = tpu.vector_load_idx %arg5[%add3A_215] : memref<512xf32, #tpu.memory_space<vmem>>[vector<16xi32>], vector<16xf32>,
        %add3A_217 = arith.constant 128 : i32
        %add3A_218 = vector.broadcast %add3A_217 : i32 to vector<16xi32>
        %add3A_219 = arith.addi %get3A_201, %add3A_218 : vector<16xi32>
        %gather3A_220 = tpu.vector_load_idx %arg5[%add3A_219] : memref<512xf32, #tpu.memory_space<vmem>>[vector<16xi32>], vector<16xf32>,
        %add3A_221 = arith.constant 160 : i32
        %add3A_222 = vector.broadcast %add3A_221 : i32 to vector<16xi32>
        %add3A_223 = arith.addi %get3A_201, %add3A_222 : vector<16xi32>
        %gather3A_224 = tpu.vector_load_idx %arg5[%add3A_223] : memref<512xf32, #tpu.memory_space<vmem>>[vector<16xi32>], vector<16xf32>,
        %add3A_225 = arith.constant 192 : i32
        %add3A_226 = vector.broadcast %add3A_225 : i32 to vector<16xi32>
        %add3A_227 = arith.addi %get3A_201, %add3A_226 : vector<16xi32>
        %gather3A_228 = tpu.vector_load_idx %arg5[%add3A_227] : memref<512xf32, #tpu.memory_space<vmem>>[vector<16xi32>], vector<16xf32>,
        %add3A_229 = arith.constant 224 : i32
        %add3A_230 = vector.broadcast %add3A_229 : i32 to vector<16xi32>
        %add3A_231 = arith.addi %get3A_201, %add3A_230 : vector<16xi32>
        %gather3A_232 = tpu.vector_load_idx %arg5[%add3A_231] : memref<512xf32, #tpu.memory_space<vmem>>[vector<16xi32>], vector<16xf32>,
        %add3A_233 = arith.constant 256 : i32
        %add3A_234 = vector.broadcast %add3A_233 : i32 to vector<16xi32>
        %add3A_235 = arith.addi %get3A_201, %add3A_234 : vector<16xi32>
        %gather3A_236 = tpu.vector_load_idx %arg5[%add3A_235] : memref<512xf32, #tpu.memory_space<vmem>>[vector<16xi32>], vector<16xf32>,
        %add3A_237 = arith.constant 288 : i32
        %add3A_238 = vector.broadcast %add3A_237 : i32 to vector<16xi32>
        %add3A_239 = arith.addi %get3A_201, %add3A_238 : vector<16xi32>
        %gather3A_240 = tpu.vector_load_idx %arg5[%add3A_239] : memref<512xf32, #tpu.memory_space<vmem>>[vector<16xi32>], vector<16xf32>,
        %add3A_241 = arith.constant 320 : i32
        %add3A_242 = vector.broadcast %add3A_241 : i32 to vector<16xi32>
        %add3A_243 = arith.addi %get3A_201, %add3A_242 : vector<16xi32>
        %gather3A_244 = tpu.vector_load_idx %arg5[%add3A_243] : memref<512xf32, #tpu.memory_space<vmem>>[vector<16xi32>], vector<16xf32>,
        %add3A_245 = arith.constant 352 : i32
        %add3A_246 = vector.broadcast %add3A_245 : i32 to vector<16xi32>
        %add3A_247 = arith.addi %get3A_201, %add3A_246 : vector<16xi32>
        %gather3A_248 = tpu.vector_load_idx %arg5[%add3A_247] : memref<512xf32, #tpu.memory_space<vmem>>[vector<16xi32>], vector<16xf32>,
        %add3A_249 = arith.constant 384 : i32
        %add3A_250 = vector.broadcast %add3A_249 : i32 to vector<16xi32>
        %add3A_251 = arith.addi %get3A_201, %add3A_250 : vector<16xi32>
        %gather3A_252 = tpu.vector_load_idx %arg5[%add3A_251] : memref<512xf32, #tpu.memory_space<vmem>>[vector<16xi32>], vector<16xf32>,
        %add3A_253 = arith.constant 416 : i32
        %add3A_254 = vector.broadcast %add3A_253 : i32 to vector<16xi32>
        %add3A_255 = arith.addi %get3A_201, %add3A_254 : vector<16xi32>
        %gather3A_256 = tpu.vector_load_idx %arg5[%add3A_255] : memref<512xf32, #tpu.memory_space<vmem>>[vector<16xi32>], vector<16xf32>,
        %add3A_257 = arith.constant 448 : i32
        %add3A_258 = vector.broadcast %add3A_257 : i32 to vector<16xi32>
        %add3A_259 = arith.addi %get3A_201, %add3A_258 : vector<16xi32>
        %gather3A_260 = tpu.vector_load_idx %arg5[%add3A_259] : memref<512xf32, #tpu.memory_space<vmem>>[vector<16xi32>], vector<16xf32>,
        %add3A_261 = arith.constant 480 : i32
        %add3A_262 = vector.broadcast %add3A_261 : i32 to vector<16xi32>
        %add3A_263 = arith.addi %get3A_201, %add3A_262 : vector<16xi32>
        %gather3A_264 = tpu.vector_load_idx %arg5[%add3A_263] : memref<512xf32, #tpu.memory_space<vmem>>[vector<16xi32>], vector<16xf32>,
        %swap3A = arith.constant 0 : i32
        %swap3A_265 = arith.index_cast %scan3A_196 : i32 to index
        %swap3A_266 = arith.index_cast %swap3A : i32 to index
        %swap3A_267 = arith.constant 0 : index
        %swap3A_268 = tpu.vector_load %arg9[%swap3A_265, %swap3A_266, %swap3A_267] {strides = array<i32>} : memref<8x8x128xf32, #tpu.memory_space<vmem>>, vector<16xf32>,
        tpu.vector_store %arg9[%swap3A_265, %swap3A_266, %swap3A_267], %gather3A {strides = array<i32>} : memref<8x8x128xf32, #tpu.memory_space<vmem>>, vector<16xf32>,
        %swap3A_269 = arith.constant 1 : i32
        %swap3A_270 = arith.index_cast %scan3A_196 : i32 to index
        %swap3A_271 = arith.index_cast %swap3A_269 : i32 to index
        %swap3A_272 = arith.constant 0 : index
        %swap3A_273 = tpu.vector_load %arg9[%swap3A_270, %swap3A_271, %swap3A_272] {strides = array<i32>} : memref<8x8x128xf32, #tpu.memory_space<vmem>>, vector<16xf32>,
        tpu.vector_store %arg9[%swap3A_270, %swap3A_271, %swap3A_272], %gather3A_208 {strides = array<i32>} : memref<8x8x128xf32, #tpu.memory_space<vmem>>, vector<16xf32>,
        %swap3A_274 = arith.constant 2 : i32
        %swap3A_275 = arith.index_cast %scan3A_196 : i32 to index
        %swap3A_276 = arith.index_cast %swap3A_274 : i32 to index
        %swap3A_277 = arith.constant 0 : index
        %swap3A_278 = tpu.vector_load %arg9[%swap3A_275, %swap3A_276, %swap3A_277] {strides = array<i32>} : memref<8x8x128xf32, #tpu.memory_space<vmem>>, vector<16xf32>,
        tpu.vector_store %arg9[%swap3A_275, %swap3A_276, %swap3A_277], %gather3A_212 {strides = array<i32>} : memref<8x8x128xf32, #tpu.memory_space<vmem>>, vector<16xf32>,
        %swap3A_279 = arith.constant 3 : i32
        %swap3A_280 = arith.index_cast %scan3A_196 : i32 to index
        %swap3A_281 = arith.index_cast %swap3A_279 : i32 to index
        %swap3A_282 = arith.constant 0 : index
        %swap3A_283 = tpu.vector_load %arg9[%swap3A_280, %swap3A_281, %swap3A_282] {strides = array<i32>} : memref<8x8x128xf32, #tpu.memory_space<vmem>>, vector<16xf32>,
        tpu.vector_store %arg9[%swap3A_280, %swap3A_281, %swap3A_282], %gather3A_216 {strides = array<i32>} : memref<8x8x128xf32, #tpu.memory_space<vmem>>, vector<16xf32>,
        %swap3A_284 = arith.constant 4 : i32
        %swap3A_285 = arith.index_cast %scan3A_196 : i32 to index
        %swap3A_286 = arith.index_cast %swap3A_284 : i32 to index
        %swap3A_287 = arith.constant 0 : index
        %swap3A_288 = tpu.vector_load %arg9[%swap3A_285, %swap3A_286, %swap3A_287] {strides = array<i32>} : memref<8x8x128xf32, #tpu.memory_space<vmem>>, vector<16xf32>,
        tpu.vector_store %arg9[%swap3A_285, %swap3A_286, %swap3A_287], %gather3A_220 {strides = array<i32>} : memref<8x8x128xf32, #tpu.memory_space<vmem>>, vector<16xf32>,
        %swap3A_289 = arith.constant 5 : i32
        %swap3A_290 = arith.index_cast %scan3A_196 : i32 to index
        %swap3A_291 = arith.index_cast %swap3A_289 : i32 to index
        %swap3A_292 = arith.constant 0 : index
        %swap3A_293 = tpu.vector_load %arg9[%swap3A_290, %swap3A_291, %swap3A_292] {strides = array<i32>} : memref<8x8x128xf32, #tpu.memory_space<vmem>>, vector<16xf32>,
        tpu.vector_store %arg9[%swap3A_290, %swap3A_291, %swap3A_292], %gather3A_224 {strides = array<i32>} : memref<8x8x128xf32, #tpu.memory_space<vmem>>, vector<16xf32>,
        %swap3A_294 = arith.constant 6 : i32
        %swap3A_295 = arith.index_cast %scan3A_196 : i32 to index
        %swap3A_296 = arith.index_cast %swap3A_294 : i32 to index
        %swap3A_297 = arith.constant 0 : index
        %swap3A_298 = tpu.vector_load %arg9[%swap3A_295, %swap3A_296, %swap3A_297] {strides = array<i32>} : memref<8x8x128xf32, #tpu.memory_space<vmem>>, vector<16xf32>,
        tpu.vector_store %arg9[%swap3A_295, %swap3A_296, %swap3A_297], %gather3A_228 {strides = array<i32>} : memref<8x8x128xf32, #tpu.memory_space<vmem>>, vector<16xf32>,
        %swap3A_299 = arith.constant 7 : i32
        %swap3A_300 = arith.index_cast %scan3A_196 : i32 to index
        %swap3A_301 = arith.index_cast %swap3A_299 : i32 to index
        %swap3A_302 = arith.constant 0 : index
        %swap3A_303 = tpu.vector_load %arg9[%swap3A_300, %swap3A_301, %swap3A_302] {strides = array<i32>} : memref<8x8x128xf32, #tpu.memory_space<vmem>>, vector<16xf32>,
        tpu.vector_store %arg9[%swap3A_300, %swap3A_301, %swap3A_302], %gather3A_232 {strides = array<i32>} : memref<8x8x128xf32, #tpu.memory_space<vmem>>, vector<16xf32>,
        %swap3A_304 = arith.constant 0 : i32
        %swap3A_305 = arith.index_cast %scan3A_196 : i32 to index
        %swap3A_306 = arith.index_cast %swap3A_304 : i32 to index
        %swap3A_307 = arith.constant 0 : index
        %swap3A_308 = tpu.vector_load %arg11[%swap3A_305, %swap3A_306, %swap3A_307] {strides = array<i32>} : memref<8x8x128xf32, #tpu.memory_space<vmem>>, vector<16xf32>,
        tpu.vector_store %arg11[%swap3A_305, %swap3A_306, %swap3A_307], %gather3A_236 {strides = array<i32>} : memref<8x8x128xf32, #tpu.memory_space<vmem>>, vector<16xf32>,
        %swap3A_309 = arith.constant 1 : i32
        %swap3A_310 = arith.index_cast %scan3A_196 : i32 to index
        %swap3A_311 = arith.index_cast %swap3A_309 : i32 to index
        %swap3A_312 = arith.constant 0 : index
        %swap3A_313 = tpu.vector_load %arg11[%swap3A_310, %swap3A_311, %swap3A_312] {strides = array<i32>} : memref<8x8x128xf32, #tpu.memory_space<vmem>>, vector<16xf32>,
        tpu.vector_store %arg11[%swap3A_310, %swap3A_311, %swap3A_312], %gather3A_240 {strides = array<i32>} : memref<8x8x128xf32, #tpu.memory_space<vmem>>, vector<16xf32>,
        %swap3A_314 = arith.constant 2 : i32
        %swap3A_315 = arith.index_cast %scan3A_196 : i32 to index
        %swap3A_316 = arith.index_cast %swap3A_314 : i32 to index
        %swap3A_317 = arith.constant 0 : index
        %swap3A_318 = tpu.vector_load %arg11[%swap3A_315, %swap3A_316, %swap3A_317] {strides = array<i32>} : memref<8x8x128xf32, #tpu.memory_space<vmem>>, vector<16xf32>,
        tpu.vector_store %arg11[%swap3A_315, %swap3A_316, %swap3A_317], %gather3A_244 {strides = array<i32>} : memref<8x8x128xf32, #tpu.memory_space<vmem>>, vector<16xf32>,
        %swap3A_319 = arith.constant 3 : i32
        %swap3A_320 = arith.index_cast %scan3A_196 : i32 to index
        %swap3A_321 = arith.index_cast %swap3A_319 : i32 to index
        %swap3A_322 = arith.constant 0 : index
        %swap3A_323 = tpu.vector_load %arg11[%swap3A_320, %swap3A_321, %swap3A_322] {strides = array<i32>} : memref<8x8x128xf32, #tpu.memory_space<vmem>>, vector<16xf32>,
        tpu.vector_store %arg11[%swap3A_320, %swap3A_321, %swap3A_322], %gather3A_248 {strides = array<i32>} : memref<8x8x128xf32, #tpu.memory_space<vmem>>, vector<16xf32>,
        %swap3A_324 = arith.constant 4 : i32
        %swap3A_325 = arith.index_cast %scan3A_196 : i32 to index
        %swap3A_326 = arith.index_cast %swap3A_324 : i32 to index
        %swap3A_327 = arith.constant 0 : index
        %swap3A_328 = tpu.vector_load %arg11[%swap3A_325, %swap3A_326, %swap3A_327] {strides = array<i32>} : memref<8x8x128xf32, #tpu.memory_space<vmem>>, vector<16xf32>,
        tpu.vector_store %arg11[%swap3A_325, %swap3A_326, %swap3A_327], %gather3A_252 {strides = array<i32>} : memref<8x8x128xf32, #tpu.memory_space<vmem>>, vector<16xf32>,
        %swap3A_329 = arith.constant 5 : i32
        %swap3A_330 = arith.index_cast %scan3A_196 : i32 to index
        %swap3A_331 = arith.index_cast %swap3A_329 : i32 to index
        %swap3A_332 = arith.constant 0 : index
        %swap3A_333 = tpu.vector_load %arg11[%swap3A_330, %swap3A_331, %swap3A_332] {strides = array<i32>} : memref<8x8x128xf32, #tpu.memory_space<vmem>>, vector<16xf32>,
        tpu.vector_store %arg11[%swap3A_330, %swap3A_331, %swap3A_332], %gather3A_256 {strides = array<i32>} : memref<8x8x128xf32, #tpu.memory_space<vmem>>, vector<16xf32>,
        %swap3A_334 = arith.constant 6 : i32
        %swap3A_335 = arith.index_cast %scan3A_196 : i32 to index
        %swap3A_336 = arith.index_cast %swap3A_334 : i32 to index
        %swap3A_337 = arith.constant 0 : index
        %swap3A_338 = tpu.vector_load %arg11[%swap3A_335, %swap3A_336, %swap3A_337] {strides = array<i32>} : memref<8x8x128xf32, #tpu.memory_space<vmem>>, vector<16xf32>,
        tpu.vector_store %arg11[%swap3A_335, %swap3A_336, %swap3A_337], %gather3A_260 {strides = array<i32>} : memref<8x8x128xf32, #tpu.memory_space<vmem>>, vector<16xf32>,
        %swap3A_339 = arith.constant 7 : i32
        %swap3A_340 = arith.index_cast %scan3A_196 : i32 to index
        %swap3A_341 = arith.index_cast %swap3A_339 : i32 to index
        %swap3A_342 = arith.constant 0 : index
        %swap3A_343 = tpu.vector_load %arg11[%swap3A_340, %swap3A_341, %swap3A_342] {strides = array<i32>} : memref<8x8x128xf32, #tpu.memory_space<vmem>>, vector<16xf32>,
        tpu.vector_store %arg11[%swap3A_340, %swap3A_341, %swap3A_342], %gather3A_264 {strides = array<i32>} : memref<8x8x128xf32, #tpu.memory_space<vmem>>, vector<16xf32>,
        %mul3A_344 = arith.constant 128 : i32
        %mul3A_345 = arith.muli %scan3A_196, %mul3A_344 : i32
        %add3A_346 = arith.constant 16 : i32
        %add3A_347 = arith.addi %mul3A_345, %add3A_346 : i32
        %get3A_348 = arith.index_cast %add3A_347 : i32 to index
        %get3A_349 = tpu.vector_load %arg7[%get3A_348] {strides = array<i32>} : memref<1024xi32, #tpu.memory_space<vmem>>, vector<16xi32>,
        %add3A_350 = arith.constant 0 : i32
        %add3A_351 = vector.broadcast %add3A_350 : i32 to vector<16xi32>
        %add3A_352 = arith.addi %get3A_349, %add3A_351 : vector<16xi32>
        %gather3A_353 = tpu.vector_load_idx %arg5[%add3A_352] : memref<512xf32, #tpu.memory_space<vmem>>[vector<16xi32>], vector<16xf32>,
        %add3A_354 = arith.constant 32 : i32
        %add3A_355 = vector.broadcast %add3A_354 : i32 to vector<16xi32>
        %add3A_356 = arith.addi %get3A_349, %add3A_355 : vector<16xi32>
        %gather3A_357 = tpu.vector_load_idx %arg5[%add3A_356] : memref<512xf32, #tpu.memory_space<vmem>>[vector<16xi32>], vector<16xf32>,
        %add3A_358 = arith.constant 64 : i32
        %add3A_359 = vector.broadcast %add3A_358 : i32 to vector<16xi32>
        %add3A_360 = arith.addi %get3A_349, %add3A_359 : vector<16xi32>
        %gather3A_361 = tpu.vector_load_idx %arg5[%add3A_360] : memref<512xf32, #tpu.memory_space<vmem>>[vector<16xi32>], vector<16xf32>,
        %add3A_362 = arith.constant 96 : i32
        %add3A_363 = vector.broadcast %add3A_362 : i32 to vector<16xi32>
        %add3A_364 = arith.addi %get3A_349, %add3A_363 : vector<16xi32>
        %gather3A_365 = tpu.vector_load_idx %arg5[%add3A_364] : memref<512xf32, #tpu.memory_space<vmem>>[vector<16xi32>], vector<16xf32>,
        %add3A_366 = arith.constant 128 : i32
        %add3A_367 = vector.broadcast %add3A_366 : i32 to vector<16xi32>
        %add3A_368 = arith.addi %get3A_349, %add3A_367 : vector<16xi32>
        %gather3A_369 = tpu.vector_load_idx %arg5[%add3A_368] : memref<512xf32, #tpu.memory_space<vmem>>[vector<16xi32>], vector<16xf32>,
        %add3A_370 = arith.constant 160 : i32
        %add3A_371 = vector.broadcast %add3A_370 : i32 to vector<16xi32>
        %add3A_372 = arith.addi %get3A_349, %add3A_371 : vector<16xi32>
        %gather3A_373 = tpu.vector_load_idx %arg5[%add3A_372] : memref<512xf32, #tpu.memory_space<vmem>>[vector<16xi32>], vector<16xf32>,
        %add3A_374 = arith.constant 192 : i32
        %add3A_375 = vector.broadcast %add3A_374 : i32 to vector<16xi32>
        %add3A_376 = arith.addi %get3A_349, %add3A_375 : vector<16xi32>
        %gather3A_377 = tpu.vector_load_idx %arg5[%add3A_376] : memref<512xf32, #tpu.memory_space<vmem>>[vector<16xi32>], vector<16xf32>,
        %add3A_378 = arith.constant 224 : i32
        %add3A_379 = vector.broadcast %add3A_378 : i32 to vector<16xi32>
        %add3A_380 = arith.addi %get3A_349, %add3A_379 : vector<16xi32>
        %gather3A_381 = tpu.vector_load_idx %arg5[%add3A_380] : memref<512xf32, #tpu.memory_space<vmem>>[vector<16xi32>], vector<16xf32>,
        %add3A_382 = arith.constant 256 : i32
        %add3A_383 = vector.broadcast %add3A_382 : i32 to vector<16xi32>
        %add3A_384 = arith.addi %get3A_349, %add3A_383 : vector<16xi32>
        %gather3A_385 = tpu.vector_load_idx %arg5[%add3A_384] : memref<512xf32, #tpu.memory_space<vmem>>[vector<16xi32>], vector<16xf32>,
        %add3A_386 = arith.constant 288 : i32
        %add3A_387 = vector.broadcast %add3A_386 : i32 to vector<16xi32>
        %add3A_388 = arith.addi %get3A_349, %add3A_387 : vector<16xi32>
        %gather3A_389 = tpu.vector_load_idx %arg5[%add3A_388] : memref<512xf32, #tpu.memory_space<vmem>>[vector<16xi32>], vector<16xf32>,
        %add3A_390 = arith.constant 320 : i32
        %add3A_391 = vector.broadcast %add3A_390 : i32 to vector<16xi32>
        %add3A_392 = arith.addi %get3A_349, %add3A_391 : vector<16xi32>
        %gather3A_393 = tpu.vector_load_idx %arg5[%add3A_392] : memref<512xf32, #tpu.memory_space<vmem>>[vector<16xi32>], vector<16xf32>,
        %add3A_394 = arith.constant 352 : i32
        %add3A_395 = vector.broadcast %add3A_394 : i32 to vector<16xi32>
        %add3A_396 = arith.addi %get3A_349, %add3A_395 : vector<16xi32>
        %gather3A_397 = tpu.vector_load_idx %arg5[%add3A_396] : memref<512xf32, #tpu.memory_space<vmem>>[vector<16xi32>], vector<16xf32>,
        %add3A_398 = arith.constant 384 : i32
        %add3A_399 = vector.broadcast %add3A_398 : i32 to vector<16xi32>
        %add3A_400 = arith.addi %get3A_349, %add3A_399 : vector<16xi32>
        %gather3A_401 = tpu.vector_load_idx %arg5[%add3A_400] : memref<512xf32, #tpu.memory_space<vmem>>[vector<16xi32>], vector<16xf32>,
        %add3A_402 = arith.constant 416 : i32
        %add3A_403 = vector.broadcast %add3A_402 : i32 to vector<16xi32>
        %add3A_404 = arith.addi %get3A_349, %add3A_403 : vector<16xi32>
        %gather3A_405 = tpu.vector_load_idx %arg5[%add3A_404] : memref<512xf32, #tpu.memory_space<vmem>>[vector<16xi32>], vector<16xf32>,
        %add3A_406 = arith.constant 448 : i32
        %add3A_407 = vector.broadcast %add3A_406 : i32 to vector<16xi32>
        %add3A_408 = arith.addi %get3A_349, %add3A_407 : vector<16xi32>
        %gather3A_409 = tpu.vector_load_idx %arg5[%add3A_408] : memref<512xf32, #tpu.memory_space<vmem>>[vector<16xi32>], vector<16xf32>,
        %add3A_410 = arith.constant 480 : i32
        %add3A_411 = vector.broadcast %add3A_410 : i32 to vector<16xi32>
        %add3A_412 = arith.addi %get3A_349, %add3A_411 : vector<16xi32>
        %gather3A_413 = tpu.vector_load_idx %arg5[%add3A_412] : memref<512xf32, #tpu.memory_space<vmem>>[vector<16xi32>], vector<16xf32>,
        %swap3A_414 = arith.constant 0 : i32
        %swap3A_415 = arith.index_cast %scan3A_196 : i32 to index
        %swap3A_416 = arith.index_cast %swap3A_414 : i32 to index
        %swap3A_417 = arith.constant 16 : index
        %swap3A_418 = tpu.vector_load %arg9[%swap3A_415, %swap3A_416, %swap3A_417] {strides = array<i32>} : memref<8x8x128xf32, #tpu.memory_space<vmem>>, vector<16xf32>,
        tpu.vector_store %arg9[%swap3A_415, %swap3A_416, %swap3A_417], %gather3A_353 {strides = array<i32>} : memref<8x8x128xf32, #tpu.memory_space<vmem>>, vector<16xf32>,
        %swap3A_419 = arith.constant 1 : i32
        %swap3A_420 = arith.index_cast %scan3A_196 : i32 to index
        %swap3A_421 = arith.index_cast %swap3A_419 : i32 to index
        %swap3A_422 = arith.constant 16 : index
        %swap3A_423 = tpu.vector_load %arg9[%swap3A_420, %swap3A_421, %swap3A_422] {strides = array<i32>} : memref<8x8x128xf32, #tpu.memory_space<vmem>>, vector<16xf32>,
        tpu.vector_store %arg9[%swap3A_420, %swap3A_421, %swap3A_422], %gather3A_357 {strides = array<i32>} : memref<8x8x128xf32, #tpu.memory_space<vmem>>, vector<16xf32>,
        %swap3A_424 = arith.constant 2 : i32
        %swap3A_425 = arith.index_cast %scan3A_196 : i32 to index
        %swap3A_426 = arith.index_cast %swap3A_424 : i32 to index
        %swap3A_427 = arith.constant 16 : index
        %swap3A_428 = tpu.vector_load %arg9[%swap3A_425, %swap3A_426, %swap3A_427] {strides = array<i32>} : memref<8x8x128xf32, #tpu.memory_space<vmem>>, vector<16xf32>,
        tpu.vector_store %arg9[%swap3A_425, %swap3A_426, %swap3A_427], %gather3A_361 {strides = array<i32>} : memref<8x8x128xf32, #tpu.memory_space<vmem>>, vector<16xf32>,
        %swap3A_429 = arith.constant 3 : i32
        %swap3A_430 = arith.index_cast %scan3A_196 : i32 to index
        %swap3A_431 = arith.index_cast %swap3A_429 : i32 to index
        %swap3A_432 = arith.constant 16 : index
        %swap3A_433 = tpu.vector_load %arg9[%swap3A_430, %swap3A_431, %swap3A_432] {strides = array<i32>} : memref<8x8x128xf32, #tpu.memory_space<vmem>>, vector<16xf32>,
        tpu.vector_store %arg9[%swap3A_430, %swap3A_431, %swap3A_432], %gather3A_365 {strides = array<i32>} : memref<8x8x128xf32, #tpu.memory_space<vmem>>, vector<16xf32>,
        %swap3A_434 = arith.constant 4 : i32
        %swap3A_435 = arith.index_cast %scan3A_196 : i32 to index
        %swap3A_436 = arith.index_cast %swap3A_434 : i32 to index
        %swap3A_437 = arith.constant 16 : index
        %swap3A_438 = tpu.vector_load %arg9[%swap3A_435, %swap3A_436, %swap3A_437] {strides = array<i32>} : memref<8x8x128xf32, #tpu.memory_space<vmem>>, vector<16xf32>,
        tpu.vector_store %arg9[%swap3A_435, %swap3A_436, %swap3A_437], %gather3A_369 {strides = array<i32>} : memref<8x8x128xf32, #tpu.memory_space<vmem>>, vector<16xf32>,
        %swap3A_439 = arith.constant 5 : i32
        %swap3A_440 = arith.index_cast %scan3A_196 : i32 to index
        %swap3A_441 = arith.index_cast %swap3A_439 : i32 to index
        %swap3A_442 = arith.constant 16 : index
        %swap3A_443 = tpu.vector_load %arg9[%swap3A_440, %swap3A_441, %swap3A_442] {strides = array<i32>} : memref<8x8x128xf32, #tpu.memory_space<vmem>>, vector<16xf32>,
        tpu.vector_store %arg9[%swap3A_440, %swap3A_441, %swap3A_442], %gather3A_373 {strides = array<i32>} : memref<8x8x128xf32, #tpu.memory_space<vmem>>, vector<16xf32>,
        %swap3A_444 = arith.constant 6 : i32
        %swap3A_445 = arith.index_cast %scan3A_196 : i32 to index
        %swap3A_446 = arith.index_cast %swap3A_444 : i32 to index
        %swap3A_447 = arith.constant 16 : index
        %swap3A_448 = tpu.vector_load %arg9[%swap3A_445, %swap3A_446, %swap3A_447] {strides = array<i32>} : memref<8x8x128xf32, #tpu.memory_space<vmem>>, vector<16xf32>,
        tpu.vector_store %arg9[%swap3A_445, %swap3A_446, %swap3A_447], %gather3A_377 {strides = array<i32>} : memref<8x8x128xf32, #tpu.memory_space<vmem>>, vector<16xf32>,
        %swap3A_449 = arith.constant 7 : i32
        %swap3A_450 = arith.index_cast %scan3A_196 : i32 to index
        %swap3A_451 = arith.index_cast %swap3A_449 : i32 to index
        %swap3A_452 = arith.constant 16 : index
        %swap3A_453 = tpu.vector_load %arg9[%swap3A_450, %swap3A_451, %swap3A_452] {strides = array<i32>} : memref<8x8x128xf32, #tpu.memory_space<vmem>>, vector<16xf32>,
        tpu.vector_store %arg9[%swap3A_450, %swap3A_451, %swap3A_452], %gather3A_381 {strides = array<i32>} : memref<8x8x128xf32, #tpu.memory_space<vmem>>, vector<16xf32>,
        %swap3A_454 = arith.constant 0 : i32
        %swap3A_455 = arith.index_cast %scan3A_196 : i32 to index
        %swap3A_456 = arith.index_cast %swap3A_454 : i32 to index
        %swap3A_457 = arith.constant 16 : index
        %swap3A_458 = tpu.vector_load %arg11[%swap3A_455, %swap3A_456, %swap3A_457] {strides = array<i32>} : memref<8x8x128xf32, #tpu.memory_space<vmem>>, vector<16xf32>,
        tpu.vector_store %arg11[%swap3A_455, %swap3A_456, %swap3A_457], %gather3A_385 {strides = array<i32>} : memref<8x8x128xf32, #tpu.memory_space<vmem>>, vector<16xf32>,
        %swap3A_459 = arith.constant 1 : i32
        %swap3A_460 = arith.index_cast %scan3A_196 : i32 to index
        %swap3A_461 = arith.index_cast %swap3A_459 : i32 to index
        %swap3A_462 = arith.constant 16 : index
        %swap3A_463 = tpu.vector_load %arg11[%swap3A_460, %swap3A_461, %swap3A_462] {strides = array<i32>} : memref<8x8x128xf32, #tpu.memory_space<vmem>>, vector<16xf32>,
        tpu.vector_store %arg11[%swap3A_460, %swap3A_461, %swap3A_462], %gather3A_389 {strides = array<i32>} : memref<8x8x128xf32, #tpu.memory_space<vmem>>, vector<16xf32>,
        %swap3A_464 = arith.constant 2 : i32
        %swap3A_465 = arith.index_cast %scan3A_196 : i32 to index
        %swap3A_466 = arith.index_cast %swap3A_464 : i32 to index
        %swap3A_467 = arith.constant 16 : index
        %swap3A_468 = tpu.vector_load %arg11[%swap3A_465, %swap3A_466, %swap3A_467] {strides = array<i32>} : memref<8x8x128xf32, #tpu.memory_space<vmem>>, vector<16xf32>,
        tpu.vector_store %arg11[%swap3A_465, %swap3A_466, %swap3A_467], %gather3A_393 {strides = array<i32>} : memref<8x8x128xf32, #tpu.memory_space<vmem>>, vector<16xf32>,
        %swap3A_469 = arith.constant 3 : i32
        %swap3A_470 = arith.index_cast %scan3A_196 : i32 to index
        %swap3A_471 = arith.index_cast %swap3A_469 : i32 to index
        %swap3A_472 = arith.constant 16 : index
        %swap3A_473 = tpu.vector_load %arg11[%swap3A_470, %swap3A_471, %swap3A_472] {strides = array<i32>} : memref<8x8x128xf32, #tpu.memory_space<vmem>>, vector<16xf32>,
        tpu.vector_store %arg11[%swap3A_470, %swap3A_471, %swap3A_472], %gather3A_397 {strides = array<i32>} : memref<8x8x128xf32, #tpu.memory_space<vmem>>, vector<16xf32>,
        %swap3A_474 = arith.constant 4 : i32
        %swap3A_475 = arith.index_cast %scan3A_196 : i32 to index
        %swap3A_476 = arith.index_cast %swap3A_474 : i32 to index
        %swap3A_477 = arith.constant 16 : index
        %swap3A_478 = tpu.vector_load %arg11[%swap3A_475, %swap3A_476, %swap3A_477] {strides = array<i32>} : memref<8x8x128xf32, #tpu.memory_space<vmem>>, vector<16xf32>,
        tpu.vector_store %arg11[%swap3A_475, %swap3A_476, %swap3A_477], %gather3A_401 {strides = array<i32>} : memref<8x8x128xf32, #tpu.memory_space<vmem>>, vector<16xf32>,
        %swap3A_479 = arith.constant 5 : i32
        %swap3A_480 = arith.index_cast %scan3A_196 : i32 to index
        %swap3A_481 = arith.index_cast %swap3A_479 : i32 to index
        %swap3A_482 = arith.constant 16 : index
        %swap3A_483 = tpu.vector_load %arg11[%swap3A_480, %swap3A_481, %swap3A_482] {strides = array<i32>} : memref<8x8x128xf32, #tpu.memory_space<vmem>>, vector<16xf32>,
        tpu.vector_store %arg11[%swap3A_480, %swap3A_481, %swap3A_482], %gather3A_405 {strides = array<i32>} : memref<8x8x128xf32, #tpu.memory_space<vmem>>, vector<16xf32>,
        %swap3A_484 = arith.constant 6 : i32
        %swap3A_485 = arith.index_cast %scan3A_196 : i32 to index
        %swap3A_486 = arith.index_cast %swap3A_484 : i32 to index
        %swap3A_487 = arith.constant 16 : index
        %swap3A_488 = tpu.vector_load %arg11[%swap3A_485, %swap3A_486, %swap3A_487] {strides = array<i32>} : memref<8x8x128xf32, #tpu.memory_space<vmem>>, vector<16xf32>,
        tpu.vector_store %arg11[%swap3A_485, %swap3A_486, %swap3A_487], %gather3A_409 {strides = array<i32>} : memref<8x8x128xf32, #tpu.memory_space<vmem>>, vector<16xf32>,
        %swap3A_489 = arith.constant 7 : i32
        %swap3A_490 = arith.index_cast %scan3A_196 : i32 to index
        %swap3A_491 = arith.index_cast %swap3A_489 : i32 to index
        %swap3A_492 = arith.constant 16 : index
        %swap3A_493 = tpu.vector_load %arg11[%swap3A_490, %swap3A_491, %swap3A_492] {strides = array<i32>} : memref<8x8x128xf32, #tpu.memory_space<vmem>>, vector<16xf32>,
        tpu.vector_store %arg11[%swap3A_490, %swap3A_491, %swap3A_492], %gather3A_413 {strides = array<i32>} : memref<8x8x128xf32, #tpu.memory_space<vmem>>, vector<16xf32>,
        %mul3A_494 = arith.constant 128 : i32
        %mul3A_495 = arith.muli %scan3A_196, %mul3A_494 : i32
        %add3A_496 = arith.constant 32 : i32
        %add3A_497 = arith.addi %mul3A_495, %add3A_496 : i32
        %get3A_498 = arith.index_cast %add3A_497 : i32 to index
        %get3A_499 = tpu.vector_load %arg7[%get3A_498] {strides = array<i32>} : memref<1024xi32, #tpu.memory_space<vmem>>, vector<16xi32>,
        %add3A_500 = arith.constant 0 : i32
        %add3A_501 = vector.broadcast %add3A_500 : i32 to vector<16xi32>
        %add3A_502 = arith.addi %get3A_499, %add3A_501 : vector<16xi32>
        %gather3A_503 = tpu.vector_load_idx %arg5[%add3A_502] : memref<512xf32, #tpu.memory_space<vmem>>[vector<16xi32>], vector<16xf32>,
        %add3A_504 = arith.constant 32 : i32
        %add3A_505 = vector.broadcast %add3A_504 : i32 to vector<16xi32>
        %add3A_506 = arith.addi %get3A_499, %add3A_505 : vector<16xi32>
        %gather3A_507 = tpu.vector_load_idx %arg5[%add3A_506] : memref<512xf32, #tpu.memory_space<vmem>>[vector<16xi32>], vector<16xf32>,
        %add3A_508 = arith.constant 64 : i32
        %add3A_509 = vector.broadcast %add3A_508 : i32 to vector<16xi32>
        %add3A_510 = arith.addi %get3A_499, %add3A_509 : vector<16xi32>
        %gather3A_511 = tpu.vector_load_idx %arg5[%add3A_510] : memref<512xf32, #tpu.memory_space<vmem>>[vector<16xi32>], vector<16xf32>,
        %add3A_512 = arith.constant 96 : i32
        %add3A_513 = vector.broadcast %add3A_512 : i32 to vector<16xi32>
        %add3A_514 = arith.addi %get3A_499, %add3A_513 : vector<16xi32>
        %gather3A_515 = tpu.vector_load_idx %arg5[%add3A_514] : memref<512xf32, #tpu.memory_space<vmem>>[vector<16xi32>], vector<16xf32>,
        %add3A_516 = arith.constant 128 : i32
        %add3A_517 = vector.broadcast %add3A_516 : i32 to vector<16xi32>
        %add3A_518 = arith.addi %get3A_499, %add3A_517 : vector<16xi32>
        %gather3A_519 = tpu.vector_load_idx %arg5[%add3A_518] : memref<512xf32, #tpu.memory_space<vmem>>[vector<16xi32>], vector<16xf32>,
        %add3A_520 = arith.constant 160 : i32
        %add3A_521 = vector.broadcast %add3A_520 : i32 to vector<16xi32>
        %add3A_522 = arith.addi %get3A_499, %add3A_521 : vector<16xi32>
        %gather3A_523 = tpu.vector_load_idx %arg5[%add3A_522] : memref<512xf32, #tpu.memory_space<vmem>>[vector<16xi32>], vector<16xf32>,
        %add3A_524 = arith.constant 192 : i32
        %add3A_525 = vector.broadcast %add3A_524 : i32 to vector<16xi32>
        %add3A_526 = arith.addi %get3A_499, %add3A_525 : vector<16xi32>
        %gather3A_527 = tpu.vector_load_idx %arg5[%add3A_526] : memref<512xf32, #tpu.memory_space<vmem>>[vector<16xi32>], vector<16xf32>,
        %add3A_528 = arith.constant 224 : i32
        %add3A_529 = vector.broadcast %add3A_528 : i32 to vector<16xi32>
        %add3A_530 = arith.addi %get3A_499, %add3A_529 : vector<16xi32>
        %gather3A_531 = tpu.vector_load_idx %arg5[%add3A_530] : memref<512xf32, #tpu.memory_space<vmem>>[vector<16xi32>], vector<16xf32>,
        %add3A_532 = arith.constant 256 : i32
        %add3A_533 = vector.broadcast %add3A_532 : i32 to vector<16xi32>
        %add3A_534 = arith.addi %get3A_499, %add3A_533 : vector<16xi32>
        %gather3A_535 = tpu.vector_load_idx %arg5[%add3A_534] : memref<512xf32, #tpu.memory_space<vmem>>[vector<16xi32>], vector<16xf32>,
        %add3A_536 = arith.constant 288 : i32
        %add3A_537 = vector.broadcast %add3A_536 : i32 to vector<16xi32>
        %add3A_538 = arith.addi %get3A_499, %add3A_537 : vector<16xi32>
        %gather3A_539 = tpu.vector_load_idx %arg5[%add3A_538] : memref<512xf32, #tpu.memory_space<vmem>>[vector<16xi32>], vector<16xf32>,
        %add3A_540 = arith.constant 320 : i32
        %add3A_541 = vector.broadcast %add3A_540 : i32 to vector<16xi32>
        %add3A_542 = arith.addi %get3A_499, %add3A_541 : vector<16xi32>
        %gather3A_543 = tpu.vector_load_idx %arg5[%add3A_542] : memref<512xf32, #tpu.memory_space<vmem>>[vector<16xi32>], vector<16xf32>,
        %add3A_544 = arith.constant 352 : i32
        %add3A_545 = vector.broadcast %add3A_544 : i32 to vector<16xi32>
        %add3A_546 = arith.addi %get3A_499, %add3A_545 : vector<16xi32>
        %gather3A_547 = tpu.vector_load_idx %arg5[%add3A_546] : memref<512xf32, #tpu.memory_space<vmem>>[vector<16xi32>], vector<16xf32>,
        %add3A_548 = arith.constant 384 : i32
        %add3A_549 = vector.broadcast %add3A_548 : i32 to vector<16xi32>
        %add3A_550 = arith.addi %get3A_499, %add3A_549 : vector<16xi32>
        %gather3A_551 = tpu.vector_load_idx %arg5[%add3A_550] : memref<512xf32, #tpu.memory_space<vmem>>[vector<16xi32>], vector<16xf32>,
        %add3A_552 = arith.constant 416 : i32
        %add3A_553 = vector.broadcast %add3A_552 : i32 to vector<16xi32>
        %add3A_554 = arith.addi %get3A_499, %add3A_553 : vector<16xi32>
        %gather3A_555 = tpu.vector_load_idx %arg5[%add3A_554] : memref<512xf32, #tpu.memory_space<vmem>>[vector<16xi32>], vector<16xf32>,
        %add3A_556 = arith.constant 448 : i32
        %add3A_557 = vector.broadcast %add3A_556 : i32 to vector<16xi32>
        %add3A_558 = arith.addi %get3A_499, %add3A_557 : vector<16xi32>
        %gather3A_559 = tpu.vector_load_idx %arg5[%add3A_558] : memref<512xf32, #tpu.memory_space<vmem>>[vector<16xi32>], vector<16xf32>,
        %add3A_560 = arith.constant 480 : i32
        %add3A_561 = vector.broadcast %add3A_560 : i32 to vector<16xi32>
        %add3A_562 = arith.addi %get3A_499, %add3A_561 : vector<16xi32>
        %gather3A_563 = tpu.vector_load_idx %arg5[%add3A_562] : memref<512xf32, #tpu.memory_space<vmem>>[vector<16xi32>], vector<16xf32>,
        %swap3A_564 = arith.constant 0 : i32
        %swap3A_565 = arith.index_cast %scan3A_196 : i32 to index
        %swap3A_566 = arith.index_cast %swap3A_564 : i32 to index
        %swap3A_567 = arith.constant 32 : index
        %swap3A_568 = tpu.vector_load %arg9[%swap3A_565, %swap3A_566, %swap3A_567] {strides = array<i32>} : memref<8x8x128xf32, #tpu.memory_space<vmem>>, vector<16xf32>,
        tpu.vector_store %arg9[%swap3A_565, %swap3A_566, %swap3A_567], %gather3A_503 {strides = array<i32>} : memref<8x8x128xf32, #tpu.memory_space<vmem>>, vector<16xf32>,
        %swap3A_569 = arith.constant 1 : i32
        %swap3A_570 = arith.index_cast %scan3A_196 : i32 to index
        %swap3A_571 = arith.index_cast %swap3A_569 : i32 to index
        %swap3A_572 = arith.constant 32 : index
        %swap3A_573 = tpu.vector_load %arg9[%swap3A_570, %swap3A_571, %swap3A_572] {strides = array<i32>} : memref<8x8x128xf32, #tpu.memory_space<vmem>>, vector<16xf32>,
        tpu.vector_store %arg9[%swap3A_570, %swap3A_571, %swap3A_572], %gather3A_507 {strides = array<i32>} : memref<8x8x128xf32, #tpu.memory_space<vmem>>, vector<16xf32>,
        %swap3A_574 = arith.constant 2 : i32
        %swap3A_575 = arith.index_cast %scan3A_196 : i32 to index
        %swap3A_576 = arith.index_cast %swap3A_574 : i32 to index
        %swap3A_577 = arith.constant 32 : index
        %swap3A_578 = tpu.vector_load %arg9[%swap3A_575, %swap3A_576, %swap3A_577] {strides = array<i32>} : memref<8x8x128xf32, #tpu.memory_space<vmem>>, vector<16xf32>,
        tpu.vector_store %arg9[%swap3A_575, %swap3A_576, %swap3A_577], %gather3A_511 {strides = array<i32>} : memref<8x8x128xf32, #tpu.memory_space<vmem>>, vector<16xf32>,
        %swap3A_579 = arith.constant 3 : i32
        %swap3A_580 = arith.index_cast %scan3A_196 : i32 to index
        %swap3A_581 = arith.index_cast %swap3A_579 : i32 to index
        %swap3A_582 = arith.constant 32 : index
        %swap3A_583 = tpu.vector_load %arg9[%swap3A_580, %swap3A_581, %swap3A_582] {strides = array<i32>} : memref<8x8x128xf32, #tpu.memory_space<vmem>>, vector<16xf32>,
        tpu.vector_store %arg9[%swap3A_580, %swap3A_581, %swap3A_582], %gather3A_515 {strides = array<i32>} : memref<8x8x128xf32, #tpu.memory_space<vmem>>, vector<16xf32>,
        %swap3A_584 = arith.constant 4 : i32
        %swap3A_585 = arith.index_cast %scan3A_196 : i32 to index
        %swap3A_586 = arith.index_cast %swap3A_584 : i32 to index
        %swap3A_587 = arith.constant 32 : index
        %swap3A_588 = tpu.vector_load %arg9[%swap3A_585, %swap3A_586, %swap3A_587] {strides = array<i32>} : memref<8x8x128xf32, #tpu.memory_space<vmem>>, vector<16xf32>,
        tpu.vector_store %arg9[%swap3A_585, %swap3A_586, %swap3A_587], %gather3A_519 {strides = array<i32>} : memref<8x8x128xf32, #tpu.memory_space<vmem>>, vector<16xf32>,
        %swap3A_589 = arith.constant 5 : i32
        %swap3A_590 = arith.index_cast %scan3A_196 : i32 to index
        %swap3A_591 = arith.index_cast %swap3A_589 : i32 to index
        %swap3A_592 = arith.constant 32 : index
        %swap3A_593 = tpu.vector_load %arg9[%swap3A_590, %swap3A_591, %swap3A_592] {strides = array<i32>} : memref<8x8x128xf32, #tpu.memory_space<vmem>>, vector<16xf32>,
        tpu.vector_store %arg9[%swap3A_590, %swap3A_591, %swap3A_592], %gather3A_523 {strides = array<i32>} : memref<8x8x128xf32, #tpu.memory_space<vmem>>, vector<16xf32>,
        %swap3A_594 = arith.constant 6 : i32
        %swap3A_595 = arith.index_cast %scan3A_196 : i32 to index
        %swap3A_596 = arith.index_cast %swap3A_594 : i32 to index
        %swap3A_597 = arith.constant 32 : index
        %swap3A_598 = tpu.vector_load %arg9[%swap3A_595, %swap3A_596, %swap3A_597] {strides = array<i32>} : memref<8x8x128xf32, #tpu.memory_space<vmem>>, vector<16xf32>,
        tpu.vector_store %arg9[%swap3A_595, %swap3A_596, %swap3A_597], %gather3A_527 {strides = array<i32>} : memref<8x8x128xf32, #tpu.memory_space<vmem>>, vector<16xf32>,
        %swap3A_599 = arith.constant 7 : i32
        %swap3A_600 = arith.index_cast %scan3A_196 : i32 to index
        %swap3A_601 = arith.index_cast %swap3A_599 : i32 to index
        %swap3A_602 = arith.constant 32 : index
        %swap3A_603 = tpu.vector_load %arg9[%swap3A_600, %swap3A_601, %swap3A_602] {strides = array<i32>} : memref<8x8x128xf32, #tpu.memory_space<vmem>>, vector<16xf32>,
        tpu.vector_store %arg9[%swap3A_600, %swap3A_601, %swap3A_602], %gather3A_531 {strides = array<i32>} : memref<8x8x128xf32, #tpu.memory_space<vmem>>, vector<16xf32>,
        %swap3A_604 = arith.constant 0 : i32
        %swap3A_605 = arith.index_cast %scan3A_196 : i32 to index
        %swap3A_606 = arith.index_cast %swap3A_604 : i32 to index
        %swap3A_607 = arith.constant 32 : index
        %swap3A_608 = tpu.vector_load %arg11[%swap3A_605, %swap3A_606, %swap3A_607] {strides = array<i32>} : memref<8x8x128xf32, #tpu.memory_space<vmem>>, vector<16xf32>,
        tpu.vector_store %arg11[%swap3A_605, %swap3A_606, %swap3A_607], %gather3A_535 {strides = array<i32>} : memref<8x8x128xf32, #tpu.memory_space<vmem>>, vector<16xf32>,
        %swap3A_609 = arith.constant 1 : i32
        %swap3A_610 = arith.index_cast %scan3A_196 : i32 to index
        %swap3A_611 = arith.index_cast %swap3A_609 : i32 to index
        %swap3A_612 = arith.constant 32 : index
        %swap3A_613 = tpu.vector_load %arg11[%swap3A_610, %swap3A_611, %swap3A_612] {strides = array<i32>} : memref<8x8x128xf32, #tpu.memory_space<vmem>>, vector<16xf32>,
        tpu.vector_store %arg11[%swap3A_610, %swap3A_611, %swap3A_612], %gather3A_539 {strides = array<i32>} : memref<8x8x128xf32, #tpu.memory_space<vmem>>, vector<16xf32>,
        %swap3A_614 = arith.constant 2 : i32
        %swap3A_615 = arith.index_cast %scan3A_196 : i32 to index
        %swap3A_616 = arith.index_cast %swap3A_614 : i32 to index
        %swap3A_617 = arith.constant 32 : index
        %swap3A_618 = tpu.vector_load %arg11[%swap3A_615, %swap3A_616, %swap3A_617] {strides = array<i32>} : memref<8x8x128xf32, #tpu.memory_space<vmem>>, vector<16xf32>,
        tpu.vector_store %arg11[%swap3A_615, %swap3A_616, %swap3A_617], %gather3A_543 {strides = array<i32>} : memref<8x8x128xf32, #tpu.memory_space<vmem>>, vector<16xf32>,
        %swap3A_619 = arith.constant 3 : i32
        %swap3A_620 = arith.index_cast %scan3A_196 : i32 to index
        %swap3A_621 = arith.index_cast %swap3A_619 : i32 to index
        %swap3A_622 = arith.constant 32 : index
        %swap3A_623 = tpu.vector_load %arg11[%swap3A_620, %swap3A_621, %swap3A_622] {strides = array<i32>} : memref<8x8x128xf32, #tpu.memory_space<vmem>>, vector<16xf32>,
        tpu.vector_store %arg11[%swap3A_620, %swap3A_621, %swap3A_622], %gather3A_547 {strides = array<i32>} : memref<8x8x128xf32, #tpu.memory_space<vmem>>, vector<16xf32>,
        %swap3A_624 = arith.constant 4 : i32
        %swap3A_625 = arith.index_cast %scan3A_196 : i32 to index
        %swap3A_626 = arith.index_cast %swap3A_624 : i32 to index
        %swap3A_627 = arith.constant 32 : index
        %swap3A_628 = tpu.vector_load %arg11[%swap3A_625, %swap3A_626, %swap3A_627] {strides = array<i32>} : memref<8x8x128xf32, #tpu.memory_space<vmem>>, vector<16xf32>,
        tpu.vector_store %arg11[%swap3A_625, %swap3A_626, %swap3A_627], %gather3A_551 {strides = array<i32>} : memref<8x8x128xf32, #tpu.memory_space<vmem>>, vector<16xf32>,
        %swap3A_629 = arith.constant 5 : i32
        %swap3A_630 = arith.index_cast %scan3A_196 : i32 to index
        %swap3A_631 = arith.index_cast %swap3A_629 : i32 to index
        %swap3A_632 = arith.constant 32 : index
        %swap3A_633 = tpu.vector_load %arg11[%swap3A_630, %swap3A_631, %swap3A_632] {strides = array<i32>} : memref<8x8x128xf32, #tpu.memory_space<vmem>>, vector<16xf32>,
        tpu.vector_store %arg11[%swap3A_630, %swap3A_631, %swap3A_632], %gather3A_555 {strides = array<i32>} : memref<8x8x128xf32, #tpu.memory_space<vmem>>, vector<16xf32>,
        %swap3A_634 = arith.constant 6 : i32
        %swap3A_635 = arith.index_cast %scan3A_196 : i32 to index
        %swap3A_636 = arith.index_cast %swap3A_634 : i32 to index
        %swap3A_637 = arith.constant 32 : index
        %swap3A_638 = tpu.vector_load %arg11[%swap3A_635, %swap3A_636, %swap3A_637] {strides = array<i32>} : memref<8x8x128xf32, #tpu.memory_space<vmem>>, vector<16xf32>,
        tpu.vector_store %arg11[%swap3A_635, %swap3A_636, %swap3A_637], %gather3A_559 {strides = array<i32>} : memref<8x8x128xf32, #tpu.memory_space<vmem>>, vector<16xf32>,
        %swap3A_639 = arith.constant 7 : i32
        %swap3A_640 = arith.index_cast %scan3A_196 : i32 to index
        %swap3A_641 = arith.index_cast %swap3A_639 : i32 to index
        %swap3A_642 = arith.constant 32 : index
        %swap3A_643 = tpu.vector_load %arg11[%swap3A_640, %swap3A_641, %swap3A_642] {strides = array<i32>} : memref<8x8x128xf32, #tpu.memory_space<vmem>>, vector<16xf32>,
        tpu.vector_store %arg11[%swap3A_640, %swap3A_641, %swap3A_642], %gather3A_563 {strides = array<i32>} : memref<8x8x128xf32, #tpu.memory_space<vmem>>, vector<16xf32>,
        %mul3A_644 = arith.constant 128 : i32
        %mul3A_645 = arith.muli %scan3A_196, %mul3A_644 : i32
        %add3A_646 = arith.constant 48 : i32
        %add3A_647 = arith.addi %mul3A_645, %add3A_646 : i32
        %get3A_648 = arith.index_cast %add3A_647 : i32 to index
        %get3A_649 = tpu.vector_load %arg7[%get3A_648] {strides = array<i32>} : memref<1024xi32, #tpu.memory_space<vmem>>, vector<16xi32>,
        %add3A_650 = arith.constant 0 : i32
        %add3A_651 = vector.broadcast %add3A_650 : i32 to vector<16xi32>
        %add3A_652 = arith.addi %get3A_649, %add3A_651 : vector<16xi32>
        %gather3A_653 = tpu.vector_load_idx %arg5[%add3A_652] : memref<512xf32, #tpu.memory_space<vmem>>[vector<16xi32>], vector<16xf32>,
        %add3A_654 = arith.constant 32 : i32
        %add3A_655 = vector.broadcast %add3A_654 : i32 to vector<16xi32>
        %add3A_656 = arith.addi %get3A_649, %add3A_655 : vector<16xi32>
        %gather3A_657 = tpu.vector_load_idx %arg5[%add3A_656] : memref<512xf32, #tpu.memory_space<vmem>>[vector<16xi32>], vector<16xf32>,
        %add3A_658 = arith.constant 64 : i32
        %add3A_659 = vector.broadcast %add3A_658 : i32 to vector<16xi32>
        %add3A_660 = arith.addi %get3A_649, %add3A_659 : vector<16xi32>
        %gather3A_661 = tpu.vector_load_idx %arg5[%add3A_660] : memref<512xf32, #tpu.memory_space<vmem>>[vector<16xi32>], vector<16xf32>,
        %add3A_662 = arith.constant 96 : i32
        %add3A_663 = vector.broadcast %add3A_662 : i32 to vector<16xi32>
        %add3A_664 = arith.addi %get3A_649, %add3A_663 : vector<16xi32>
        %gather3A_665 = tpu.vector_load_idx %arg5[%add3A_664] : memref<512xf32, #tpu.memory_space<vmem>>[vector<16xi32>], vector<16xf32>,
        %add3A_666 = arith.constant 128 : i32
        %add3A_667 = vector.broadcast %add3A_666 : i32 to vector<16xi32>
        %add3A_668 = arith.addi %get3A_649, %add3A_667 : vector<16xi32>
        %gather3A_669 = tpu.vector_load_idx %arg5[%add3A_668] : memref<512xf32, #tpu.memory_space<vmem>>[vector<16xi32>], vector<16xf32>,
        %add3A_670 = arith.constant 160 : i32
        %add3A_671 = vector.broadcast %add3A_670 : i32 to vector<16xi32>
        %add3A_672 = arith.addi %get3A_649, %add3A_671 : vector<16xi32>
        %gather3A_673 = tpu.vector_load_idx %arg5[%add3A_672] : memref<512xf32, #tpu.memory_space<vmem>>[vector<16xi32>], vector<16xf32>,
        %add3A_674 = arith.constant 192 : i32
        %add3A_675 = vector.broadcast %add3A_674 : i32 to vector<16xi32>
        %add3A_676 = arith.addi %get3A_649, %add3A_675 : vector<16xi32>
        %gather3A_677 = tpu.vector_load_idx %arg5[%add3A_676] : memref<512xf32, #tpu.memory_space<vmem>>[vector<16xi32>], vector<16xf32>,
        %add3A_678 = arith.constant 224 : i32
        %add3A_679 = vector.broadcast %add3A_678 : i32 to vector<16xi32>
        %add3A_680 = arith.addi %get3A_649, %add3A_679 : vector<16xi32>
        %gather3A_681 = tpu.vector_load_idx %arg5[%add3A_680] : memref<512xf32, #tpu.memory_space<vmem>>[vector<16xi32>], vector<16xf32>,
        %add3A_682 = arith.constant 256 : i32
        %add3A_683 = vector.broadcast %add3A_682 : i32 to vector<16xi32>
        %add3A_684 = arith.addi %get3A_649, %add3A_683 : vector<16xi32>
        %gather3A_685 = tpu.vector_load_idx %arg5[%add3A_684] : memref<512xf32, #tpu.memory_space<vmem>>[vector<16xi32>], vector<16xf32>,
        %add3A_686 = arith.constant 288 : i32
        %add3A_687 = vector.broadcast %add3A_686 : i32 to vector<16xi32>
        %add3A_688 = arith.addi %get3A_649, %add3A_687 : vector<16xi32>
        %gather3A_689 = tpu.vector_load_idx %arg5[%add3A_688] : memref<512xf32, #tpu.memory_space<vmem>>[vector<16xi32>], vector<16xf32>,
        %add3A_690 = arith.constant 320 : i32
        %add3A_691 = vector.broadcast %add3A_690 : i32 to vector<16xi32>
        %add3A_692 = arith.addi %get3A_649, %add3A_691 : vector<16xi32>
        %gather3A_693 = tpu.vector_load_idx %arg5[%add3A_692] : memref<512xf32, #tpu.memory_space<vmem>>[vector<16xi32>], vector<16xf32>,
        %add3A_694 = arith.constant 352 : i32
        %add3A_695 = vector.broadcast %add3A_694 : i32 to vector<16xi32>
        %add3A_696 = arith.addi %get3A_649, %add3A_695 : vector<16xi32>
        %gather3A_697 = tpu.vector_load_idx %arg5[%add3A_696] : memref<512xf32, #tpu.memory_space<vmem>>[vector<16xi32>], vector<16xf32>,
        %add3A_698 = arith.constant 384 : i32
        %add3A_699 = vector.broadcast %add3A_698 : i32 to vector<16xi32>
        %add3A_700 = arith.addi %get3A_649, %add3A_699 : vector<16xi32>
        %gather3A_701 = tpu.vector_load_idx %arg5[%add3A_700] : memref<512xf32, #tpu.memory_space<vmem>>[vector<16xi32>], vector<16xf32>,
        %add3A_702 = arith.constant 416 : i32
        %add3A_703 = vector.broadcast %add3A_702 : i32 to vector<16xi32>
        %add3A_704 = arith.addi %get3A_649, %add3A_703 : vector<16xi32>
        %gather3A_705 = tpu.vector_load_idx %arg5[%add3A_704] : memref<512xf32, #tpu.memory_space<vmem>>[vector<16xi32>], vector<16xf32>,
        %add3A_706 = arith.constant 448 : i32
        %add3A_707 = vector.broadcast %add3A_706 : i32 to vector<16xi32>
        %add3A_708 = arith.addi %get3A_649, %add3A_707 : vector<16xi32>
        %gather3A_709 = tpu.vector_load_idx %arg5[%add3A_708] : memref<512xf32, #tpu.memory_space<vmem>>[vector<16xi32>], vector<16xf32>,
        %add3A_710 = arith.constant 480 : i32
        %add3A_711 = vector.broadcast %add3A_710 : i32 to vector<16xi32>
        %add3A_712 = arith.addi %get3A_649, %add3A_711 : vector<16xi32>
        %gather3A_713 = tpu.vector_load_idx %arg5[%add3A_712] : memref<512xf32, #tpu.memory_space<vmem>>[vector<16xi32>], vector<16xf32>,
        %swap3A_714 = arith.constant 0 : i32
        %swap3A_715 = arith.index_cast %scan3A_196 : i32 to index
        %swap3A_716 = arith.index_cast %swap3A_714 : i32 to index
        %swap3A_717 = arith.constant 48 : index
        %swap3A_718 = tpu.vector_load %arg9[%swap3A_715, %swap3A_716, %swap3A_717] {strides = array<i32>} : memref<8x8x128xf32, #tpu.memory_space<vmem>>, vector<16xf32>,
        tpu.vector_store %arg9[%swap3A_715, %swap3A_716, %swap3A_717], %gather3A_653 {strides = array<i32>} : memref<8x8x128xf32, #tpu.memory_space<vmem>>, vector<16xf32>,
        %swap3A_719 = arith.constant 1 : i32
        %swap3A_720 = arith.index_cast %scan3A_196 : i32 to index
        %swap3A_721 = arith.index_cast %swap3A_719 : i32 to index
        %swap3A_722 = arith.constant 48 : index
        %swap3A_723 = tpu.vector_load %arg9[%swap3A_720, %swap3A_721, %swap3A_722] {strides = array<i32>} : memref<8x8x128xf32, #tpu.memory_space<vmem>>, vector<16xf32>,
        tpu.vector_store %arg9[%swap3A_720, %swap3A_721, %swap3A_722], %gather3A_657 {strides = array<i32>} : memref<8x8x128xf32, #tpu.memory_space<vmem>>, vector<16xf32>,
        %swap3A_724 = arith.constant 2 : i32
        %swap3A_725 = arith.index_cast %scan3A_196 : i32 to index
        %swap3A_726 = arith.index_cast %swap3A_724 : i32 to index
        %swap3A_727 = arith.constant 48 : index
        %swap3A_728 = tpu.vector_load %arg9[%swap3A_725, %swap3A_726, %swap3A_727] {strides = array<i32>} : memref<8x8x128xf32, #tpu.memory_space<vmem>>, vector<16xf32>,
        tpu.vector_store %arg9[%swap3A_725, %swap3A_726, %swap3A_727], %gather3A_661 {strides = array<i32>} : memref<8x8x128xf32, #tpu.memory_space<vmem>>, vector<16xf32>,
        %swap3A_729 = arith.constant 3 : i32
        %swap3A_730 = arith.index_cast %scan3A_196 : i32 to index
        %swap3A_731 = arith.index_cast %swap3A_729 : i32 to index
        %swap3A_732 = arith.constant 48 : index
        %swap3A_733 = tpu.vector_load %arg9[%swap3A_730, %swap3A_731, %swap3A_732] {strides = array<i32>} : memref<8x8x128xf32, #tpu.memory_space<vmem>>, vector<16xf32>,
        tpu.vector_store %arg9[%swap3A_730, %swap3A_731, %swap3A_732], %gather3A_665 {strides = array<i32>} : memref<8x8x128xf32, #tpu.memory_space<vmem>>, vector<16xf32>,
        %swap3A_734 = arith.constant 4 : i32
        %swap3A_735 = arith.index_cast %scan3A_196 : i32 to index
        %swap3A_736 = arith.index_cast %swap3A_734 : i32 to index
        %swap3A_737 = arith.constant 48 : index
        %swap3A_738 = tpu.vector_load %arg9[%swap3A_735, %swap3A_736, %swap3A_737] {strides = array<i32>} : memref<8x8x128xf32, #tpu.memory_space<vmem>>, vector<16xf32>,
        tpu.vector_store %arg9[%swap3A_735, %swap3A_736, %swap3A_737], %gather3A_669 {strides = array<i32>} : memref<8x8x128xf32, #tpu.memory_space<vmem>>, vector<16xf32>,
        %swap3A_739 = arith.constant 5 : i32
        %swap3A_740 = arith.index_cast %scan3A_196 : i32 to index
        %swap3A_741 = arith.index_cast %swap3A_739 : i32 to index
        %swap3A_742 = arith.constant 48 : index
        %swap3A_743 = tpu.vector_load %arg9[%swap3A_740, %swap3A_741, %swap3A_742] {strides = array<i32>} : memref<8x8x128xf32, #tpu.memory_space<vmem>>, vector<16xf32>,
        tpu.vector_store %arg9[%swap3A_740, %swap3A_741, %swap3A_742], %gather3A_673 {strides = array<i32>} : memref<8x8x128xf32, #tpu.memory_space<vmem>>, vector<16xf32>,
        %swap3A_744 = arith.constant 6 : i32
        %swap3A_745 = arith.index_cast %scan3A_196 : i32 to index
        %swap3A_746 = arith.index_cast %swap3A_744 : i32 to index
        %swap3A_747 = arith.constant 48 : index
        %swap3A_748 = tpu.vector_load %arg9[%swap3A_745, %swap3A_746, %swap3A_747] {strides = array<i32>} : memref<8x8x128xf32, #tpu.memory_space<vmem>>, vector<16xf32>,
        tpu.vector_store %arg9[%swap3A_745, %swap3A_746, %swap3A_747], %gather3A_677 {strides = array<i32>} : memref<8x8x128xf32, #tpu.memory_space<vmem>>, vector<16xf32>,
        %swap3A_749 = arith.constant 7 : i32
        %swap3A_750 = arith.index_cast %scan3A_196 : i32 to index
        %swap3A_751 = arith.index_cast %swap3A_749 : i32 to index
        %swap3A_752 = arith.constant 48 : index
        %swap3A_753 = tpu.vector_load %arg9[%swap3A_750, %swap3A_751, %swap3A_752] {strides = array<i32>} : memref<8x8x128xf32, #tpu.memory_space<vmem>>, vector<16xf32>,
        tpu.vector_store %arg9[%swap3A_750, %swap3A_751, %swap3A_752], %gather3A_681 {strides = array<i32>} : memref<8x8x128xf32, #tpu.memory_space<vmem>>, vector<16xf32>,
        %swap3A_754 = arith.constant 0 : i32
        %swap3A_755 = arith.index_cast %scan3A_196 : i32 to index
        %swap3A_756 = arith.index_cast %swap3A_754 : i32 to index
        %swap3A_757 = arith.constant 48 : index
        %swap3A_758 = tpu.vector_load %arg11[%swap3A_755, %swap3A_756, %swap3A_757] {strides = array<i32>} : memref<8x8x128xf32, #tpu.memory_space<vmem>>, vector<16xf32>,
        tpu.vector_store %arg11[%swap3A_755, %swap3A_756, %swap3A_757], %gather3A_685 {strides = array<i32>} : memref<8x8x128xf32, #tpu.memory_space<vmem>>, vector<16xf32>,
        %swap3A_759 = arith.constant 1 : i32
        %swap3A_760 = arith.index_cast %scan3A_196 : i32 to index
        %swap3A_761 = arith.index_cast %swap3A_759 : i32 to index
        %swap3A_762 = arith.constant 48 : index
        %swap3A_763 = tpu.vector_load %arg11[%swap3A_760, %swap3A_761, %swap3A_762] {strides = array<i32>} : memref<8x8x128xf32, #tpu.memory_space<vmem>>, vector<16xf32>,
        tpu.vector_store %arg11[%swap3A_760, %swap3A_761, %swap3A_762], %gather3A_689 {strides = array<i32>} : memref<8x8x128xf32, #tpu.memory_space<vmem>>, vector<16xf32>,
        %swap3A_764 = arith.constant 2 : i32
        %swap3A_765 = arith.index_cast %scan3A_196 : i32 to index
        %swap3A_766 = arith.index_cast %swap3A_764 : i32 to index
        %swap3A_767 = arith.constant 48 : index
        %swap3A_768 = tpu.vector_load %arg11[%swap3A_765, %swap3A_766, %swap3A_767] {strides = array<i32>} : memref<8x8x128xf32, #tpu.memory_space<vmem>>, vector<16xf32>,
        tpu.vector_store %arg11[%swap3A_765, %swap3A_766, %swap3A_767], %gather3A_693 {strides = array<i32>} : memref<8x8x128xf32, #tpu.memory_space<vmem>>, vector<16xf32>,
        %swap3A_769 = arith.constant 3 : i32
        %swap3A_770 = arith.index_cast %scan3A_196 : i32 to index
        %swap3A_771 = arith.index_cast %swap3A_769 : i32 to index
        %swap3A_772 = arith.constant 48 : index
        %swap3A_773 = tpu.vector_load %arg11[%swap3A_770, %swap3A_771, %swap3A_772] {strides = array<i32>} : memref<8x8x128xf32, #tpu.memory_space<vmem>>, vector<16xf32>,
        tpu.vector_store %arg11[%swap3A_770, %swap3A_771, %swap3A_772], %gather3A_697 {strides = array<i32>} : memref<8x8x128xf32, #tpu.memory_space<vmem>>, vector<16xf32>,
        %swap3A_774 = arith.constant 4 : i32
        %swap3A_775 = arith.index_cast %scan3A_196 : i32 to index
        %swap3A_776 = arith.index_cast %swap3A_774 : i32 to index
        %swap3A_777 = arith.constant 48 : index
        %swap3A_778 = tpu.vector_load %arg11[%swap3A_775, %swap3A_776, %swap3A_777] {strides = array<i32>} : memref<8x8x128xf32, #tpu.memory_space<vmem>>, vector<16xf32>,
        tpu.vector_store %arg11[%swap3A_775, %swap3A_776, %swap3A_777], %gather3A_701 {strides = array<i32>} : memref<8x8x128xf32, #tpu.memory_space<vmem>>, vector<16xf32>,
        %swap3A_779 = arith.constant 5 : i32
        %swap3A_780 = arith.index_cast %scan3A_196 : i32 to index
        %swap3A_781 = arith.index_cast %swap3A_779 : i32 to index
        %swap3A_782 = arith.constant 48 : index
        %swap3A_783 = tpu.vector_load %arg11[%swap3A_780, %swap3A_781, %swap3A_782] {strides = array<i32>} : memref<8x8x128xf32, #tpu.memory_space<vmem>>, vector<16xf32>,
        tpu.vector_store %arg11[%swap3A_780, %swap3A_781, %swap3A_782], %gather3A_705 {strides = array<i32>} : memref<8x8x128xf32, #tpu.memory_space<vmem>>, vector<16xf32>,
        %swap3A_784 = arith.constant 6 : i32
        %swap3A_785 = arith.index_cast %scan3A_196 : i32 to index
        %swap3A_786 = arith.index_cast %swap3A_784 : i32 to index
        %swap3A_787 = arith.constant 48 : index
        %swap3A_788 = tpu.vector_load %arg11[%swap3A_785, %swap3A_786, %swap3A_787] {strides = array<i32>} : memref<8x8x128xf32, #tpu.memory_space<vmem>>, vector<16xf32>,
        tpu.vector_store %arg11[%swap3A_785, %swap3A_786, %swap3A_787], %gather3A_709 {strides = array<i32>} : memref<8x8x128xf32, #tpu.memory_space<vmem>>, vector<16xf32>,
        %swap3A_789 = arith.constant 7 : i32
        %swap3A_790 = arith.index_cast %scan3A_196 : i32 to index
        %swap3A_791 = arith.index_cast %swap3A_789 : i32 to index
        %swap3A_792 = arith.constant 48 : index
        %swap3A_793 = tpu.vector_load %arg11[%swap3A_790, %swap3A_791, %swap3A_792] {strides = array<i32>} : memref<8x8x128xf32, #tpu.memory_space<vmem>>, vector<16xf32>,
        tpu.vector_store %arg11[%swap3A_790, %swap3A_791, %swap3A_792], %gather3A_713 {strides = array<i32>} : memref<8x8x128xf32, #tpu.memory_space<vmem>>, vector<16xf32>,
        %mul3A_794 = arith.constant 128 : i32
        %mul3A_795 = arith.muli %scan3A_196, %mul3A_794 : i32
        %add3A_796 = arith.constant 64 : i32
        %add3A_797 = arith.addi %mul3A_795, %add3A_796 : i32
        %get3A_798 = arith.index_cast %add3A_797 : i32 to index
        %get3A_799 = tpu.vector_load %arg7[%get3A_798] {strides = array<i32>} : memref<1024xi32, #tpu.memory_space<vmem>>, vector<16xi32>,
        %add3A_800 = arith.constant 0 : i32
        %add3A_801 = vector.broadcast %add3A_800 : i32 to vector<16xi32>
        %add3A_802 = arith.addi %get3A_799, %add3A_801 : vector<16xi32>
        %gather3A_803 = tpu.vector_load_idx %arg5[%add3A_802] : memref<512xf32, #tpu.memory_space<vmem>>[vector<16xi32>], vector<16xf32>,
        %add3A_804 = arith.constant 32 : i32
        %add3A_805 = vector.broadcast %add3A_804 : i32 to vector<16xi32>
        %add3A_806 = arith.addi %get3A_799, %add3A_805 : vector<16xi32>
        %gather3A_807 = tpu.vector_load_idx %arg5[%add3A_806] : memref<512xf32, #tpu.memory_space<vmem>>[vector<16xi32>], vector<16xf32>,
        %add3A_808 = arith.constant 64 : i32
        %add3A_809 = vector.broadcast %add3A_808 : i32 to vector<16xi32>
        %add3A_810 = arith.addi %get3A_799, %add3A_809 : vector<16xi32>
        %gather3A_811 = tpu.vector_load_idx %arg5[%add3A_810] : memref<512xf32, #tpu.memory_space<vmem>>[vector<16xi32>], vector<16xf32>,
        %add3A_812 = arith.constant 96 : i32
        %add3A_813 = vector.broadcast %add3A_812 : i32 to vector<16xi32>
        %add3A_814 = arith.addi %get3A_799, %add3A_813 : vector<16xi32>
        %gather3A_815 = tpu.vector_load_idx %arg5[%add3A_814] : memref<512xf32, #tpu.memory_space<vmem>>[vector<16xi32>], vector<16xf32>,
        %add3A_816 = arith.constant 128 : i32
        %add3A_817 = vector.broadcast %add3A_816 : i32 to vector<16xi32>
        %add3A_818 = arith.addi %get3A_799, %add3A_817 : vector<16xi32>
        %gather3A_819 = tpu.vector_load_idx %arg5[%add3A_818] : memref<512xf32, #tpu.memory_space<vmem>>[vector<16xi32>], vector<16xf32>,
        %add3A_820 = arith.constant 160 : i32
        %add3A_821 = vector.broadcast %add3A_820 : i32 to vector<16xi32>
        %add3A_822 = arith.addi %get3A_799, %add3A_821 : vector<16xi32>
        %gather3A_823 = tpu.vector_load_idx %arg5[%add3A_822] : memref<512xf32, #tpu.memory_space<vmem>>[vector<16xi32>], vector<16xf32>,
        %add3A_824 = arith.constant 192 : i32
        %add3A_825 = vector.broadcast %add3A_824 : i32 to vector<16xi32>
        %add3A_826 = arith.addi %get3A_799, %add3A_825 : vector<16xi32>
        %gather3A_827 = tpu.vector_load_idx %arg5[%add3A_826] : memref<512xf32, #tpu.memory_space<vmem>>[vector<16xi32>], vector<16xf32>,
        %add3A_828 = arith.constant 224 : i32
        %add3A_829 = vector.broadcast %add3A_828 : i32 to vector<16xi32>
        %add3A_830 = arith.addi %get3A_799, %add3A_829 : vector<16xi32>
        %gather3A_831 = tpu.vector_load_idx %arg5[%add3A_830] : memref<512xf32, #tpu.memory_space<vmem>>[vector<16xi32>], vector<16xf32>,
        %add3A_832 = arith.constant 256 : i32
        %add3A_833 = vector.broadcast %add3A_832 : i32 to vector<16xi32>
        %add3A_834 = arith.addi %get3A_799, %add3A_833 : vector<16xi32>
        %gather3A_835 = tpu.vector_load_idx %arg5[%add3A_834] : memref<512xf32, #tpu.memory_space<vmem>>[vector<16xi32>], vector<16xf32>,
        %add3A_836 = arith.constant 288 : i32
        %add3A_837 = vector.broadcast %add3A_836 : i32 to vector<16xi32>
        %add3A_838 = arith.addi %get3A_799, %add3A_837 : vector<16xi32>
        %gather3A_839 = tpu.vector_load_idx %arg5[%add3A_838] : memref<512xf32, #tpu.memory_space<vmem>>[vector<16xi32>], vector<16xf32>,
        %add3A_840 = arith.constant 320 : i32
        %add3A_841 = vector.broadcast %add3A_840 : i32 to vector<16xi32>
        %add3A_842 = arith.addi %get3A_799, %add3A_841 : vector<16xi32>
        %gather3A_843 = tpu.vector_load_idx %arg5[%add3A_842] : memref<512xf32, #tpu.memory_space<vmem>>[vector<16xi32>], vector<16xf32>,
        %add3A_844 = arith.constant 352 : i32
        %add3A_845 = vector.broadcast %add3A_844 : i32 to vector<16xi32>
        %add3A_846 = arith.addi %get3A_799, %add3A_845 : vector<16xi32>
        %gather3A_847 = tpu.vector_load_idx %arg5[%add3A_846] : memref<512xf32, #tpu.memory_space<vmem>>[vector<16xi32>], vector<16xf32>,
        %add3A_848 = arith.constant 384 : i32
        %add3A_849 = vector.broadcast %add3A_848 : i32 to vector<16xi32>
        %add3A_850 = arith.addi %get3A_799, %add3A_849 : vector<16xi32>
        %gather3A_851 = tpu.vector_load_idx %arg5[%add3A_850] : memref<512xf32, #tpu.memory_space<vmem>>[vector<16xi32>], vector<16xf32>,
        %add3A_852 = arith.constant 416 : i32
        %add3A_853 = vector.broadcast %add3A_852 : i32 to vector<16xi32>
        %add3A_854 = arith.addi %get3A_799, %add3A_853 : vector<16xi32>
        %gather3A_855 = tpu.vector_load_idx %arg5[%add3A_854] : memref<512xf32, #tpu.memory_space<vmem>>[vector<16xi32>], vector<16xf32>,
        %add3A_856 = arith.constant 448 : i32
        %add3A_857 = vector.broadcast %add3A_856 : i32 to vector<16xi32>
        %add3A_858 = arith.addi %get3A_799, %add3A_857 : vector<16xi32>
        %gather3A_859 = tpu.vector_load_idx %arg5[%add3A_858] : memref<512xf32, #tpu.memory_space<vmem>>[vector<16xi32>], vector<16xf32>,
        %add3A_860 = arith.constant 480 : i32
        %add3A_861 = vector.broadcast %add3A_860 : i32 to vector<16xi32>
        %add3A_862 = arith.addi %get3A_799, %add3A_861 : vector<16xi32>
        %gather3A_863 = tpu.vector_load_idx %arg5[%add3A_862] : memref<512xf32, #tpu.memory_space<vmem>>[vector<16xi32>], vector<16xf32>,
        %swap3A_864 = arith.constant 0 : i32
        %swap3A_865 = arith.index_cast %scan3A_196 : i32 to index
        %swap3A_866 = arith.index_cast %swap3A_864 : i32 to index
        %swap3A_867 = arith.constant 64 : index
        %swap3A_868 = tpu.vector_load %arg9[%swap3A_865, %swap3A_866, %swap3A_867] {strides = array<i32>} : memref<8x8x128xf32, #tpu.memory_space<vmem>>, vector<16xf32>,
        tpu.vector_store %arg9[%swap3A_865, %swap3A_866, %swap3A_867], %gather3A_803 {strides = array<i32>} : memref<8x8x128xf32, #tpu.memory_space<vmem>>, vector<16xf32>,
        %swap3A_869 = arith.constant 1 : i32
        %swap3A_870 = arith.index_cast %scan3A_196 : i32 to index
        %swap3A_871 = arith.index_cast %swap3A_869 : i32 to index
        %swap3A_872 = arith.constant 64 : index
        %swap3A_873 = tpu.vector_load %arg9[%swap3A_870, %swap3A_871, %swap3A_872] {strides = array<i32>} : memref<8x8x128xf32, #tpu.memory_space<vmem>>, vector<16xf32>,
        tpu.vector_store %arg9[%swap3A_870, %swap3A_871, %swap3A_872], %gather3A_807 {strides = array<i32>} : memref<8x8x128xf32, #tpu.memory_space<vmem>>, vector<16xf32>,
        %swap3A_874 = arith.constant 2 : i32
        %swap3A_875 = arith.index_cast %scan3A_196 : i32 to index
        %swap3A_876 = arith.index_cast %swap3A_874 : i32 to index
        %swap3A_877 = arith.constant 64 : index
        %swap3A_878 = tpu.vector_load %arg9[%swap3A_875, %swap3A_876, %swap3A_877] {strides = array<i32>} : memref<8x8x128xf32, #tpu.memory_space<vmem>>, vector<16xf32>,
        tpu.vector_store %arg9[%swap3A_875, %swap3A_876, %swap3A_877], %gather3A_811 {strides = array<i32>} : memref<8x8x128xf32, #tpu.memory_space<vmem>>, vector<16xf32>,
        %swap3A_879 = arith.constant 3 : i32
        %swap3A_880 = arith.index_cast %scan3A_196 : i32 to index
        %swap3A_881 = arith.index_cast %swap3A_879 : i32 to index
        %swap3A_882 = arith.constant 64 : index
        %swap3A_883 = tpu.vector_load %arg9[%swap3A_880, %swap3A_881, %swap3A_882] {strides = array<i32>} : memref<8x8x128xf32, #tpu.memory_space<vmem>>, vector<16xf32>,
        tpu.vector_store %arg9[%swap3A_880, %swap3A_881, %swap3A_882], %gather3A_815 {strides = array<i32>} : memref<8x8x128xf32, #tpu.memory_space<vmem>>, vector<16xf32>,
        %swap3A_884 = arith.constant 4 : i32
        %swap3A_885 = arith.index_cast %scan3A_196 : i32 to index
        %swap3A_886 = arith.index_cast %swap3A_884 : i32 to index
        %swap3A_887 = arith.constant 64 : index
        %swap3A_888 = tpu.vector_load %arg9[%swap3A_885, %swap3A_886, %swap3A_887] {strides = array<i32>} : memref<8x8x128xf32, #tpu.memory_space<vmem>>, vector<16xf32>,
        tpu.vector_store %arg9[%swap3A_885, %swap3A_886, %swap3A_887], %gather3A_819 {strides = array<i32>} : memref<8x8x128xf32, #tpu.memory_space<vmem>>, vector<16xf32>,
        %swap3A_889 = arith.constant 5 : i32
        %swap3A_890 = arith.index_cast %scan3A_196 : i32 to index
        %swap3A_891 = arith.index_cast %swap3A_889 : i32 to index
        %swap3A_892 = arith.constant 64 : index
        %swap3A_893 = tpu.vector_load %arg9[%swap3A_890, %swap3A_891, %swap3A_892] {strides = array<i32>} : memref<8x8x128xf32, #tpu.memory_space<vmem>>, vector<16xf32>,
        tpu.vector_store %arg9[%swap3A_890, %swap3A_891, %swap3A_892], %gather3A_823 {strides = array<i32>} : memref<8x8x128xf32, #tpu.memory_space<vmem>>, vector<16xf32>,
        %swap3A_894 = arith.constant 6 : i32
        %swap3A_895 = arith.index_cast %scan3A_196 : i32 to index
        %swap3A_896 = arith.index_cast %swap3A_894 : i32 to index
        %swap3A_897 = arith.constant 64 : index
        %swap3A_898 = tpu.vector_load %arg9[%swap3A_895, %swap3A_896, %swap3A_897] {strides = array<i32>} : memref<8x8x128xf32, #tpu.memory_space<vmem>>, vector<16xf32>,
        tpu.vector_store %arg9[%swap3A_895, %swap3A_896, %swap3A_897], %gather3A_827 {strides = array<i32>} : memref<8x8x128xf32, #tpu.memory_space<vmem>>, vector<16xf32>,
        %swap3A_899 = arith.constant 7 : i32
        %swap3A_900 = arith.index_cast %scan3A_196 : i32 to index
        %swap3A_901 = arith.index_cast %swap3A_899 : i32 to index
        %swap3A_902 = arith.constant 64 : index
        %swap3A_903 = tpu.vector_load %arg9[%swap3A_900, %swap3A_901, %swap3A_902] {strides = array<i32>} : memref<8x8x128xf32, #tpu.memory_space<vmem>>, vector<16xf32>,
        tpu.vector_store %arg9[%swap3A_900, %swap3A_901, %swap3A_902], %gather3A_831 {strides = array<i32>} : memref<8x8x128xf32, #tpu.memory_space<vmem>>, vector<16xf32>,
        %swap3A_904 = arith.constant 0 : i32
        %swap3A_905 = arith.index_cast %scan3A_196 : i32 to index
        %swap3A_906 = arith.index_cast %swap3A_904 : i32 to index
        %swap3A_907 = arith.constant 64 : index
        %swap3A_908 = tpu.vector_load %arg11[%swap3A_905, %swap3A_906, %swap3A_907] {strides = array<i32>} : memref<8x8x128xf32, #tpu.memory_space<vmem>>, vector<16xf32>,
        tpu.vector_store %arg11[%swap3A_905, %swap3A_906, %swap3A_907], %gather3A_835 {strides = array<i32>} : memref<8x8x128xf32, #tpu.memory_space<vmem>>, vector<16xf32>,
        %swap3A_909 = arith.constant 1 : i32
        %swap3A_910 = arith.index_cast %scan3A_196 : i32 to index
        %swap3A_911 = arith.index_cast %swap3A_909 : i32 to index
        %swap3A_912 = arith.constant 64 : index
        %swap3A_913 = tpu.vector_load %arg11[%swap3A_910, %swap3A_911, %swap3A_912] {strides = array<i32>} : memref<8x8x128xf32, #tpu.memory_space<vmem>>, vector<16xf32>,
        tpu.vector_store %arg11[%swap3A_910, %swap3A_911, %swap3A_912], %gather3A_839 {strides = array<i32>} : memref<8x8x128xf32, #tpu.memory_space<vmem>>, vector<16xf32>,
        %swap3A_914 = arith.constant 2 : i32
        %swap3A_915 = arith.index_cast %scan3A_196 : i32 to index
        %swap3A_916 = arith.index_cast %swap3A_914 : i32 to index
        %swap3A_917 = arith.constant 64 : index
        %swap3A_918 = tpu.vector_load %arg11[%swap3A_915, %swap3A_916, %swap3A_917] {strides = array<i32>} : memref<8x8x128xf32, #tpu.memory_space<vmem>>, vector<16xf32>,
        tpu.vector_store %arg11[%swap3A_915, %swap3A_916, %swap3A_917], %gather3A_843 {strides = array<i32>} : memref<8x8x128xf32, #tpu.memory_space<vmem>>, vector<16xf32>,
        %swap3A_919 = arith.constant 3 : i32
        %swap3A_920 = arith.index_cast %scan3A_196 : i32 to index
        %swap3A_921 = arith.index_cast %swap3A_919 : i32 to index
        %swap3A_922 = arith.constant 64 : index
        %swap3A_923 = tpu.vector_load %arg11[%swap3A_920, %swap3A_921, %swap3A_922] {strides = array<i32>} : memref<8x8x128xf32, #tpu.memory_space<vmem>>, vector<16xf32>,
        tpu.vector_store %arg11[%swap3A_920, %swap3A_921, %swap3A_922], %gather3A_847 {strides = array<i32>} : memref<8x8x128xf32, #tpu.memory_space<vmem>>, vector<16xf32>,
        %swap3A_924 = arith.constant 4 : i32
        %swap3A_925 = arith.index_cast %scan3A_196 : i32 to index
        %swap3A_926 = arith.index_cast %swap3A_924 : i32 to index
        %swap3A_927 = arith.constant 64 : index
        %swap3A_928 = tpu.vector_load %arg11[%swap3A_925, %swap3A_926, %swap3A_927] {strides = array<i32>} : memref<8x8x128xf32, #tpu.memory_space<vmem>>, vector<16xf32>,
        tpu.vector_store %arg11[%swap3A_925, %swap3A_926, %swap3A_927], %gather3A_851 {strides = array<i32>} : memref<8x8x128xf32, #tpu.memory_space<vmem>>, vector<16xf32>,
        %swap3A_929 = arith.constant 5 : i32
        %swap3A_930 = arith.index_cast %scan3A_196 : i32 to index
        %swap3A_931 = arith.index_cast %swap3A_929 : i32 to index
        %swap3A_932 = arith.constant 64 : index
        %swap3A_933 = tpu.vector_load %arg11[%swap3A_930, %swap3A_931, %swap3A_932] {strides = array<i32>} : memref<8x8x128xf32, #tpu.memory_space<vmem>>, vector<16xf32>,
        tpu.vector_store %arg11[%swap3A_930, %swap3A_931, %swap3A_932], %gather3A_855 {strides = array<i32>} : memref<8x8x128xf32, #tpu.memory_space<vmem>>, vector<16xf32>,
        %swap3A_934 = arith.constant 6 : i32
        %swap3A_935 = arith.index_cast %scan3A_196 : i32 to index
        %swap3A_936 = arith.index_cast %swap3A_934 : i32 to index
        %swap3A_937 = arith.constant 64 : index
        %swap3A_938 = tpu.vector_load %arg11[%swap3A_935, %swap3A_936, %swap3A_937] {strides = array<i32>} : memref<8x8x128xf32, #tpu.memory_space<vmem>>, vector<16xf32>,
        tpu.vector_store %arg11[%swap3A_935, %swap3A_936, %swap3A_937], %gather3A_859 {strides = array<i32>} : memref<8x8x128xf32, #tpu.memory_space<vmem>>, vector<16xf32>,
        %swap3A_939 = arith.constant 7 : i32
        %swap3A_940 = arith.index_cast %scan3A_196 : i32 to index
        %swap3A_941 = arith.index_cast %swap3A_939 : i32 to index
        %swap3A_942 = arith.constant 64 : index
        %swap3A_943 = tpu.vector_load %arg11[%swap3A_940, %swap3A_941, %swap3A_942] {strides = array<i32>} : memref<8x8x128xf32, #tpu.memory_space<vmem>>, vector<16xf32>,
        tpu.vector_store %arg11[%swap3A_940, %swap3A_941, %swap3A_942], %gather3A_863 {strides = array<i32>} : memref<8x8x128xf32, #tpu.memory_space<vmem>>, vector<16xf32>,
        %mul3A_944 = arith.constant 128 : i32
        %mul3A_945 = arith.muli %scan3A_196, %mul3A_944 : i32
        %add3A_946 = arith.constant 80 : i32
        %add3A_947 = arith.addi %mul3A_945, %add3A_946 : i32
        %get3A_948 = arith.index_cast %add3A_947 : i32 to index
        %get3A_949 = tpu.vector_load %arg7[%get3A_948] {strides = array<i32>} : memref<1024xi32, #tpu.memory_space<vmem>>, vector<16xi32>,
        %add3A_950 = arith.constant 0 : i32
        %add3A_951 = vector.broadcast %add3A_950 : i32 to vector<16xi32>
        %add3A_952 = arith.addi %get3A_949, %add3A_951 : vector<16xi32>
        %gather3A_953 = tpu.vector_load_idx %arg5[%add3A_952] : memref<512xf32, #tpu.memory_space<vmem>>[vector<16xi32>], vector<16xf32>,
        %add3A_954 = arith.constant 32 : i32
        %add3A_955 = vector.broadcast %add3A_954 : i32 to vector<16xi32>
        %add3A_956 = arith.addi %get3A_949, %add3A_955 : vector<16xi32>
        %gather3A_957 = tpu.vector_load_idx %arg5[%add3A_956] : memref<512xf32, #tpu.memory_space<vmem>>[vector<16xi32>], vector<16xf32>,
        %add3A_958 = arith.constant 64 : i32
        %add3A_959 = vector.broadcast %add3A_958 : i32 to vector<16xi32>
        %add3A_960 = arith.addi %get3A_949, %add3A_959 : vector<16xi32>
        %gather3A_961 = tpu.vector_load_idx %arg5[%add3A_960] : memref<512xf32, #tpu.memory_space<vmem>>[vector<16xi32>], vector<16xf32>,
        %add3A_962 = arith.constant 96 : i32
        %add3A_963 = vector.broadcast %add3A_962 : i32 to vector<16xi32>
        %add3A_964 = arith.addi %get3A_949, %add3A_963 : vector<16xi32>
        %gather3A_965 = tpu.vector_load_idx %arg5[%add3A_964] : memref<512xf32, #tpu.memory_space<vmem>>[vector<16xi32>], vector<16xf32>,
        %add3A_966 = arith.constant 128 : i32
        %add3A_967 = vector.broadcast %add3A_966 : i32 to vector<16xi32>
        %add3A_968 = arith.addi %get3A_949, %add3A_967 : vector<16xi32>
        %gather3A_969 = tpu.vector_load_idx %arg5[%add3A_968] : memref<512xf32, #tpu.memory_space<vmem>>[vector<16xi32>], vector<16xf32>,
        %add3A_970 = arith.constant 160 : i32
        %add3A_971 = vector.broadcast %add3A_970 : i32 to vector<16xi32>
        %add3A_972 = arith.addi %get3A_949, %add3A_971 : vector<16xi32>
        %gather3A_973 = tpu.vector_load_idx %arg5[%add3A_972] : memref<512xf32, #tpu.memory_space<vmem>>[vector<16xi32>], vector<16xf32>,
        %add3A_974 = arith.constant 192 : i32
        %add3A_975 = vector.broadcast %add3A_974 : i32 to vector<16xi32>
        %add3A_976 = arith.addi %get3A_949, %add3A_975 : vector<16xi32>
        %gather3A_977 = tpu.vector_load_idx %arg5[%add3A_976] : memref<512xf32, #tpu.memory_space<vmem>>[vector<16xi32>], vector<16xf32>,
        %add3A_978 = arith.constant 224 : i32
        %add3A_979 = vector.broadcast %add3A_978 : i32 to vector<16xi32>
        %add3A_980 = arith.addi %get3A_949, %add3A_979 : vector<16xi32>
        %gather3A_981 = tpu.vector_load_idx %arg5[%add3A_980] : memref<512xf32, #tpu.memory_space<vmem>>[vector<16xi32>], vector<16xf32>,
        %add3A_982 = arith.constant 256 : i32
        %add3A_983 = vector.broadcast %add3A_982 : i32 to vector<16xi32>
        %add3A_984 = arith.addi %get3A_949, %add3A_983 : vector<16xi32>
        %gather3A_985 = tpu.vector_load_idx %arg5[%add3A_984] : memref<512xf32, #tpu.memory_space<vmem>>[vector<16xi32>], vector<16xf32>,
        %add3A_986 = arith.constant 288 : i32
        %add3A_987 = vector.broadcast %add3A_986 : i32 to vector<16xi32>
        %add3A_988 = arith.addi %get3A_949, %add3A_987 : vector<16xi32>
        %gather3A_989 = tpu.vector_load_idx %arg5[%add3A_988] : memref<512xf32, #tpu.memory_space<vmem>>[vector<16xi32>], vector<16xf32>,
        %add3A_990 = arith.constant 320 : i32
        %add3A_991 = vector.broadcast %add3A_990 : i32 to vector<16xi32>
        %add3A_992 = arith.addi %get3A_949, %add3A_991 : vector<16xi32>
        %gather3A_993 = tpu.vector_load_idx %arg5[%add3A_992] : memref<512xf32, #tpu.memory_space<vmem>>[vector<16xi32>], vector<16xf32>,
        %add3A_994 = arith.constant 352 : i32
        %add3A_995 = vector.broadcast %add3A_994 : i32 to vector<16xi32>
        %add3A_996 = arith.addi %get3A_949, %add3A_995 : vector<16xi32>
        %gather3A_997 = tpu.vector_load_idx %arg5[%add3A_996] : memref<512xf32, #tpu.memory_space<vmem>>[vector<16xi32>], vector<16xf32>,
        %add3A_998 = arith.constant 384 : i32
        %add3A_999 = vector.broadcast %add3A_998 : i32 to vector<16xi32>
        %add3A_1000 = arith.addi %get3A_949, %add3A_999 : vector<16xi32>
        %gather3A_1001 = tpu.vector_load_idx %arg5[%add3A_1000] : memref<512xf32, #tpu.memory_space<vmem>>[vector<16xi32>], vector<16xf32>,
        %add3A_1002 = arith.constant 416 : i32
        %add3A_1003 = vector.broadcast %add3A_1002 : i32 to vector<16xi32>
        %add3A_1004 = arith.addi %get3A_949, %add3A_1003 : vector<16xi32>
        %gather3A_1005 = tpu.vector_load_idx %arg5[%add3A_1004] : memref<512xf32, #tpu.memory_space<vmem>>[vector<16xi32>], vector<16xf32>,
        %add3A_1006 = arith.constant 448 : i32
        %add3A_1007 = vector.broadcast %add3A_1006 : i32 to vector<16xi32>
        %add3A_1008 = arith.addi %get3A_949, %add3A_1007 : vector<16xi32>
        %gather3A_1009 = tpu.vector_load_idx %arg5[%add3A_1008] : memref<512xf32, #tpu.memory_space<vmem>>[vector<16xi32>], vector<16xf32>,
        %add3A_1010 = arith.constant 480 : i32
        %add3A_1011 = vector.broadcast %add3A_1010 : i32 to vector<16xi32>
        %add3A_1012 = arith.addi %get3A_949, %add3A_1011 : vector<16xi32>
        %gather3A_1013 = tpu.vector_load_idx %arg5[%add3A_1012] : memref<512xf32, #tpu.memory_space<vmem>>[vector<16xi32>], vector<16xf32>,
        %swap3A_1014 = arith.constant 0 : i32
        %swap3A_1015 = arith.index_cast %scan3A_196 : i32 to index
        %swap3A_1016 = arith.index_cast %swap3A_1014 : i32 to index
        %swap3A_1017 = arith.constant 80 : index
        %swap3A_1018 = tpu.vector_load %arg9[%swap3A_1015, %swap3A_1016, %swap3A_1017] {strides = array<i32>} : memref<8x8x128xf32, #tpu.memory_space<vmem>>, vector<16xf32>,
        tpu.vector_store %arg9[%swap3A_1015, %swap3A_1016, %swap3A_1017], %gather3A_953 {strides = array<i32>} : memref<8x8x128xf32, #tpu.memory_space<vmem>>, vector<16xf32>,
        %swap3A_1019 = arith.constant 1 : i32
        %swap3A_1020 = arith.index_cast %scan3A_196 : i32 to index
        %swap3A_1021 = arith.index_cast %swap3A_1019 : i32 to index
        %swap3A_1022 = arith.constant 80 : index
        %swap3A_1023 = tpu.vector_load %arg9[%swap3A_1020, %swap3A_1021, %swap3A_1022] {strides = array<i32>} : memref<8x8x128xf32, #tpu.memory_space<vmem>>, vector<16xf32>,
        tpu.vector_store %arg9[%swap3A_1020, %swap3A_1021, %swap3A_1022], %gather3A_957 {strides = array<i32>} : memref<8x8x128xf32, #tpu.memory_space<vmem>>, vector<16xf32>,
        %swap3A_1024 = arith.constant 2 : i32
        %swap3A_1025 = arith.index_cast %scan3A_196 : i32 to index
        %swap3A_1026 = arith.index_cast %swap3A_1024 : i32 to index
        %swap3A_1027 = arith.constant 80 : index
        %swap3A_1028 = tpu.vector_load %arg9[%swap3A_1025, %swap3A_1026, %swap3A_1027] {strides = array<i32>} : memref<8x8x128xf32, #tpu.memory_space<vmem>>, vector<16xf32>,
        tpu.vector_store %arg9[%swap3A_1025, %swap3A_1026, %swap3A_1027], %gather3A_961 {strides = array<i32>} : memref<8x8x128xf32, #tpu.memory_space<vmem>>, vector<16xf32>,
        %swap3A_1029 = arith.constant 3 : i32
        %swap3A_1030 = arith.index_cast %scan3A_196 : i32 to index
        %swap3A_1031 = arith.index_cast %swap3A_1029 : i32 to index
        %swap3A_1032 = arith.constant 80 : index
        %swap3A_1033 = tpu.vector_load %arg9[%swap3A_1030, %swap3A_1031, %swap3A_1032] {strides = array<i32>} : memref<8x8x128xf32, #tpu.memory_space<vmem>>, vector<16xf32>,
        tpu.vector_store %arg9[%swap3A_1030, %swap3A_1031, %swap3A_1032], %gather3A_965 {strides = array<i32>} : memref<8x8x128xf32, #tpu.memory_space<vmem>>, vector<16xf32>,
        %swap3A_1034 = arith.constant 4 : i32
        %swap3A_1035 = arith.index_cast %scan3A_196 : i32 to index
        %swap3A_1036 = arith.index_cast %swap3A_1034 : i32 to index
        %swap3A_1037 = arith.constant 80 : index
        %swap3A_1038 = tpu.vector_load %arg9[%swap3A_1035, %swap3A_1036, %swap3A_1037] {strides = array<i32>} : memref<8x8x128xf32, #tpu.memory_space<vmem>>, vector<16xf32>,
        tpu.vector_store %arg9[%swap3A_1035, %swap3A_1036, %swap3A_1037], %gather3A_969 {strides = array<i32>} : memref<8x8x128xf32, #tpu.memory_space<vmem>>, vector<16xf32>,
        %swap3A_1039 = arith.constant 5 : i32
        %swap3A_1040 = arith.index_cast %scan3A_196 : i32 to index
        %swap3A_1041 = arith.index_cast %swap3A_1039 : i32 to index
        %swap3A_1042 = arith.constant 80 : index
        %swap3A_1043 = tpu.vector_load %arg9[%swap3A_1040, %swap3A_1041, %swap3A_1042] {strides = array<i32>} : memref<8x8x128xf32, #tpu.memory_space<vmem>>, vector<16xf32>,
        tpu.vector_store %arg9[%swap3A_1040, %swap3A_1041, %swap3A_1042], %gather3A_973 {strides = array<i32>} : memref<8x8x128xf32, #tpu.memory_space<vmem>>, vector<16xf32>,
        %swap3A_1044 = arith.constant 6 : i32
        %swap3A_1045 = arith.index_cast %scan3A_196 : i32 to index
        %swap3A_1046 = arith.index_cast %swap3A_1044 : i32 to index
        %swap3A_1047 = arith.constant 80 : index
        %swap3A_1048 = tpu.vector_load %arg9[%swap3A_1045, %swap3A_1046, %swap3A_1047] {strides = array<i32>} : memref<8x8x128xf32, #tpu.memory_space<vmem>>, vector<16xf32>,
        tpu.vector_store %arg9[%swap3A_1045, %swap3A_1046, %swap3A_1047], %gather3A_977 {strides = array<i32>} : memref<8x8x128xf32, #tpu.memory_space<vmem>>, vector<16xf32>,
        %swap3A_1049 = arith.constant 7 : i32
        %swap3A_1050 = arith.index_cast %scan3A_196 : i32 to index
        %swap3A_1051 = arith.index_cast %swap3A_1049 : i32 to index
        %swap3A_1052 = arith.constant 80 : index
        %swap3A_1053 = tpu.vector_load %arg9[%swap3A_1050, %swap3A_1051, %swap3A_1052] {strides = array<i32>} : memref<8x8x128xf32, #tpu.memory_space<vmem>>, vector<16xf32>,
        tpu.vector_store %arg9[%swap3A_1050, %swap3A_1051, %swap3A_1052], %gather3A_981 {strides = array<i32>} : memref<8x8x128xf32, #tpu.memory_space<vmem>>, vector<16xf32>,
        %swap3A_1054 = arith.constant 0 : i32
        %swap3A_1055 = arith.index_cast %scan3A_196 : i32 to index
        %swap3A_1056 = arith.index_cast %swap3A_1054 : i32 to index
        %swap3A_1057 = arith.constant 80 : index
        %swap3A_1058 = tpu.vector_load %arg11[%swap3A_1055, %swap3A_1056, %swap3A_1057] {strides = array<i32>} : memref<8x8x128xf32, #tpu.memory_space<vmem>>, vector<16xf32>,
        tpu.vector_store %arg11[%swap3A_1055, %swap3A_1056, %swap3A_1057], %gather3A_985 {strides = array<i32>} : memref<8x8x128xf32, #tpu.memory_space<vmem>>, vector<16xf32>,
        %swap3A_1059 = arith.constant 1 : i32
        %swap3A_1060 = arith.index_cast %scan3A_196 : i32 to index
        %swap3A_1061 = arith.index_cast %swap3A_1059 : i32 to index
        %swap3A_1062 = arith.constant 80 : index
        %swap3A_1063 = tpu.vector_load %arg11[%swap3A_1060, %swap3A_1061, %swap3A_1062] {strides = array<i32>} : memref<8x8x128xf32, #tpu.memory_space<vmem>>, vector<16xf32>,
        tpu.vector_store %arg11[%swap3A_1060, %swap3A_1061, %swap3A_1062], %gather3A_989 {strides = array<i32>} : memref<8x8x128xf32, #tpu.memory_space<vmem>>, vector<16xf32>,
        %swap3A_1064 = arith.constant 2 : i32
        %swap3A_1065 = arith.index_cast %scan3A_196 : i32 to index
        %swap3A_1066 = arith.index_cast %swap3A_1064 : i32 to index
        %swap3A_1067 = arith.constant 80 : index
        %swap3A_1068 = tpu.vector_load %arg11[%swap3A_1065, %swap3A_1066, %swap3A_1067] {strides = array<i32>} : memref<8x8x128xf32, #tpu.memory_space<vmem>>, vector<16xf32>,
        tpu.vector_store %arg11[%swap3A_1065, %swap3A_1066, %swap3A_1067], %gather3A_993 {strides = array<i32>} : memref<8x8x128xf32, #tpu.memory_space<vmem>>, vector<16xf32>,
        %swap3A_1069 = arith.constant 3 : i32
        %swap3A_1070 = arith.index_cast %scan3A_196 : i32 to index
        %swap3A_1071 = arith.index_cast %swap3A_1069 : i32 to index
        %swap3A_1072 = arith.constant 80 : index
        %swap3A_1073 = tpu.vector_load %arg11[%swap3A_1070, %swap3A_1071, %swap3A_1072] {strides = array<i32>} : memref<8x8x128xf32, #tpu.memory_space<vmem>>, vector<16xf32>,
        tpu.vector_store %arg11[%swap3A_1070, %swap3A_1071, %swap3A_1072], %gather3A_997 {strides = array<i32>} : memref<8x8x128xf32, #tpu.memory_space<vmem>>, vector<16xf32>,
        %swap3A_1074 = arith.constant 4 : i32
        %swap3A_1075 = arith.index_cast %scan3A_196 : i32 to index
        %swap3A_1076 = arith.index_cast %swap3A_1074 : i32 to index
        %swap3A_1077 = arith.constant 80 : index
        %swap3A_1078 = tpu.vector_load %arg11[%swap3A_1075, %swap3A_1076, %swap3A_1077] {strides = array<i32>} : memref<8x8x128xf32, #tpu.memory_space<vmem>>, vector<16xf32>,
        tpu.vector_store %arg11[%swap3A_1075, %swap3A_1076, %swap3A_1077], %gather3A_1001 {strides = array<i32>} : memref<8x8x128xf32, #tpu.memory_space<vmem>>, vector<16xf32>,
        %swap3A_1079 = arith.constant 5 : i32
        %swap3A_1080 = arith.index_cast %scan3A_196 : i32 to index
        %swap3A_1081 = arith.index_cast %swap3A_1079 : i32 to index
        %swap3A_1082 = arith.constant 80 : index
        %swap3A_1083 = tpu.vector_load %arg11[%swap3A_1080, %swap3A_1081, %swap3A_1082] {strides = array<i32>} : memref<8x8x128xf32, #tpu.memory_space<vmem>>, vector<16xf32>,
        tpu.vector_store %arg11[%swap3A_1080, %swap3A_1081, %swap3A_1082], %gather3A_1005 {strides = array<i32>} : memref<8x8x128xf32, #tpu.memory_space<vmem>>, vector<16xf32>,
        %swap3A_1084 = arith.constant 6 : i32
        %swap3A_1085 = arith.index_cast %scan3A_196 : i32 to index
        %swap3A_1086 = arith.index_cast %swap3A_1084 : i32 to index
        %swap3A_1087 = arith.constant 80 : index
        %swap3A_1088 = tpu.vector_load %arg11[%swap3A_1085, %swap3A_1086, %swap3A_1087] {strides = array<i32>} : memref<8x8x128xf32, #tpu.memory_space<vmem>>, vector<16xf32>,
        tpu.vector_store %arg11[%swap3A_1085, %swap3A_1086, %swap3A_1087], %gather3A_1009 {strides = array<i32>} : memref<8x8x128xf32, #tpu.memory_space<vmem>>, vector<16xf32>,
        %swap3A_1089 = arith.constant 7 : i32
        %swap3A_1090 = arith.index_cast %scan3A_196 : i32 to index
        %swap3A_1091 = arith.index_cast %swap3A_1089 : i32 to index
        %swap3A_1092 = arith.constant 80 : index
        %swap3A_1093 = tpu.vector_load %arg11[%swap3A_1090, %swap3A_1091, %swap3A_1092] {strides = array<i32>} : memref<8x8x128xf32, #tpu.memory_space<vmem>>, vector<16xf32>,
        tpu.vector_store %arg11[%swap3A_1090, %swap3A_1091, %swap3A_1092], %gather3A_1013 {strides = array<i32>} : memref<8x8x128xf32, #tpu.memory_space<vmem>>, vector<16xf32>,
        %mul3A_1094 = arith.constant 128 : i32
        %mul3A_1095 = arith.muli %scan3A_196, %mul3A_1094 : i32
        %add3A_1096 = arith.constant 96 : i32
        %add3A_1097 = arith.addi %mul3A_1095, %add3A_1096 : i32
        %get3A_1098 = arith.index_cast %add3A_1097 : i32 to index
        %get3A_1099 = tpu.vector_load %arg7[%get3A_1098] {strides = array<i32>} : memref<1024xi32, #tpu.memory_space<vmem>>, vector<16xi32>,
        %add3A_1100 = arith.constant 0 : i32
        %add3A_1101 = vector.broadcast %add3A_1100 : i32 to vector<16xi32>
        %add3A_1102 = arith.addi %get3A_1099, %add3A_1101 : vector<16xi32>
        %gather3A_1103 = tpu.vector_load_idx %arg5[%add3A_1102] : memref<512xf32, #tpu.memory_space<vmem>>[vector<16xi32>], vector<16xf32>,
        %add3A_1104 = arith.constant 32 : i32
        %add3A_1105 = vector.broadcast %add3A_1104 : i32 to vector<16xi32>
        %add3A_1106 = arith.addi %get3A_1099, %add3A_1105 : vector<16xi32>
        %gather3A_1107 = tpu.vector_load_idx %arg5[%add3A_1106] : memref<512xf32, #tpu.memory_space<vmem>>[vector<16xi32>], vector<16xf32>,
        %add3A_1108 = arith.constant 64 : i32
        %add3A_1109 = vector.broadcast %add3A_1108 : i32 to vector<16xi32>
        %add3A_1110 = arith.addi %get3A_1099, %add3A_1109 : vector<16xi32>
        %gather3A_1111 = tpu.vector_load_idx %arg5[%add3A_1110] : memref<512xf32, #tpu.memory_space<vmem>>[vector<16xi32>], vector<16xf32>,
        %add3A_1112 = arith.constant 96 : i32
        %add3A_1113 = vector.broadcast %add3A_1112 : i32 to vector<16xi32>
        %add3A_1114 = arith.addi %get3A_1099, %add3A_1113 : vector<16xi32>
        %gather3A_1115 = tpu.vector_load_idx %arg5[%add3A_1114] : memref<512xf32, #tpu.memory_space<vmem>>[vector<16xi32>], vector<16xf32>,
        %add3A_1116 = arith.constant 128 : i32
        %add3A_1117 = vector.broadcast %add3A_1116 : i32 to vector<16xi32>
        %add3A_1118 = arith.addi %get3A_1099, %add3A_1117 : vector<16xi32>
        %gather3A_1119 = tpu.vector_load_idx %arg5[%add3A_1118] : memref<512xf32, #tpu.memory_space<vmem>>[vector<16xi32>], vector<16xf32>,
        %add3A_1120 = arith.constant 160 : i32
        %add3A_1121 = vector.broadcast %add3A_1120 : i32 to vector<16xi32>
        %add3A_1122 = arith.addi %get3A_1099, %add3A_1121 : vector<16xi32>
        %gather3A_1123 = tpu.vector_load_idx %arg5[%add3A_1122] : memref<512xf32, #tpu.memory_space<vmem>>[vector<16xi32>], vector<16xf32>,
        %add3A_1124 = arith.constant 192 : i32
        %add3A_1125 = vector.broadcast %add3A_1124 : i32 to vector<16xi32>
        %add3A_1126 = arith.addi %get3A_1099, %add3A_1125 : vector<16xi32>
        %gather3A_1127 = tpu.vector_load_idx %arg5[%add3A_1126] : memref<512xf32, #tpu.memory_space<vmem>>[vector<16xi32>], vector<16xf32>,
        %add3A_1128 = arith.constant 224 : i32
        %add3A_1129 = vector.broadcast %add3A_1128 : i32 to vector<16xi32>
        %add3A_1130 = arith.addi %get3A_1099, %add3A_1129 : vector<16xi32>
        %gather3A_1131 = tpu.vector_load_idx %arg5[%add3A_1130] : memref<512xf32, #tpu.memory_space<vmem>>[vector<16xi32>], vector<16xf32>,
        %add3A_1132 = arith.constant 256 : i32
        %add3A_1133 = vector.broadcast %add3A_1132 : i32 to vector<16xi32>
        %add3A_1134 = arith.addi %get3A_1099, %add3A_1133 : vector<16xi32>
        %gather3A_1135 = tpu.vector_load_idx %arg5[%add3A_1134] : memref<512xf32, #tpu.memory_space<vmem>>[vector<16xi32>], vector<16xf32>,
        %add3A_1136 = arith.constant 288 : i32
        %add3A_1137 = vector.broadcast %add3A_1136 : i32 to vector<16xi32>
        %add3A_1138 = arith.addi %get3A_1099, %add3A_1137 : vector<16xi32>
        %gather3A_1139 = tpu.vector_load_idx %arg5[%add3A_1138] : memref<512xf32, #tpu.memory_space<vmem>>[vector<16xi32>], vector<16xf32>,
        %add3A_1140 = arith.constant 320 : i32
        %add3A_1141 = vector.broadcast %add3A_1140 : i32 to vector<16xi32>
        %add3A_1142 = arith.addi %get3A_1099, %add3A_1141 : vector<16xi32>
        %gather3A_1143 = tpu.vector_load_idx %arg5[%add3A_1142] : memref<512xf32, #tpu.memory_space<vmem>>[vector<16xi32>], vector<16xf32>,
        %add3A_1144 = arith.constant 352 : i32
        %add3A_1145 = vector.broadcast %add3A_1144 : i32 to vector<16xi32>
        %add3A_1146 = arith.addi %get3A_1099, %add3A_1145 : vector<16xi32>
        %gather3A_1147 = tpu.vector_load_idx %arg5[%add3A_1146] : memref<512xf32, #tpu.memory_space<vmem>>[vector<16xi32>], vector<16xf32>,
        %add3A_1148 = arith.constant 384 : i32
        %add3A_1149 = vector.broadcast %add3A_1148 : i32 to vector<16xi32>
        %add3A_1150 = arith.addi %get3A_1099, %add3A_1149 : vector<16xi32>
        %gather3A_1151 = tpu.vector_load_idx %arg5[%add3A_1150] : memref<512xf32, #tpu.memory_space<vmem>>[vector<16xi32>], vector<16xf32>,
        %add3A_1152 = arith.constant 416 : i32
        %add3A_1153 = vector.broadcast %add3A_1152 : i32 to vector<16xi32>
        %add3A_1154 = arith.addi %get3A_1099, %add3A_1153 : vector<16xi32>
        %gather3A_1155 = tpu.vector_load_idx %arg5[%add3A_1154] : memref<512xf32, #tpu.memory_space<vmem>>[vector<16xi32>], vector<16xf32>,
        %add3A_1156 = arith.constant 448 : i32
        %add3A_1157 = vector.broadcast %add3A_1156 : i32 to vector<16xi32>
        %add3A_1158 = arith.addi %get3A_1099, %add3A_1157 : vector<16xi32>
        %gather3A_1159 = tpu.vector_load_idx %arg5[%add3A_1158] : memref<512xf32, #tpu.memory_space<vmem>>[vector<16xi32>], vector<16xf32>,
        %add3A_1160 = arith.constant 480 : i32
        %add3A_1161 = vector.broadcast %add3A_1160 : i32 to vector<16xi32>
        %add3A_1162 = arith.addi %get3A_1099, %add3A_1161 : vector<16xi32>
        %gather3A_1163 = tpu.vector_load_idx %arg5[%add3A_1162] : memref<512xf32, #tpu.memory_space<vmem>>[vector<16xi32>], vector<16xf32>,
        %swap3A_1164 = arith.constant 0 : i32
        %swap3A_1165 = arith.index_cast %scan3A_196 : i32 to index
        %swap3A_1166 = arith.index_cast %swap3A_1164 : i32 to index
        %swap3A_1167 = arith.constant 96 : index
        %swap3A_1168 = tpu.vector_load %arg9[%swap3A_1165, %swap3A_1166, %swap3A_1167] {strides = array<i32>} : memref<8x8x128xf32, #tpu.memory_space<vmem>>, vector<16xf32>,
        tpu.vector_store %arg9[%swap3A_1165, %swap3A_1166, %swap3A_1167], %gather3A_1103 {strides = array<i32>} : memref<8x8x128xf32, #tpu.memory_space<vmem>>, vector<16xf32>,
        %swap3A_1169 = arith.constant 1 : i32
        %swap3A_1170 = arith.index_cast %scan3A_196 : i32 to index
        %swap3A_1171 = arith.index_cast %swap3A_1169 : i32 to index
        %swap3A_1172 = arith.constant 96 : index
        %swap3A_1173 = tpu.vector_load %arg9[%swap3A_1170, %swap3A_1171, %swap3A_1172] {strides = array<i32>} : memref<8x8x128xf32, #tpu.memory_space<vmem>>, vector<16xf32>,
        tpu.vector_store %arg9[%swap3A_1170, %swap3A_1171, %swap3A_1172], %gather3A_1107 {strides = array<i32>} : memref<8x8x128xf32, #tpu.memory_space<vmem>>, vector<16xf32>,
        %swap3A_1174 = arith.constant 2 : i32
        %swap3A_1175 = arith.index_cast %scan3A_196 : i32 to index
        %swap3A_1176 = arith.index_cast %swap3A_1174 : i32 to index
        %swap3A_1177 = arith.constant 96 : index
        %swap3A_1178 = tpu.vector_load %arg9[%swap3A_1175, %swap3A_1176, %swap3A_1177] {strides = array<i32>} : memref<8x8x128xf32, #tpu.memory_space<vmem>>, vector<16xf32>,
        tpu.vector_store %arg9[%swap3A_1175, %swap3A_1176, %swap3A_1177], %gather3A_1111 {strides = array<i32>} : memref<8x8x128xf32, #tpu.memory_space<vmem>>, vector<16xf32>,
        %swap3A_1179 = arith.constant 3 : i32
        %swap3A_1180 = arith.index_cast %scan3A_196 : i32 to index
        %swap3A_1181 = arith.index_cast %swap3A_1179 : i32 to index
        %swap3A_1182 = arith.constant 96 : index
        %swap3A_1183 = tpu.vector_load %arg9[%swap3A_1180, %swap3A_1181, %swap3A_1182] {strides = array<i32>} : memref<8x8x128xf32, #tpu.memory_space<vmem>>, vector<16xf32>,
        tpu.vector_store %arg9[%swap3A_1180, %swap3A_1181, %swap3A_1182], %gather3A_1115 {strides = array<i32>} : memref<8x8x128xf32, #tpu.memory_space<vmem>>, vector<16xf32>,
        %swap3A_1184 = arith.constant 4 : i32
        %swap3A_1185 = arith.index_cast %scan3A_196 : i32 to index
        %swap3A_1186 = arith.index_cast %swap3A_1184 : i32 to index
        %swap3A_1187 = arith.constant 96 : index
        %swap3A_1188 = tpu.vector_load %arg9[%swap3A_1185, %swap3A_1186, %swap3A_1187] {strides = array<i32>} : memref<8x8x128xf32, #tpu.memory_space<vmem>>, vector<16xf32>,
        tpu.vector_store %arg9[%swap3A_1185, %swap3A_1186, %swap3A_1187], %gather3A_1119 {strides = array<i32>} : memref<8x8x128xf32, #tpu.memory_space<vmem>>, vector<16xf32>,
        %swap3A_1189 = arith.constant 5 : i32
        %swap3A_1190 = arith.index_cast %scan3A_196 : i32 to index
        %swap3A_1191 = arith.index_cast %swap3A_1189 : i32 to index
        %swap3A_1192 = arith.constant 96 : index
        %swap3A_1193 = tpu.vector_load %arg9[%swap3A_1190, %swap3A_1191, %swap3A_1192] {strides = array<i32>} : memref<8x8x128xf32, #tpu.memory_space<vmem>>, vector<16xf32>,
        tpu.vector_store %arg9[%swap3A_1190, %swap3A_1191, %swap3A_1192], %gather3A_1123 {strides = array<i32>} : memref<8x8x128xf32, #tpu.memory_space<vmem>>, vector<16xf32>,
        %swap3A_1194 = arith.constant 6 : i32
        %swap3A_1195 = arith.index_cast %scan3A_196 : i32 to index
        %swap3A_1196 = arith.index_cast %swap3A_1194 : i32 to index
        %swap3A_1197 = arith.constant 96 : index
        %swap3A_1198 = tpu.vector_load %arg9[%swap3A_1195, %swap3A_1196, %swap3A_1197] {strides = array<i32>} : memref<8x8x128xf32, #tpu.memory_space<vmem>>, vector<16xf32>,
        tpu.vector_store %arg9[%swap3A_1195, %swap3A_1196, %swap3A_1197], %gather3A_1127 {strides = array<i32>} : memref<8x8x128xf32, #tpu.memory_space<vmem>>, vector<16xf32>,
        %swap3A_1199 = arith.constant 7 : i32
        %swap3A_1200 = arith.index_cast %scan3A_196 : i32 to index
        %swap3A_1201 = arith.index_cast %swap3A_1199 : i32 to index
        %swap3A_1202 = arith.constant 96 : index
        %swap3A_1203 = tpu.vector_load %arg9[%swap3A_1200, %swap3A_1201, %swap3A_1202] {strides = array<i32>} : memref<8x8x128xf32, #tpu.memory_space<vmem>>, vector<16xf32>,
        tpu.vector_store %arg9[%swap3A_1200, %swap3A_1201, %swap3A_1202], %gather3A_1131 {strides = array<i32>} : memref<8x8x128xf32, #tpu.memory_space<vmem>>, vector<16xf32>,
        %swap3A_1204 = arith.constant 0 : i32
        %swap3A_1205 = arith.index_cast %scan3A_196 : i32 to index
        %swap3A_1206 = arith.index_cast %swap3A_1204 : i32 to index
        %swap3A_1207 = arith.constant 96 : index
        %swap3A_1208 = tpu.vector_load %arg11[%swap3A_1205, %swap3A_1206, %swap3A_1207] {strides = array<i32>} : memref<8x8x128xf32, #tpu.memory_space<vmem>>, vector<16xf32>,
        tpu.vector_store %arg11[%swap3A_1205, %swap3A_1206, %swap3A_1207], %gather3A_1135 {strides = array<i32>} : memref<8x8x128xf32, #tpu.memory_space<vmem>>, vector<16xf32>,
        %swap3A_1209 = arith.constant 1 : i32
        %swap3A_1210 = arith.index_cast %scan3A_196 : i32 to index
        %swap3A_1211 = arith.index_cast %swap3A_1209 : i32 to index
        %swap3A_1212 = arith.constant 96 : index
        %swap3A_1213 = tpu.vector_load %arg11[%swap3A_1210, %swap3A_1211, %swap3A_1212] {strides = array<i32>} : memref<8x8x128xf32, #tpu.memory_space<vmem>>, vector<16xf32>,
        tpu.vector_store %arg11[%swap3A_1210, %swap3A_1211, %swap3A_1212], %gather3A_1139 {strides = array<i32>} : memref<8x8x128xf32, #tpu.memory_space<vmem>>, vector<16xf32>,
        %swap3A_1214 = arith.constant 2 : i32
        %swap3A_1215 = arith.index_cast %scan3A_196 : i32 to index
        %swap3A_1216 = arith.index_cast %swap3A_1214 : i32 to index
        %swap3A_1217 = arith.constant 96 : index
        %swap3A_1218 = tpu.vector_load %arg11[%swap3A_1215, %swap3A_1216, %swap3A_1217] {strides = array<i32>} : memref<8x8x128xf32, #tpu.memory_space<vmem>>, vector<16xf32>,
        tpu.vector_store %arg11[%swap3A_1215, %swap3A_1216, %swap3A_1217], %gather3A_1143 {strides = array<i32>} : memref<8x8x128xf32, #tpu.memory_space<vmem>>, vector<16xf32>,
        %swap3A_1219 = arith.constant 3 : i32
        %swap3A_1220 = arith.index_cast %scan3A_196 : i32 to index
        %swap3A_1221 = arith.index_cast %swap3A_1219 : i32 to index
        %swap3A_1222 = arith.constant 96 : index
        %swap3A_1223 = tpu.vector_load %arg11[%swap3A_1220, %swap3A_1221, %swap3A_1222] {strides = array<i32>} : memref<8x8x128xf32, #tpu.memory_space<vmem>>, vector<16xf32>,
        tpu.vector_store %arg11[%swap3A_1220, %swap3A_1221, %swap3A_1222], %gather3A_1147 {strides = array<i32>} : memref<8x8x128xf32, #tpu.memory_space<vmem>>, vector<16xf32>,
        %swap3A_1224 = arith.constant 4 : i32
        %swap3A_1225 = arith.index_cast %scan3A_196 : i32 to index
        %swap3A_1226 = arith.index_cast %swap3A_1224 : i32 to index
        %swap3A_1227 = arith.constant 96 : index
        %swap3A_1228 = tpu.vector_load %arg11[%swap3A_1225, %swap3A_1226, %swap3A_1227] {strides = array<i32>} : memref<8x8x128xf32, #tpu.memory_space<vmem>>, vector<16xf32>,
        tpu.vector_store %arg11[%swap3A_1225, %swap3A_1226, %swap3A_1227], %gather3A_1151 {strides = array<i32>} : memref<8x8x128xf32, #tpu.memory_space<vmem>>, vector<16xf32>,
        %swap3A_1229 = arith.constant 5 : i32
        %swap3A_1230 = arith.index_cast %scan3A_196 : i32 to index
        %swap3A_1231 = arith.index_cast %swap3A_1229 : i32 to index
        %swap3A_1232 = arith.constant 96 : index
        %swap3A_1233 = tpu.vector_load %arg11[%swap3A_1230, %swap3A_1231, %swap3A_1232] {strides = array<i32>} : memref<8x8x128xf32, #tpu.memory_space<vmem>>, vector<16xf32>,
        tpu.vector_store %arg11[%swap3A_1230, %swap3A_1231, %swap3A_1232], %gather3A_1155 {strides = array<i32>} : memref<8x8x128xf32, #tpu.memory_space<vmem>>, vector<16xf32>,
        %swap3A_1234 = arith.constant 6 : i32
        %swap3A_1235 = arith.index_cast %scan3A_196 : i32 to index
        %swap3A_1236 = arith.index_cast %swap3A_1234 : i32 to index
        %swap3A_1237 = arith.constant 96 : index
        %swap3A_1238 = tpu.vector_load %arg11[%swap3A_1235, %swap3A_1236, %swap3A_1237] {strides = array<i32>} : memref<8x8x128xf32, #tpu.memory_space<vmem>>, vector<16xf32>,
        tpu.vector_store %arg11[%swap3A_1235, %swap3A_1236, %swap3A_1237], %gather3A_1159 {strides = array<i32>} : memref<8x8x128xf32, #tpu.memory_space<vmem>>, vector<16xf32>,
        %swap3A_1239 = arith.constant 7 : i32
        %swap3A_1240 = arith.index_cast %scan3A_196 : i32 to index
        %swap3A_1241 = arith.index_cast %swap3A_1239 : i32 to index
        %swap3A_1242 = arith.constant 96 : index
        %swap3A_1243 = tpu.vector_load %arg11[%swap3A_1240, %swap3A_1241, %swap3A_1242] {strides = array<i32>} : memref<8x8x128xf32, #tpu.memory_space<vmem>>, vector<16xf32>,
        tpu.vector_store %arg11[%swap3A_1240, %swap3A_1241, %swap3A_1242], %gather3A_1163 {strides = array<i32>} : memref<8x8x128xf32, #tpu.memory_space<vmem>>, vector<16xf32>,
        %mul3A_1244 = arith.constant 128 : i32
        %mul3A_1245 = arith.muli %scan3A_196, %mul3A_1244 : i32
        %add3A_1246 = arith.constant 112 : i32
        %add3A_1247 = arith.addi %mul3A_1245, %add3A_1246 : i32
        %get3A_1248 = arith.index_cast %add3A_1247 : i32 to index
        %get3A_1249 = tpu.vector_load %arg7[%get3A_1248] {strides = array<i32>} : memref<1024xi32, #tpu.memory_space<vmem>>, vector<16xi32>,
        %add3A_1250 = arith.constant 0 : i32
        %add3A_1251 = vector.broadcast %add3A_1250 : i32 to vector<16xi32>
        %add3A_1252 = arith.addi %get3A_1249, %add3A_1251 : vector<16xi32>
        %gather3A_1253 = tpu.vector_load_idx %arg5[%add3A_1252] : memref<512xf32, #tpu.memory_space<vmem>>[vector<16xi32>], vector<16xf32>,
        %add3A_1254 = arith.constant 32 : i32
        %add3A_1255 = vector.broadcast %add3A_1254 : i32 to vector<16xi32>
        %add3A_1256 = arith.addi %get3A_1249, %add3A_1255 : vector<16xi32>
        %gather3A_1257 = tpu.vector_load_idx %arg5[%add3A_1256] : memref<512xf32, #tpu.memory_space<vmem>>[vector<16xi32>], vector<16xf32>,
        %add3A_1258 = arith.constant 64 : i32
        %add3A_1259 = vector.broadcast %add3A_1258 : i32 to vector<16xi32>
        %add3A_1260 = arith.addi %get3A_1249, %add3A_1259 : vector<16xi32>
        %gather3A_1261 = tpu.vector_load_idx %arg5[%add3A_1260] : memref<512xf32, #tpu.memory_space<vmem>>[vector<16xi32>], vector<16xf32>,
        %add3A_1262 = arith.constant 96 : i32
        %add3A_1263 = vector.broadcast %add3A_1262 : i32 to vector<16xi32>
        %add3A_1264 = arith.addi %get3A_1249, %add3A_1263 : vector<16xi32>
        %gather3A_1265 = tpu.vector_load_idx %arg5[%add3A_1264] : memref<512xf32, #tpu.memory_space<vmem>>[vector<16xi32>], vector<16xf32>,
        %add3A_1266 = arith.constant 128 : i32
        %add3A_1267 = vector.broadcast %add3A_1266 : i32 to vector<16xi32>
        %add3A_1268 = arith.addi %get3A_1249, %add3A_1267 : vector<16xi32>
        %gather3A_1269 = tpu.vector_load_idx %arg5[%add3A_1268] : memref<512xf32, #tpu.memory_space<vmem>>[vector<16xi32>], vector<16xf32>,
        %add3A_1270 = arith.constant 160 : i32
        %add3A_1271 = vector.broadcast %add3A_1270 : i32 to vector<16xi32>
        %add3A_1272 = arith.addi %get3A_1249, %add3A_1271 : vector<16xi32>
        %gather3A_1273 = tpu.vector_load_idx %arg5[%add3A_1272] : memref<512xf32, #tpu.memory_space<vmem>>[vector<16xi32>], vector<16xf32>,
        %add3A_1274 = arith.constant 192 : i32
        %add3A_1275 = vector.broadcast %add3A_1274 : i32 to vector<16xi32>
        %add3A_1276 = arith.addi %get3A_1249, %add3A_1275 : vector<16xi32>
        %gather3A_1277 = tpu.vector_load_idx %arg5[%add3A_1276] : memref<512xf32, #tpu.memory_space<vmem>>[vector<16xi32>], vector<16xf32>,
        %add3A_1278 = arith.constant 224 : i32
        %add3A_1279 = vector.broadcast %add3A_1278 : i32 to vector<16xi32>
        %add3A_1280 = arith.addi %get3A_1249, %add3A_1279 : vector<16xi32>
        %gather3A_1281 = tpu.vector_load_idx %arg5[%add3A_1280] : memref<512xf32, #tpu.memory_space<vmem>>[vector<16xi32>], vector<16xf32>,
        %add3A_1282 = arith.constant 256 : i32
        %add3A_1283 = vector.broadcast %add3A_1282 : i32 to vector<16xi32>
        %add3A_1284 = arith.addi %get3A_1249, %add3A_1283 : vector<16xi32>
        %gather3A_1285 = tpu.vector_load_idx %arg5[%add3A_1284] : memref<512xf32, #tpu.memory_space<vmem>>[vector<16xi32>], vector<16xf32>,
        %add3A_1286 = arith.constant 288 : i32
        %add3A_1287 = vector.broadcast %add3A_1286 : i32 to vector<16xi32>
        %add3A_1288 = arith.addi %get3A_1249, %add3A_1287 : vector<16xi32>
        %gather3A_1289 = tpu.vector_load_idx %arg5[%add3A_1288] : memref<512xf32, #tpu.memory_space<vmem>>[vector<16xi32>], vector<16xf32>,
        %add3A_1290 = arith.constant 320 : i32
        %add3A_1291 = vector.broadcast %add3A_1290 : i32 to vector<16xi32>
        %add3A_1292 = arith.addi %get3A_1249, %add3A_1291 : vector<16xi32>
        %gather3A_1293 = tpu.vector_load_idx %arg5[%add3A_1292] : memref<512xf32, #tpu.memory_space<vmem>>[vector<16xi32>], vector<16xf32>,
        %add3A_1294 = arith.constant 352 : i32
        %add3A_1295 = vector.broadcast %add3A_1294 : i32 to vector<16xi32>
        %add3A_1296 = arith.addi %get3A_1249, %add3A_1295 : vector<16xi32>
        %gather3A_1297 = tpu.vector_load_idx %arg5[%add3A_1296] : memref<512xf32, #tpu.memory_space<vmem>>[vector<16xi32>], vector<16xf32>,
        %add3A_1298 = arith.constant 384 : i32
        %add3A_1299 = vector.broadcast %add3A_1298 : i32 to vector<16xi32>
        %add3A_1300 = arith.addi %get3A_1249, %add3A_1299 : vector<16xi32>
        %gather3A_1301 = tpu.vector_load_idx %arg5[%add3A_1300] : memref<512xf32, #tpu.memory_space<vmem>>[vector<16xi32>], vector<16xf32>,
        %add3A_1302 = arith.constant 416 : i32
        %add3A_1303 = vector.broadcast %add3A_1302 : i32 to vector<16xi32>
        %add3A_1304 = arith.addi %get3A_1249, %add3A_1303 : vector<16xi32>
        %gather3A_1305 = tpu.vector_load_idx %arg5[%add3A_1304] : memref<512xf32, #tpu.memory_space<vmem>>[vector<16xi32>], vector<16xf32>,
        %add3A_1306 = arith.constant 448 : i32
        %add3A_1307 = vector.broadcast %add3A_1306 : i32 to vector<16xi32>
        %add3A_1308 = arith.addi %get3A_1249, %add3A_1307 : vector<16xi32>
        %gather3A_1309 = tpu.vector_load_idx %arg5[%add3A_1308] : memref<512xf32, #tpu.memory_space<vmem>>[vector<16xi32>], vector<16xf32>,
        %add3A_1310 = arith.constant 480 : i32
        %add3A_1311 = vector.broadcast %add3A_1310 : i32 to vector<16xi32>
        %add3A_1312 = arith.addi %get3A_1249, %add3A_1311 : vector<16xi32>
        %gather3A_1313 = tpu.vector_load_idx %arg5[%add3A_1312] : memref<512xf32, #tpu.memory_space<vmem>>[vector<16xi32>], vector<16xf32>,
        %swap3A_1314 = arith.constant 0 : i32
        %swap3A_1315 = arith.index_cast %scan3A_196 : i32 to index
        %swap3A_1316 = arith.index_cast %swap3A_1314 : i32 to index
        %swap3A_1317 = arith.constant 112 : index
        %swap3A_1318 = tpu.vector_load %arg9[%swap3A_1315, %swap3A_1316, %swap3A_1317] {strides = array<i32>} : memref<8x8x128xf32, #tpu.memory_space<vmem>>, vector<16xf32>,
        tpu.vector_store %arg9[%swap3A_1315, %swap3A_1316, %swap3A_1317], %gather3A_1253 {strides = array<i32>} : memref<8x8x128xf32, #tpu.memory_space<vmem>>, vector<16xf32>,
        %swap3A_1319 = arith.constant 1 : i32
        %swap3A_1320 = arith.index_cast %scan3A_196 : i32 to index
        %swap3A_1321 = arith.index_cast %swap3A_1319 : i32 to index
        %swap3A_1322 = arith.constant 112 : index
        %swap3A_1323 = tpu.vector_load %arg9[%swap3A_1320, %swap3A_1321, %swap3A_1322] {strides = array<i32>} : memref<8x8x128xf32, #tpu.memory_space<vmem>>, vector<16xf32>,
        tpu.vector_store %arg9[%swap3A_1320, %swap3A_1321, %swap3A_1322], %gather3A_1257 {strides = array<i32>} : memref<8x8x128xf32, #tpu.memory_space<vmem>>, vector<16xf32>,
        %swap3A_1324 = arith.constant 2 : i32
        %swap3A_1325 = arith.index_cast %scan3A_196 : i32 to index
        %swap3A_1326 = arith.index_cast %swap3A_1324 : i32 to index
        %swap3A_1327 = arith.constant 112 : index
        %swap3A_1328 = tpu.vector_load %arg9[%swap3A_1325, %swap3A_1326, %swap3A_1327] {strides = array<i32>} : memref<8x8x128xf32, #tpu.memory_space<vmem>>, vector<16xf32>,
        tpu.vector_store %arg9[%swap3A_1325, %swap3A_1326, %swap3A_1327], %gather3A_1261 {strides = array<i32>} : memref<8x8x128xf32, #tpu.memory_space<vmem>>, vector<16xf32>,
        %swap3A_1329 = arith.constant 3 : i32
        %swap3A_1330 = arith.index_cast %scan3A_196 : i32 to index
        %swap3A_1331 = arith.index_cast %swap3A_1329 : i32 to index
        %swap3A_1332 = arith.constant 112 : index
        %swap3A_1333 = tpu.vector_load %arg9[%swap3A_1330, %swap3A_1331, %swap3A_1332] {strides = array<i32>} : memref<8x8x128xf32, #tpu.memory_space<vmem>>, vector<16xf32>,
        tpu.vector_store %arg9[%swap3A_1330, %swap3A_1331, %swap3A_1332], %gather3A_1265 {strides = array<i32>} : memref<8x8x128xf32, #tpu.memory_space<vmem>>, vector<16xf32>,
        %swap3A_1334 = arith.constant 4 : i32
        %swap3A_1335 = arith.index_cast %scan3A_196 : i32 to index
        %swap3A_1336 = arith.index_cast %swap3A_1334 : i32 to index
        %swap3A_1337 = arith.constant 112 : index
        %swap3A_1338 = tpu.vector_load %arg9[%swap3A_1335, %swap3A_1336, %swap3A_1337] {strides = array<i32>} : memref<8x8x128xf32, #tpu.memory_space<vmem>>, vector<16xf32>,
        tpu.vector_store %arg9[%swap3A_1335, %swap3A_1336, %swap3A_1337], %gather3A_1269 {strides = array<i32>} : memref<8x8x128xf32, #tpu.memory_space<vmem>>, vector<16xf32>,
        %swap3A_1339 = arith.constant 5 : i32
        %swap3A_1340 = arith.index_cast %scan3A_196 : i32 to index
        %swap3A_1341 = arith.index_cast %swap3A_1339 : i32 to index
        %swap3A_1342 = arith.constant 112 : index
        %swap3A_1343 = tpu.vector_load %arg9[%swap3A_1340, %swap3A_1341, %swap3A_1342] {strides = array<i32>} : memref<8x8x128xf32, #tpu.memory_space<vmem>>, vector<16xf32>,
        tpu.vector_store %arg9[%swap3A_1340, %swap3A_1341, %swap3A_1342], %gather3A_1273 {strides = array<i32>} : memref<8x8x128xf32, #tpu.memory_space<vmem>>, vector<16xf32>,
        %swap3A_1344 = arith.constant 6 : i32
        %swap3A_1345 = arith.index_cast %scan3A_196 : i32 to index
        %swap3A_1346 = arith.index_cast %swap3A_1344 : i32 to index
        %swap3A_1347 = arith.constant 112 : index
        %swap3A_1348 = tpu.vector_load %arg9[%swap3A_1345, %swap3A_1346, %swap3A_1347] {strides = array<i32>} : memref<8x8x128xf32, #tpu.memory_space<vmem>>, vector<16xf32>,
        tpu.vector_store %arg9[%swap3A_1345, %swap3A_1346, %swap3A_1347], %gather3A_1277 {strides = array<i32>} : memref<8x8x128xf32, #tpu.memory_space<vmem>>, vector<16xf32>,
        %swap3A_1349 = arith.constant 7 : i32
        %swap3A_1350 = arith.index_cast %scan3A_196 : i32 to index
        %swap3A_1351 = arith.index_cast %swap3A_1349 : i32 to index
        %swap3A_1352 = arith.constant 112 : index
        %swap3A_1353 = tpu.vector_load %arg9[%swap3A_1350, %swap3A_1351, %swap3A_1352] {strides = array<i32>} : memref<8x8x128xf32, #tpu.memory_space<vmem>>, vector<16xf32>,
        tpu.vector_store %arg9[%swap3A_1350, %swap3A_1351, %swap3A_1352], %gather3A_1281 {strides = array<i32>} : memref<8x8x128xf32, #tpu.memory_space<vmem>>, vector<16xf32>,
        %swap3A_1354 = arith.constant 0 : i32
        %swap3A_1355 = arith.index_cast %scan3A_196 : i32 to index
        %swap3A_1356 = arith.index_cast %swap3A_1354 : i32 to index
        %swap3A_1357 = arith.constant 112 : index
        %swap3A_1358 = tpu.vector_load %arg11[%swap3A_1355, %swap3A_1356, %swap3A_1357] {strides = array<i32>} : memref<8x8x128xf32, #tpu.memory_space<vmem>>, vector<16xf32>,
        tpu.vector_store %arg11[%swap3A_1355, %swap3A_1356, %swap3A_1357], %gather3A_1285 {strides = array<i32>} : memref<8x8x128xf32, #tpu.memory_space<vmem>>, vector<16xf32>,
        %swap3A_1359 = arith.constant 1 : i32
        %swap3A_1360 = arith.index_cast %scan3A_196 : i32 to index
        %swap3A_1361 = arith.index_cast %swap3A_1359 : i32 to index
        %swap3A_1362 = arith.constant 112 : index
        %swap3A_1363 = tpu.vector_load %arg11[%swap3A_1360, %swap3A_1361, %swap3A_1362] {strides = array<i32>} : memref<8x8x128xf32, #tpu.memory_space<vmem>>, vector<16xf32>,
        tpu.vector_store %arg11[%swap3A_1360, %swap3A_1361, %swap3A_1362], %gather3A_1289 {strides = array<i32>} : memref<8x8x128xf32, #tpu.memory_space<vmem>>, vector<16xf32>,
        %swap3A_1364 = arith.constant 2 : i32
        %swap3A_1365 = arith.index_cast %scan3A_196 : i32 to index
        %swap3A_1366 = arith.index_cast %swap3A_1364 : i32 to index
        %swap3A_1367 = arith.constant 112 : index
        %swap3A_1368 = tpu.vector_load %arg11[%swap3A_1365, %swap3A_1366, %swap3A_1367] {strides = array<i32>} : memref<8x8x128xf32, #tpu.memory_space<vmem>>, vector<16xf32>,
        tpu.vector_store %arg11[%swap3A_1365, %swap3A_1366, %swap3A_1367], %gather3A_1293 {strides = array<i32>} : memref<8x8x128xf32, #tpu.memory_space<vmem>>, vector<16xf32>,
        %swap3A_1369 = arith.constant 3 : i32
        %swap3A_1370 = arith.index_cast %scan3A_196 : i32 to index
        %swap3A_1371 = arith.index_cast %swap3A_1369 : i32 to index
        %swap3A_1372 = arith.constant 112 : index
        %swap3A_1373 = tpu.vector_load %arg11[%swap3A_1370, %swap3A_1371, %swap3A_1372] {strides = array<i32>} : memref<8x8x128xf32, #tpu.memory_space<vmem>>, vector<16xf32>,
        tpu.vector_store %arg11[%swap3A_1370, %swap3A_1371, %swap3A_1372], %gather3A_1297 {strides = array<i32>} : memref<8x8x128xf32, #tpu.memory_space<vmem>>, vector<16xf32>,
        %swap3A_1374 = arith.constant 4 : i32
        %swap3A_1375 = arith.index_cast %scan3A_196 : i32 to index
        %swap3A_1376 = arith.index_cast %swap3A_1374 : i32 to index
        %swap3A_1377 = arith.constant 112 : index
        %swap3A_1378 = tpu.vector_load %arg11[%swap3A_1375, %swap3A_1376, %swap3A_1377] {strides = array<i32>} : memref<8x8x128xf32, #tpu.memory_space<vmem>>, vector<16xf32>,
        tpu.vector_store %arg11[%swap3A_1375, %swap3A_1376, %swap3A_1377], %gather3A_1301 {strides = array<i32>} : memref<8x8x128xf32, #tpu.memory_space<vmem>>, vector<16xf32>,
        %swap3A_1379 = arith.constant 5 : i32
        %swap3A_1380 = arith.index_cast %scan3A_196 : i32 to index
        %swap3A_1381 = arith.index_cast %swap3A_1379 : i32 to index
        %swap3A_1382 = arith.constant 112 : index
        %swap3A_1383 = tpu.vector_load %arg11[%swap3A_1380, %swap3A_1381, %swap3A_1382] {strides = array<i32>} : memref<8x8x128xf32, #tpu.memory_space<vmem>>, vector<16xf32>,
        tpu.vector_store %arg11[%swap3A_1380, %swap3A_1381, %swap3A_1382], %gather3A_1305 {strides = array<i32>} : memref<8x8x128xf32, #tpu.memory_space<vmem>>, vector<16xf32>,
        %swap3A_1384 = arith.constant 6 : i32
        %swap3A_1385 = arith.index_cast %scan3A_196 : i32 to index
        %swap3A_1386 = arith.index_cast %swap3A_1384 : i32 to index
        %swap3A_1387 = arith.constant 112 : index
        %swap3A_1388 = tpu.vector_load %arg11[%swap3A_1385, %swap3A_1386, %swap3A_1387] {strides = array<i32>} : memref<8x8x128xf32, #tpu.memory_space<vmem>>, vector<16xf32>,
        tpu.vector_store %arg11[%swap3A_1385, %swap3A_1386, %swap3A_1387], %gather3A_1309 {strides = array<i32>} : memref<8x8x128xf32, #tpu.memory_space<vmem>>, vector<16xf32>,
        %swap3A_1389 = arith.constant 7 : i32
        %swap3A_1390 = arith.index_cast %scan3A_196 : i32 to index
        %swap3A_1391 = arith.index_cast %swap3A_1389 : i32 to index
        %swap3A_1392 = arith.constant 112 : index
        %swap3A_1393 = tpu.vector_load %arg11[%swap3A_1390, %swap3A_1391, %swap3A_1392] {strides = array<i32>} : memref<8x8x128xf32, #tpu.memory_space<vmem>>, vector<16xf32>,
        tpu.vector_store %arg11[%swap3A_1390, %swap3A_1391, %swap3A_1392], %gather3A_1313 {strides = array<i32>} : memref<8x8x128xf32, #tpu.memory_space<vmem>>, vector<16xf32>,
      }
      %scan3A_169 = arith.constant 8 : i32
      %min3A_170 = arith.minsi %add3A_146, %sub3A_24 : i32
      %mul3A_171 = arith.constant 32 : i32
      %mul3A_172 = arith.muli %mul3A_171, %min3A_170 : i32
      %add3A_173 = arith.addi %add3A, %mul3A_172 : i32
      %mul3A_174 = arith.constant 8 : i32
      %mul3A_175 = arith.muli %add3A_173, %mul3A_174 : i32
      %mul3A_176 = arith.constant 8 : i32
      %mul3A_177 = arith.muli %add3A_173, %mul3A_176 : i32
      %dma_start3A_178 = arith.constant 0 : i32
      %dma_start3A_179 = arith.constant 0 : i32
      %dma_start3A_180 = arith.constant 0 : i32
      %dma_start3A_181 = tpu.memref_slice %arg4[%dma_start3A_178, %mul3A_175, %dma_start3A_179, %dma_start3A_180] : memref<2x25000x8x128xf32, #tpu.memory_space<hbm>> -> memref<1x8x8x128xf32, #tpu.memory_space<hbm>>
      %dma_start3A_182 = tpu.memref_squeeze %dma_start3A_181 : memref<1x8x8x128xf32, #tpu.memory_space<hbm>> -> memref<8x8x128xf32, #tpu.memory_space<hbm>>
      %dma_start3A_183 = arith.constant 0 : i32
      %dma_start3A_184 = arith.constant 0 : i32
      %dma_start3A_185 = tpu.memref_slice %arg4[%dma_start3A_178, %mul3A_175, %dma_start3A_183, %dma_start3A_184] : memref<2x25000x8x128xf32, #tpu.memory_space<hbm>> -> memref<1x8x8x128xf32, #tpu.memory_space<hbm>>
      %dma_start3A_186 = tpu.memref_squeeze %dma_start3A_185 : memref<1x8x8x128xf32, #tpu.memory_space<hbm>> -> memref<8x8x128xf32, #tpu.memory_space<hbm>>
      tpu.enqueue_dma source(%arg9 : memref<8x8x128xf32, #tpu.memory_space<vmem>>) target(%dma_start3A_186 : memref<8x8x128xf32, #tpu.memory_space<hbm>>) target_semaphore(%arg15 : memref<!tpu.dma_semaphore, #tpu.memory_space<semaphore_mem>>)
      %dma_start3A_187 = arith.constant 1 : i32
      %dma_start3A_188 = arith.constant 0 : i32
      %dma_start3A_189 = arith.constant 0 : i32
      %dma_start3A_190 = tpu.memref_slice %arg4[%dma_start3A_187, %mul3A_177, %dma_start3A_188, %dma_start3A_189] : memref<2x25000x8x128xf32, #tpu.memory_space<hbm>> -> memref<1x8x8x128xf32, #tpu.memory_space<hbm>>
      %dma_start3A_191 = tpu.memref_squeeze %dma_start3A_190 : memref<1x8x8x128xf32, #tpu.memory_space<hbm>> -> memref<8x8x128xf32, #tpu.memory_space<hbm>>
      %dma_start3A_192 = arith.constant 0 : i32
      %dma_start3A_193 = arith.constant 0 : i32
      %dma_start3A_194 = tpu.memref_slice %arg4[%dma_start3A_187, %mul3A_177, %dma_start3A_192, %dma_start3A_193] : memref<2x25000x8x128xf32, #tpu.memory_space<hbm>> -> memref<1x8x8x128xf32, #tpu.memory_space<hbm>>
      %dma_start3A_195 = tpu.memref_squeeze %dma_start3A_194 : memref<1x8x8x128xf32, #tpu.memory_space<hbm>> -> memref<8x8x128xf32, #tpu.memory_space<hbm>>
      tpu.enqueue_dma source(%arg11 : memref<8x8x128xf32, #tpu.memory_space<vmem>>) target(%dma_start3A_195 : memref<8x8x128xf32, #tpu.memory_space<hbm>>) target_semaphore(%arg15 : memref<!tpu.dma_semaphore, #tpu.memory_space<semaphore_mem>>)
    }
    %scan3A_36 = arith.constant 49 : i32
    %min3A_37 = arith.constant 96 : i32
    %min3A_38 = arith.minsi %min3A_37, %sub3A_24 : i32
    %mul3A_39 = arith.constant 32 : i32
    %mul3A_40 = arith.muli %mul3A_39, %min3A_38 : i32
    %add3A_41 = arith.addi %add3A, %mul3A_40 : i32
    %mul3A_42 = arith.constant 8 : i32
    %mul3A_43 = arith.muli %add3A_41, %mul3A_42 : i32
    %mul3A_44 = arith.constant 8 : i32
    %mul3A_45 = arith.muli %add3A_41, %mul3A_44 : i32
    %dma_wait3A = arith.constant 0 : i32
    %dma_wait3A_46 = arith.constant 0 : i32
    %dma_wait3A_47 = arith.constant 0 : i32
    %dma_wait3A_48 = tpu.memref_slice %arg4[%dma_wait3A, %mul3A_43, %dma_wait3A_46, %dma_wait3A_47] : memref<2x25000x8x128xf32, #tpu.memory_space<hbm>> -> memref<1x8x8x128xf32, #tpu.memory_space<hbm>>
    %dma_wait3A_49 = tpu.memref_squeeze %dma_wait3A_48 : memref<1x8x8x128xf32, #tpu.memory_space<hbm>> -> memref<8x8x128xf32, #tpu.memory_space<hbm>>
    %dma_wait3A_50 = arith.constant 0 : i32
    %dma_wait3A_51 = arith.constant 0 : i32
    %dma_wait3A_52 = tpu.memref_slice %arg4[%dma_wait3A, %mul3A_43, %dma_wait3A_50, %dma_wait3A_51] : memref<2x25000x8x128xf32, #tpu.memory_space<hbm>> -> memref<1x8x8x128xf32, #tpu.memory_space<hbm>>
    %dma_wait3A_53 = tpu.memref_squeeze %dma_wait3A_52 : memref<1x8x8x128xf32, #tpu.memory_space<hbm>> -> memref<8x8x128xf32, #tpu.memory_space<hbm>>
    tpu.wait_dma2 semaphore(%arg14 : memref<!tpu.dma_semaphore, #tpu.memory_space<semaphore_mem>>) src(%arg8 : memref<8x8x128xf32, #tpu.memory_space<vmem>>) dst(%dma_wait3A_53 : memref<8x8x128xf32, #tpu.memory_space<hbm>>)
    %dma_wait3A_54 = arith.constant 1 : i32
    %dma_wait3A_55 = arith.constant 0 : i32
    %dma_wait3A_56 = arith.constant 0 : i32
    %dma_wait3A_57 = tpu.memref_slice %arg4[%dma_wait3A_54, %mul3A_45, %dma_wait3A_55, %dma_wait3A_56] : memref<2x25000x8x128xf32, #tpu.memory_space<hbm>> -> memref<1x8x8x128xf32, #tpu.memory_space<hbm>>
    %dma_wait3A_58 = tpu.memref_squeeze %dma_wait3A_57 : memref<1x8x8x128xf32, #tpu.memory_space<hbm>> -> memref<8x8x128xf32, #tpu.memory_space<hbm>>
    %dma_wait3A_59 = arith.constant 0 : i32
    %dma_wait3A_60 = arith.constant 0 : i32
    %dma_wait3A_61 = tpu.memref_slice %arg4[%dma_wait3A_54, %mul3A_45, %dma_wait3A_59, %dma_wait3A_60] : memref<2x25000x8x128xf32, #tpu.memory_space<hbm>> -> memref<1x8x8x128xf32, #tpu.memory_space<hbm>>
    %dma_wait3A_62 = tpu.memref_squeeze %dma_wait3A_61 : memref<1x8x8x128xf32, #tpu.memory_space<hbm>> -> memref<8x8x128xf32, #tpu.memory_space<hbm>>
    tpu.wait_dma2 semaphore(%arg14 : memref<!tpu.dma_semaphore, #tpu.memory_space<semaphore_mem>>) src(%arg10 : memref<8x8x128xf32, #tpu.memory_space<vmem>>) dst(%dma_wait3A_62 : memref<8x8x128xf32, #tpu.memory_space<hbm>>)
    %min3A_63 = arith.constant 97 : i32
    %min3A_64 = arith.minsi %min3A_63, %sub3A_24 : i32
    %mul3A_65 = arith.constant 32 : i32
    %mul3A_66 = arith.muli %mul3A_65, %min3A_64 : i32
    %add3A_67 = arith.addi %add3A, %mul3A_66 : i32
    %mul3A_68 = arith.constant 8 : i32
    %mul3A_69 = arith.muli %add3A_67, %mul3A_68 : i32
    %mul3A_70 = arith.constant 8 : i32
    %mul3A_71 = arith.muli %add3A_67, %mul3A_70 : i32
    %dma_wait3A_72 = arith.constant 0 : i32
    %dma_wait3A_73 = arith.constant 0 : i32
    %dma_wait3A_74 = arith.constant 0 : i32
    %dma_wait3A_75 = tpu.memref_slice %arg4[%dma_wait3A_72, %mul3A_69, %dma_wait3A_73, %dma_wait3A_74] : memref<2x25000x8x128xf32, #tpu.memory_space<hbm>> -> memref<1x8x8x128xf32, #tpu.memory_space<hbm>>
    %dma_wait3A_76 = tpu.memref_squeeze %dma_wait3A_75 : memref<1x8x8x128xf32, #tpu.memory_space<hbm>> -> memref<8x8x128xf32, #tpu.memory_space<hbm>>
    %dma_wait3A_77 = arith.constant 0 : i32
    %dma_wait3A_78 = arith.constant 0 : i32
    %dma_wait3A_79 = tpu.memref_slice %arg4[%dma_wait3A_72, %mul3A_69, %dma_wait3A_77, %dma_wait3A_78] : memref<2x25000x8x128xf32, #tpu.memory_space<hbm>> -> memref<1x8x8x128xf32, #tpu.memory_space<hbm>>
    %dma_wait3A_80 = tpu.memref_squeeze %dma_wait3A_79 : memref<1x8x8x128xf32, #tpu.memory_space<hbm>> -> memref<8x8x128xf32, #tpu.memory_space<hbm>>
    tpu.wait_dma2 semaphore(%arg15 : memref<!tpu.dma_semaphore, #tpu.memory_space<semaphore_mem>>) src(%arg9 : memref<8x8x128xf32, #tpu.memory_space<vmem>>) dst(%dma_wait3A_80 : memref<8x8x128xf32, #tpu.memory_space<hbm>>)
    %dma_wait3A_81 = arith.constant 1 : i32
    %dma_wait3A_82 = arith.constant 0 : i32
    %dma_wait3A_83 = arith.constant 0 : i32
    %dma_wait3A_84 = tpu.memref_slice %arg4[%dma_wait3A_81, %mul3A_71, %dma_wait3A_82, %dma_wait3A_83] : memref<2x25000x8x128xf32, #tpu.memory_space<hbm>> -> memref<1x8x8x128xf32, #tpu.memory_space<hbm>>
    %dma_wait3A_85 = tpu.memref_squeeze %dma_wait3A_84 : memref<1x8x8x128xf32, #tpu.memory_space<hbm>> -> memref<8x8x128xf32, #tpu.memory_space<hbm>>
    %dma_wait3A_86 = arith.constant 0 : i32
    %dma_wait3A_87 = arith.constant 0 : i32
    %dma_wait3A_88 = tpu.memref_slice %arg4[%dma_wait3A_81, %mul3A_71, %dma_wait3A_86, %dma_wait3A_87] : memref<2x25000x8x128xf32, #tpu.memory_space<hbm>> -> memref<1x8x8x128xf32, #tpu.memory_space<hbm>>
    %dma_wait3A_89 = tpu.memref_squeeze %dma_wait3A_88 : memref<1x8x8x128xf32, #tpu.memory_space<hbm>> -> memref<8x8x128xf32, #tpu.memory_space<hbm>>
    tpu.wait_dma2 semaphore(%arg15 : memref<!tpu.dma_semaphore, #tpu.memory_space<semaphore_mem>>) src(%arg11 : memref<8x8x128xf32, #tpu.memory_space<vmem>>) dst(%dma_wait3A_89 : memref<8x8x128xf32, #tpu.memory_space<hbm>>)
    return
  }
}

</mosaic_0001>

<sc_bundles>
// kernel: kernel.3.cloned.1.call-start
scs
__scs_entry_jumppad:
0x0: {  	(pc) =	sbr.rel $0x88, $3  }
0x1: {  	(tag) =	ssettag $0x0;
	lr =	simm.s32 $0x1  }
0x2: {  	[smem:$0x3F9F] =	sst lr;
	_ =	strace $0xD0000000  }
0x3: {  	_ = 	snop  }
0x4: {  	_ = 	snop  }
0x5: {  	_ = 	snop  }
0x6: {  	_ = 	snop  }
0x7: {  	_ = 	snop  }
__scs_overlays_trampoline_lowered:
0x8: {  	[smem:$0x3FAE] =	sst s0  }
0x9: {  	[smem:$0x3FAF] =	sst s1  }
0xa: {  	[smem:$0x3FB0] =	sst s2  }
0xb: {  	[smem:$0x3FB1] =	sst s3  }
0xc: {  	[smem:$0x3FB2] =	sst s4  }
0xd: {  	[smem:$0x3FB3] =	sst s5  }
0xe: {  	[smem:$0x3FB4] =	sst s6  }
0xf: {  	[smem:$0x3FB5] =	sst s7  }
0x10: {  	[smem:$0x3FB6] =	sst s8  }
0x11: {  	[smem:$0x3FB7] =	sst s9;
	s0 =	simm.s32 @!p0 $0x0  }
0x12: {  	s1 =	sld [smem:$0x3F9D];
	s0 =	simm.s32 @p0 $0x1  }
0x13: {  	[smem:$0x3FB8] =	sst s0;
	s0 =	simm.s32 @!p1 $0x0  }
0x14: {  	s2 =	sld [smem:$0x3F9C];
	s0 =	simm.s32 @p1 $0x1  }
0x15: {  	[smem:$0x3FB9] =	sst s0;
	s0 =	simm.s32 @!p2 $0x0  }
0x16: {  	s3 =	sld [smem:$0x3FDB];
	s0 =	simm.s32 @p2 $0x1  }
0x17: {  	s4 =	simm.s32 $0x1BF5;
	[smem:$0x3FBB] =	sst s0  }
0x18: {  	s0 =	sld [smem:$0x3F9E];
	_ =	swait.ge [sflag:s4], $0x0  }
0x19: {  	s7 =	sld [smem:$0x3F9F]  }
0x1a: {  	s8 =	sadd.s32 $0xFFFFE003, lr  }
0x1b: {  	s9 =	sadd.s32 $0xFFFFFEF7, lr;
	s5 =	simm.s32 $0xFFFFFFFF;
	p2 =	slt.u32 s8, $0xFFFFF086  }
0x1c: {  	p1 =	slt.u32 s9, $0xF7A;
	s5 =	simm.s32 @!p2 $0x0  }
0x1d: {  	s5 =	simm.s32 @p1 $0x1;
	p0 =	seq.s32 s7, s2  }
0x1e: {  	s7 =	smul.u32 @!p0 $0xF7A, s2;
	p2 =	seq.s32 @!p0 s5, $0x0  }
0x1f: {  	s9 =	smul.u32 $0xF7A, s1;
	s8 =	simm.s32 @!p0 $0x1BF5;
	p2 =	por !p2, p0  }
0x20: {  	[sflag:s8] =	ssyncset.s32 @!p0 $0xFFFFF086;
	s6 =	sadd.s32 @!p0 s3, s7;
	s7 =	simm.s32 @!p0 $0x108  }
0x21: {  	s3 =	sadd.s32 s3, s9;
	s6 =	sadd.s32 @!p0 $0x88, s6;
	s7 =	simm.s32 @p2 $0x1082  }
0x22: {  	[simem:s7], [sflag:s8] =	dma.local @!p0 [hbm:s6], $0xF7A  }
0x23: {  	s9 =	sor.u32 $0xD0000000, s2;
	s6 =	simm.s32 $0x108;
	_ =	swait.ge @!p0 [sflag:s8], $0x0  }
0x24: {  	s3 =	sadd.s32 $0x88, s3;
	s6 =	simm.s32 @!p1 $0x1082;
	[sflag:s4] =	ssyncset.s32 $0xFFFFF086  }
0x25: {  	[simem:s6], [sflag:s4] =	dma.local [hbm:s3], $0xF7A  }
0x26: {  	[smem:$0x3F9F] =	sst s1;
	(tag) =	ssettag s2;
	_ =	strace s9  }
0x27: {  	s1 =	sld [smem:$0x3FAF]  }
0x28: {  	s2 =	sld [smem:$0x3FB0]  }
0x29: {  	s4 =	sld [smem:$0x3FB2]  }
0x2a: {  	p0 =	seq.s32 s5, $0x0;
	s5 =	sld [smem:$0x3FB3]  }
0x2b: {  	s6 =	sld [smem:$0x3FB4]  }
0x2c: {  	s7 =	sld [smem:$0x3FB5]  }
0x2d: {  	s3 =	simm.s32 $0x108;
	s8 =	sld [smem:$0x3FB6]  }
0x2e: {  	s3 =	simm.s32 @!p0 $0x1082;
	s9 =	sld [smem:$0x3FB7]  }
0x2f: {  	lr =	sadd.s32 s0, s3;
	s0 =	sld [smem:$0x3FAE]  }
0x30: {  	s3 =	sld [smem:$0x3FB1]  }
0x31: {  	[smem:$0x3FBA] =	sst s10  }
0x32: {  	s10 =	sld [smem:$0x3FB8];
	_ =	sdelay $0x3  }
0x33: {  	p0 =	seq.s32 s10, $0x1;
	s10 =	sld [smem:$0x3FBA];
	_ =	sdelay $0x3  }
0x34: {  	[smem:$0x3FBA] =	sst s10  }
0x35: {  	s10 =	sld [smem:$0x3FB9];
	_ =	sdelay $0x3  }
0x36: {  	p1 =	seq.s32 s10, $0x1;
	s10 =	sld [smem:$0x3FBA];
	_ =	sdelay $0x3  }
0x37: {  	[smem:$0x3FBA] =	sst s10  }
0x38: {  	s10 =	sld [smem:$0x3FBB]  }
0x39: {  	_ = 	snop;
	(pc) =	sbr.ind lr, $3  }
0x3a: {  	_ = 	snop  }
0x3b: {  	_ = 	snop  }
0x3c: {  	p2 =	seq.s32 s10, $0x1;
	s10 =	sld [smem:$0x3FBA]  }
0x3d: {  	_ =	shalt  }
0x3e: {  	_ =	shalt  }
0x3f: {  	_ =	shalt  }
0x40: {  	_ =	shalt  }
0x41: {  	_ =	shalt  }
0x42: {  	_ =	shalt  }
0x43: {  	_ =	shalt  }
0x44: {  	_ =	shalt  }
0x45: {  	_ =	shalt  }
0x46: {  	_ =	shalt  }
0x47: {  	_ =	shalt  }
0x48: {  	_ =	shalt  }
0x49: {  	_ =	shalt  }
0x4a: {  	_ =	shalt  }
0x4b: {  	_ =	shalt  }
0x4c: {  	_ =	shalt  }
0x4d: {  	_ =	shalt  }
0x4e: {  	_ =	shalt  }
0x4f: {  	_ =	shalt  }
0x50: {  	_ =	shalt  }
0x51: {  	_ =	shalt  }
0x52: {  	_ =	shalt  }
0x53: {  	_ =	shalt  }
0x54: {  	_ =	shalt  }
0x55: {  	_ =	shalt  }
0x56: {  	_ =	shalt  }
0x57: {  	_ =	shalt  }
0x58: {  	_ =	shalt  }
0x59: {  	_ =	shalt  }
0x5a: {  	_ =	shalt  }
0x5b: {  	_ =	shalt  }
0x5c: {  	_ =	shalt  }
0x5d: {  	_ =	shalt  }
0x5e: {  	_ =	shalt  }
0x5f: {  	_ =	shalt  }
0x60: {  	_ =	shalt  }
0x61: {  	_ =	shalt  }
0x62: {  	_ =	shalt  }
0x63: {  	_ =	shalt  }
0x64: {  	_ =	shalt  }
0x65: {  	_ =	shalt  }
0x66: {  	_ =	shalt  }
0x67: {  	_ =	shalt  }
0x68: {  	_ =	shalt  }
0x69: {  	_ =	shalt  }
0x6a: {  	_ =	shalt  }
0x6b: {  	_ =	shalt  }
0x6c: {  	_ =	shalt  }
0x6d: {  	_ =	shalt  }
0x6e: {  	_ =	shalt  }
0x6f: {  	_ =	shalt  }
0x70: {  	_ =	shalt  }
0x71: {  	_ =	shalt  }
0x72: {  	_ =	shalt  }
0x73: {  	_ =	shalt  }
0x74: {  	_ =	shalt  }
0x75: {  	_ =	shalt  }
0x76: {  	_ =	shalt  }
0x77: {  	_ =	shalt  }
0x78: {  	_ =	shalt  }
0x79: {  	_ =	shalt  }
0x7a: {  	_ =	shalt  }
0x7b: {  	_ =	shalt  }
0x7c: {  	_ =	shalt  }
0x7d: {  	_ =	shalt  }
0x7e: {  	_ =	shalt  }
0x7f: {  	_ =	shalt  }
0x80: {  	_ =	shalt  }
0x81: {  	_ =	shalt  }
0x82: {  	_ =	shalt  }
0x83: {  	_ =	shalt  }
0x84: {  	_ =	shalt  }
0x85: {  	_ =	shalt  }
0x86: {  	_ =	shalt  }
0x87: {  	_ =	shalt  }
.Lfunc_end0:
.L_simem_size_0:
called_computation_lowered:
.L_overlay_start_0:
0x88: {  	s2 =	sld [smem:$0x3FD9]  }
0x89: {  	s3 =	sld [smem:$0x3FFE];
	_ =	sdelay $0x1  }
0x8a: {  	s1 =	srdreg.scid  }
0x8b: {  	s0 =	sand.u32 $0x1, s1  }
0x8c: {  	s17 =	sshll.u32 s0, $0xA;
	s2 =	sadd.s32 s3, s2  }
0x8d: {  	s2 =	sadd.s32 s2, s17  }
0x8e: {  	[smem:$0x3FC6] =	sst s2  }
0x8f: {  	_ = 	snop  }
0x90: {  	s2 =	sld [smem:$0x3FC9]  }
0x91: {  	s18 =	sld [smem:$0x3FD0];
	(tm) =	ssettm $0x1  }
0x92: {  	s4 =	sld [smem:$0x3FFB];
	_ =	sdelay $0x3  }
0x93: {  	_ =	strace s4  }
0x94: {  	s4 =	sld [smem:$0x3FFC];
	_ =	sdelay $0x3  }
0x95: {  	_ =	strace s4  }
0x96: {  	s4 =	sld [smem:$0x3FFD];
	_ =	sdelay $0x3  }
0x97: {  	_ =	strace s4  }
0x98: {  	_ =	strace $0x8FFFFFFF  }
0x99: {  	s19 =	sld [smem:$0x3FDB];
	_ =	sdelay $0x1  }
0x9a: {  	s5 =	simm.s32 $_scs_section_size  }
0x9b: {  	s6 =	simm.s32 $_size__tile_overlayer_lowered;
	s7 =	simm.s32 $_tile_overlayer_lowered  }
0x9c: {  	s22 =	simm.s32 $0x1BFF;
	s21 =	sshll.u32 s7, $0x1;
	s4 =	sadd.s32 s5, s19  }
0x9d: {  	s8 =	simm.s32 $0x0;
	s20 =	sshll.u32 s6, $0x1;
	s6 =	sadd.s32 s21, s4  }
0x9e: {  	[timem:s8], [sflag:s22] =	dma.local [hbm:s6], s20  }
0x9f: {  	_ =	swait.ge [sflag:s22], s20  }
0xa0: {  	s5 =	ssub.s32 $0x0, s20;
	[sflag:s22] =	ssyncset.done $0x0  }
0xa1: {  	[sflag:s22] =	ssyncadd.s32 s5;
	_ =	sdelay $0x1  }
0xa2: {  	s23 =	simm.s32 $0x1B8B  }
0xa3: {  	_ =	swait.ge [sflag:s23], $0x1  }
0xa4: {  	[sflag:s23] =	ssyncset.done $0x0  }
0xa5: {  	s25 =	simm.s32 $0x1B8E;
	s24 =	sld [smem:$0x3FFE];
	[sflag:s23] =	ssyncadd.s32 $0xFFFFFFFF  }
0xa6: {  	s26 =	simm.s32 $execute0_lowered;
	[smem:$0x3FD2] =	sst s25  }
0xa7: {  	s6 =	sshll.u32 s26, $0x1;
	_ =	strace $0x80000046;
	[dreg:$0x1] =	wrdreg $0xFFFFFFFF  }
0xa8: {  	s28 =	simm.s32 $_size_execute0_lowered;
	s4 =	sadd.s32 s4, s6;
	[dreg:$0x0] =	wrdreg $0x0  }
0xa9: {  	s6 =	sshll.u32 s28, $0x1;
	[dreg:$0x2] =	wrdreg s4  }
0xaa: {  	[dreg:$0x3] =	wrdreg s6  }
0xab: {  	[dreg:$0x4] =	wrdreg $0xC0  }
0xac: {  	_ =	task [dreg:s8], $0x5FFFF  }
0xad: {  	[dreg:$0x1] =	wrdreg $0xFFFFFFFF  }
0xae: {  	[dreg:$0x0] =	wrdreg $0x60  }
0xaf: {  	[dreg:$0x2] =	wrdreg s24  }
0xb0: {  	[dreg:$0x3] =	wrdreg s2  }
0xb1: {  	[dreg:$0x4] =	wrdreg s18  }
0xb2: {  	[dreg:$0x5] =	wrdreg $0x9  }
0xb3: {  	_ =	task.clear_ibuf [dreg:s8], $0x6FFFF;
	_ =	strace $0x90000046  }
0xb4: {  	s29 =	simm.s32 $0x9;
	_ =	strace $0x80000048  }
0xb5: {  	_ =	swait.ge [sflag:s29], $0x1  }
0xb6: {  	[sflag:s29] =	ssyncadd.s32 $0xFFFFFFFF  }
0xb7: {  	_ =	strace $0x90000048  }
0xb8: {  	_ =	sfence  }
0xb9: {  	s30 =	sld [smem:$0x0];
	_ =	sdelay $0x2  }
0xba: {  	s31 =	sshll.u32 s1, $0xD;
	s1 =	sshrl.u32 s1, $0x2  }
0xbb: {  	s3 =	sand.u32 $0x4000, s31;
	s1 =	sadd.s32 s1, s30  }
0xbc: {  	s0 =	sor.u32 s3, s0;
	s1 =	sshll.u32 s1, $0x11  }
0xbd: {  	s0 =	sor.u32 s1, s0  }
0xbe: {  	s0 =	sadd.s32 $0x8F2B, s0  }
0xbf: {  	[sflag:s0] =	ssyncadd.remote.s32 $0x1  }
0xc0: {  	_ =	sfence.sel $0xFFFF  }
0xc1: {  	[dreg:$0x0] =	wrdreg $0xFFFFFFFF;
	(pc) =	sbr.abs _section_cstart, $3  }
0xc2: {  	[dreg:$0x1] =	wrdreg $0xFFFFFFFF  }
0xc3: {  	_ =	task.clear_ibuf [dreg:s8], $0x2FFFF;
	_ =	strace $0x9FFFFFFF  }
0xc4: {  	(tm) =	ssettm $0x7FFFFFFF  }
0xc5: {  	_ =	shalt  }
tec
execute0_lowered:
.L_overlay_start_1:
0x0: {  	(tag) =	ssettag $0x1  }
0x1: {  	s6 =	rddreg [dreg:$0x0]  }
0x2: {  	s1 =	rddreg [dreg:$0x1]  }
0x3: {  	s3 =	rddreg [dreg:$0x2]  }
0x4: {  	s0 =	rddreg [dreg:$0x3];
	s4 =	simm.s32 $0x0;
	s5 =	srdreg.scid  }
0x5: {  	s2 =	stileid.u32;
	s12 =	simm.s32 $0x5;
	s13 =	simm.s32 $0x200  }
0x6: {  	s14 =	simm.s32 $0x1;
	s15 =	simm.s32 $0x600;
	s16 =	simm.s32 $0xA00  }
0x7: {  	s17 =	simm.s32 $0x4A00;
	s18 =	simm.s32 $0x2;
	s19 =	simm.s32 $0x2A00  }
0x8: {  	s20 =	simm.s32 $0x6A00;
	s21 =	simm.s32 $0x3;
	s22 =	simm.s32 $0x4  }
0x9: {  	s23 =	simm.s32 $0x0;
	s7 =	sand.u32 $0x1, s5;
	s31 =	sshll.u32 s2, $0x1  }
0xa: {  	[smem:$0x7FF] =	sst s4;
	s6 =	sadd.s32 $0x400, s6;
	s5 =	sor.u32 s7, s31  }
0xb: {  	_ =	strace $0x80000047;
	s7 =	ssub.s32 $0x2, s7;
	s8 =	ssub.s32 $0xC54, s5  }
0xc: {  	s9 =	sshrl.u32 s7, $0x1;
	s10 =	sshll.u32 s5, $0x7;
	s8 =	sshrl.u32 s8, $0x5  }
0xd: {  	s11 =	ssub.s32 s7, s9;
	s9 =	sshll.u32 s5, $0xD;
	s7 =	sadd.s32 $0xFFFFFFFF, s8  }
0xe: {  	s8 =	sadd.s32 s1, s10;
	s10 =	sshll.u32 s5, $0xA;
	s11 =	smax.u32 s11, $0x1  }
.LBB2_1:
0xf: {  	[tilespmem:s4], [sflag:$0x5] =	stream.linear.gather [hbm4b:s6+s4], $0x200, $0x38;
	[tilespmem:$0x8A00] =	vst v63  }
0x10: {  	_ =	swait.ge [sflag:s12], $0x200  }
0x11: {  	[sflag:s12] =	ssyncset.done $0x0  }
0x12: {  	s24 =	simm.s32 $0x0;
	[sflag:s12] =	ssyncadd.s32 $0xFFFFFE00  }
0x13: {  	[tilespmem:s13], [sflag:$0x1] =	stream.linear.gather [hbm4b:s8+s4], $0x400, $0x38;
	[tilespmem:$0x8A00] =	vst v63  }
.LBB2_2:
0x14: {  	s25 =	sshllo.u32 s24, $0x1  }
0x15: {  	s25 =	smin.u32 s25, s7  }
0x16: {  	s25 =	sshll.u32 s25, $0x5  }
0x17: {  	_ =	swait.ge [sflag:s14], $0x400;
	s25 =	sor.u32 s5, s25  }
0x18: {  	p0 =	seq.s32 s24, $0x0;
	[sflag:s14] =	ssyncset.done $0x0;
	s26 =	sshll.u32 s25, $0x7  }
0x19: {  	s28 =	simm.s32 @!p0 $0x3;
	[sflag:s14] =	ssyncadd.s32 $0xFFFFFC00;
	s26 =	sadd.s32 s1, s26  }
0x1a: {  	[tilespmem:s15], [sflag:$0x2] =	stream.linear.gather [hbm4b:s26+s4], $0x400, $0x38;
	[tilespmem:$0x8A00] =	vst v63  }
0x1b: {  	_ =	swait.ge @!p0 [sflag:s28], $0x2000  }
0x1c: {  	[sflag:s28] =	ssyncset.done @!p0 $0x0  }
0x1d: {  	[sflag:s28] =	ssyncadd.s32 @!p0 $0xFFFFE000  }
0x1e: {  	_ =	swait.ge @!p0 [sflag:s28], $0x2000  }
0x1f: {  	s29 =	simm.s32 $0x240;
	[sflag:s28] =	ssyncset.done @!p0 $0x0  }
0x20: {  	s26 =	sshll.u32 s24, $0x1;
	[sflag:s28] =	ssyncadd.s32 @!p0 $0xFFFFE000;
	s28 =	simm.s32 $0x0  }
.LBB2_3:
0x21: {  	v0 =	vld [tilespmem:s29+$0xFFFFFFC0];
	_ =	sdelay $0x4  }
0x22: {  	v1 =	vadd.s32 $0x20, v0  }
0x23: {  	v2 =	vadd.s32 $0x40, v0  }
0x24: {  	v3 =	vadd.s32 $0x60, v0  }
0x25: {  	v4 =	vadd.s32 $0x80, v0  }
0x26: {  	v6 =	vadd.s32 $0xA0, v0;
	v5 =	vld.idx.msk [tilespmem:v0+s4+$0x0], $0xffff  }
0x27: {  	v7 =	vadd.s32 $0xC0, v0;
	v1 =	vld.idx.msk [tilespmem:v1+s4+$0x0], $0xffff  }
0x28: {  	v8 =	vadd.s32 $0xE0, v0;
	v2 =	vld.idx.msk [tilespmem:v2+s4+$0x0], $0xffff  }
0x29: {  	v9 =	vadd.s32 $0x100, v0;
	v3 =	vld.idx.msk [tilespmem:v3+s4+$0x0], $0xffff  }
0x2a: {  	v10 =	vadd.s32 $0x120, v0;
	v4 =	vld.idx.msk [tilespmem:v4+s4+$0x0], $0xffff  }
0x2b: {  	v11 =	vadd.s32 $0x140, v0;
	v6 =	vld.idx.msk [tilespmem:v6+s4+$0x0], $0xffff  }
0x2c: {  	v12 =	vadd.s32 $0x160, v0;
	v7 =	vld.idx.msk [tilespmem:v7+s4+$0x0], $0xffff  }
0x2d: {  	v13 =	vadd.s32 $0x180, v0;
	v8 =	vld.idx.msk [tilespmem:v8+s4+$0x0], $0xffff  }
0x2e: {  	v14 =	vadd.s32 $0x1A0, v0;
	v9 =	vld.idx.msk [tilespmem:v9+s4+$0x0], $0xffff  }
0x2f: {  	v15 =	vadd.s32 $0x1C0, v0;
	v10 =	vld.idx.msk [tilespmem:v10+s4+$0x0], $0xffff  }
0x30: {  	v0 =	vadd.s32 $0x1E0, v0;
	v11 =	vld.idx.msk [tilespmem:v11+s4+$0x0], $0xffff  }
0x31: {  	v12 =	vld.idx.msk [tilespmem:v12+s4+$0x0], $0xffff  }
0x32: {  	v13 =	vld.idx.msk [tilespmem:v13+s4+$0x0], $0xffff  }
0x33: {  	v14 =	vld.idx.msk [tilespmem:v14+s4+$0x0], $0xffff  }
0x34: {  	s30 =	sshra.s32 s28, $0x2;
	v15 =	vld.idx.msk [tilespmem:v15+s4+$0x0], $0xffff  }
0x35: {  	v0 =	vld.idx.msk [tilespmem:v0+s4+$0x0], $0xffff;
	[tilespmem:s30+$0xA00] =	vst v5  }
0x36: {  	[tilespmem:s30+$0xA80] =	vst v1  }
0x37: {  	[tilespmem:s30+$0xB00] =	vst v2  }
0x38: {  	[tilespmem:s30+$0xB80] =	vst v3  }
0x39: {  	[tilespmem:s30+$0xC00] =	vst v4  }
0x3a: {  	[tilespmem:s30+$0xC80] =	vst v6  }
0x3b: {  	[tilespmem:s30+$0xD00] =	vst v7  }
0x3c: {  	[tilespmem:s30+$0xD80] =	vst v8  }
0x3d: {  	[tilespmem:s30+$0x4A00] =	vst v9  }
0x3e: {  	[tilespmem:s30+$0x4A80] =	vst v10  }
0x3f: {  	[tilespmem:s30+$0x4B00] =	vst v11  }
0x40: {  	[tilespmem:s30+$0x4B80] =	vst v12  }
0x41: {  	[tilespmem:s30+$0x4C00] =	vst v13  }
0x42: {  	[tilespmem:s30+$0x4C80] =	vst v14  }
0x43: {  	[tilespmem:s30+$0x4D00] =	vst v15  }
0x44: {  	[tilespmem:s30+$0x4D80] =	vst v0  }
0x45: {  	v0 =	vld [tilespmem:s29+$0xFFFFFFD0];
	_ =	sdelay $0x4  }
0x46: {  	v12 =	vadd.s32 $0x20, v0  }
0x47: {  	v13 =	vadd.s32 $0x40, v0  }
0x48: {  	v14 =	vadd.s32 $0x60, v0  }
0x49: {  	v15 =	vadd.s32 $0x80, v0  }
0x4a: {  	v16 =	vadd.s32 $0xA0, v0;
	v5 =	vld.idx.msk [tilespmem:v0+s4+$0x0], $0xffff  }
0x4b: {  	v17 =	vadd.s32 $0xC0, v0;
	v1 =	vld.idx.msk [tilespmem:v12+s4+$0x0], $0xffff  }
0x4c: {  	v18 =	vadd.s32 $0xE0, v0;
	v2 =	vld.idx.msk [tilespmem:v13+s4+$0x0], $0xffff  }
0x4d: {  	v19 =	vadd.s32 $0x100, v0;
	v3 =	vld.idx.msk [tilespmem:v14+s4+$0x0], $0xffff  }
0x4e: {  	v20 =	vadd.s32 $0x120, v0;
	v4 =	vld.idx.msk [tilespmem:v15+s4+$0x0], $0xffff  }
0x4f: {  	v21 =	vadd.s32 $0x140, v0;
	v6 =	vld.idx.msk [tilespmem:v16+s4+$0x0], $0xffff  }
0x50: {  	v22 =	vadd.s32 $0x160, v0;
	v7 =	vld.idx.msk [tilespmem:v17+s4+$0x0], $0xffff  }
0x51: {  	v23 =	vadd.s32 $0x180, v0;
	v8 =	vld.idx.msk [tilespmem:v18+s4+$0x0], $0xffff  }
0x52: {  	v24 =	vadd.s32 $0x1A0, v0;
	v9 =	vld.idx.msk [tilespmem:v19+s4+$0x0], $0xffff  }
0x53: {  	v25 =	vadd.s32 $0x1C0, v0;
	v10 =	vld.idx.msk [tilespmem:v20+s4+$0x0], $0xffff  }
0x54: {  	v0 =	vadd.s32 $0x1E0, v0;
	v11 =	vld.idx.msk [tilespmem:v21+s4+$0x0], $0xffff  }
0x55: {  	v12 =	vld.idx.msk [tilespmem:v22+s4+$0x0], $0xffff  }
0x56: {  	v13 =	vld.idx.msk [tilespmem:v23+s4+$0x0], $0xffff  }
0x57: {  	v14 =	vld.idx.msk [tilespmem:v24+s4+$0x0], $0xffff  }
0x58: {  	v15 =	vld.idx.msk [tilespmem:v25+s4+$0x0], $0xffff  }
0x59: {  	v0 =	vld.idx.msk [tilespmem:v0+s4+$0x0], $0xffff;
	[tilespmem:s30+$0xA10] =	vst v5  }
0x5a: {  	[tilespmem:s30+$0xA90] =	vst v1  }
0x5b: {  	[tilespmem:s30+$0xB10] =	vst v2  }
0x5c: {  	[tilespmem:s30+$0xB90] =	vst v3  }
0x5d: {  	[tilespmem:s30+$0xC10] =	vst v4  }
0x5e: {  	[tilespmem:s30+$0xC90] =	vst v6  }
0x5f: {  	[tilespmem:s30+$0xD10] =	vst v7  }
0x60: {  	[tilespmem:s30+$0xD90] =	vst v8  }
0x61: {  	[tilespmem:s30+$0x4A10] =	vst v9  }
0x62: {  	[tilespmem:s30+$0x4A90] =	vst v10  }
0x63: {  	[tilespmem:s30+$0x4B10] =	vst v11  }
0x64: {  	[tilespmem:s30+$0x4B90] =	vst v12  }
0x65: {  	[tilespmem:s30+$0x4C10] =	vst v13  }
0x66: {  	[tilespmem:s30+$0x4C90] =	vst v14  }
0x67: {  	[tilespmem:s30+$0x4D10] =	vst v15  }
0x68: {  	[tilespmem:s30+$0x4D90] =	vst v0  }
0x69: {  	v0 =	vld [tilespmem:s29+$0xFFFFFFE0];
	_ =	sdelay $0x4  }
0x6a: {  	v26 =	vadd.s32 $0x20, v0  }
0x6b: {  	v27 =	vadd.s32 $0x40, v0  }
0x6c: {  	v28 =	vadd.s32 $0x60, v0  }
0x6d: {  	v29 =	vadd.s32 $0x80, v0  }
0x6e: {  	v30 =	vadd.s32 $0xA0, v0;
	v5 =	vld.idx.msk [tilespmem:v0+s4+$0x0], $0xffff  }
0x6f: {  	v31 =	vadd.s32 $0xC0, v0;
	v1 =	vld.idx.msk [tilespmem:v26+s4+$0x0], $0xffff  }
0x70: {  	v32 =	vadd.s32 $0xE0, v0;
	v2 =	vld.idx.msk [tilespmem:v27+s4+$0x0], $0xffff  }
0x71: {  	v33 =	vadd.s32 $0x100, v0;
	v3 =	vld.idx.msk [tilespmem:v28+s4+$0x0], $0xffff  }
0x72: {  	v34 =	vadd.s32 $0x120, v0;
	v4 =	vld.idx.msk [tilespmem:v29+s4+$0x0], $0xffff  }
0x73: {  	v35 =	vadd.s32 $0x140, v0;
	v6 =	vld.idx.msk [tilespmem:v30+s4+$0x0], $0xffff  }
0x74: {  	v36 =	vadd.s32 $0x160, v0;
	v7 =	vld.idx.msk [tilespmem:v31+s4+$0x0], $0xffff  }
0x75: {  	v37 =	vadd.s32 $0x180, v0;
	v8 =	vld.idx.msk [tilespmem:v32+s4+$0x0], $0xffff  }
0x76: {  	v38 =	vadd.s32 $0x1A0, v0;
	v9 =	vld.idx.msk [tilespmem:v33+s4+$0x0], $0xffff  }
0x77: {  	v39 =	vadd.s32 $0x1C0, v0;
	v10 =	vld.idx.msk [tilespmem:v34+s4+$0x0], $0xffff  }
0x78: {  	v0 =	vadd.s32 $0x1E0, v0;
	v11 =	vld.idx.msk [tilespmem:v35+s4+$0x0], $0xffff  }
0x79: {  	v12 =	vld.idx.msk [tilespmem:v36+s4+$0x0], $0xffff  }
0x7a: {  	v13 =	vld.idx.msk [tilespmem:v37+s4+$0x0], $0xffff  }
0x7b: {  	v14 =	vld.idx.msk [tilespmem:v38+s4+$0x0], $0xffff  }
0x7c: {  	v15 =	vld.idx.msk [tilespmem:v39+s4+$0x0], $0xffff  }
0x7d: {  	v0 =	vld.idx.msk [tilespmem:v0+s4+$0x0], $0xffff;
	[tilespmem:s30+$0xA20] =	vst v5  }
0x7e: {  	[tilespmem:s30+$0xAA0] =	vst v1  }
0x7f: {  	[tilespmem:s30+$0xB20] =	vst v2  }
0x80: {  	[tilespmem:s30+$0xBA0] =	vst v3  }
0x81: {  	[tilespmem:s30+$0xC20] =	vst v4  }
0x82: {  	[tilespmem:s30+$0xCA0] =	vst v6  }
0x83: {  	[tilespmem:s30+$0xD20] =	vst v7  }
0x84: {  	[tilespmem:s30+$0xDA0] =	vst v8  }
0x85: {  	[tilespmem:s30+$0x4A20] =	vst v9  }
0x86: {  	[tilespmem:s30+$0x4AA0] =	vst v10  }
0x87: {  	[tilespmem:s30+$0x4B20] =	vst v11  }
0x88: {  	[tilespmem:s30+$0x4BA0] =	vst v12  }
0x89: {  	[tilespmem:s30+$0x4C20] =	vst v13  }
0x8a: {  	[tilespmem:s30+$0x4CA0] =	vst v14  }
0x8b: {  	[tilespmem:s30+$0x4D20] =	vst v15  }
0x8c: {  	[tilespmem:s30+$0x4DA0] =	vst v0  }
0x8d: {  	v0 =	vld [tilespmem:s29+$0xFFFFFFF0];
	_ =	sdelay $0x4  }
0x8e: {  	v40 =	vadd.s32 $0x20, v0  }
0x8f: {  	v41 =	vadd.s32 $0x40, v0  }
0x90: {  	v42 =	vadd.s32 $0x60, v0  }
0x91: {  	v43 =	vadd.s32 $0x80, v0  }
0x92: {  	v44 =	vadd.s32 $0xA0, v0;
	v5 =	vld.idx.msk [tilespmem:v0+s4+$0x0], $0xffff  }
0x93: {  	v45 =	vadd.s32 $0xC0, v0;
	v1 =	vld.idx.msk [tilespmem:v40+s4+$0x0], $0xffff  }
0x94: {  	v46 =	vadd.s32 $0xE0, v0;
	v2 =	vld.idx.msk [tilespmem:v41+s4+$0x0], $0xffff  }
0x95: {  	v47 =	vadd.s32 $0x100, v0;
	v3 =	vld.idx.msk [tilespmem:v42+s4+$0x0], $0xffff  }
0x96: {  	v48 =	vadd.s32 $0x120, v0;
	v4 =	vld.idx.msk [tilespmem:v43+s4+$0x0], $0xffff  }
0x97: {  	v49 =	vadd.s32 $0x140, v0;
	v6 =	vld.idx.msk [tilespmem:v44+s4+$0x0], $0xffff  }
0x98: {  	v50 =	vadd.s32 $0x160, v0;
	v7 =	vld.idx.msk [tilespmem:v45+s4+$0x0], $0xffff  }
0x99: {  	v51 =	vadd.s32 $0x180, v0;
	v8 =	vld.idx.msk [tilespmem:v46+s4+$0x0], $0xffff  }
0x9a: {  	v52 =	vadd.s32 $0x1A0, v0;
	v9 =	vld.idx.msk [tilespmem:v47+s4+$0x0], $0xffff  }
0x9b: {  	v53 =	vadd.s32 $0x1C0, v0;
	v10 =	vld.idx.msk [tilespmem:v48+s4+$0x0], $0xffff  }
0x9c: {  	v0 =	vadd.s32 $0x1E0, v0;
	v11 =	vld.idx.msk [tilespmem:v49+s4+$0x0], $0xffff  }
0x9d: {  	v12 =	vld.idx.msk [tilespmem:v50+s4+$0x0], $0xffff  }
0x9e: {  	v13 =	vld.idx.msk [tilespmem:v51+s4+$0x0], $0xffff  }
0x9f: {  	v14 =	vld.idx.msk [tilespmem:v52+s4+$0x0], $0xffff  }
0xa0: {  	v15 =	vld.idx.msk [tilespmem:v53+s4+$0x0], $0xffff  }
0xa1: {  	v0 =	vld.idx.msk [tilespmem:v0+s4+$0x0], $0xffff;
	[tilespmem:s30+$0xA30] =	vst v5  }
0xa2: {  	[tilespmem:s30+$0xAB0] =	vst v1  }
0xa3: {  	[tilespmem:s30+$0xB30] =	vst v2  }
0xa4: {  	[tilespmem:s30+$0xBB0] =	vst v3  }
0xa5: {  	[tilespmem:s30+$0xC30] =	vst v4  }
0xa6: {  	[tilespmem:s30+$0xCB0] =	vst v6  }
0xa7: {  	[tilespmem:s30+$0xD30] =	vst v7  }
0xa8: {  	[tilespmem:s30+$0xDB0] =	vst v8  }
0xa9: {  	[tilespmem:s30+$0x4A30] =	vst v9  }
0xaa: {  	[tilespmem:s30+$0x4AB0] =	vst v10  }
0xab: {  	[tilespmem:s30+$0x4B30] =	vst v11  }
0xac: {  	[tilespmem:s30+$0x4BB0] =	vst v12  }
0xad: {  	[tilespmem:s30+$0x4C30] =	vst v13  }
0xae: {  	[tilespmem:s30+$0x4CB0] =	vst v14  }
0xaf: {  	[tilespmem:s30+$0x4D30] =	vst v15  }
0xb0: {  	[tilespmem:s30+$0x4DB0] =	vst v0  }
0xb1: {  	v0 =	vld [tilespmem:s29+$0x0];
	_ =	sdelay $0x4  }
0xb2: {  	v54 =	vadd.s32 $0x20, v0  }
0xb3: {  	v55 =	vadd.s32 $0x40, v0  }
0xb4: {  	v56 =	vadd.s32 $0x60, v0  }
0xb5: {  	v57 =	vadd.s32 $0x80, v0  }
0xb6: {  	v58 =	vadd.s32 $0xA0, v0;
	v5 =	vld.idx.msk [tilespmem:v0+s4+$0x0], $0xffff  }
0xb7: {  	v59 =	vadd.s32 $0xC0, v0;
	v1 =	vld.idx.msk [tilespmem:v54+s4+$0x0], $0xffff  }
0xb8: {  	v60 =	vadd.s32 $0xE0, v0;
	v2 =	vld.idx.msk [tilespmem:v55+s4+$0x0], $0xffff  }
0xb9: {  	v61 =	vadd.s32 $0x100, v0;
	v3 =	vld.idx.msk [tilespmem:v56+s4+$0x0], $0xffff  }
0xba: {  	v62 =	vadd.s32 $0x120, v0;
	v4 =	vld.idx.msk [tilespmem:v57+s4+$0x0], $0xffff  }
0xbb: {  	v63 =	vadd.s32 $0x140, v0;
	v6 =	vld.idx.msk [tilespmem:v58+s4+$0x0], $0xffff  }
0xbc: {  	v18 =	vadd.s32 $0x160, v0;
	v7 =	vld.idx.msk [tilespmem:v59+s4+$0x0], $0xffff  }
0xbd: {  	v19 =	vadd.s32 $0x180, v0;
	v8 =	vld.idx.msk [tilespmem:v60+s4+$0x0], $0xffff  }
0xbe: {  	v20 =	vadd.s32 $0x1A0, v0;
	v9 =	vld.idx.msk [tilespmem:v61+s4+$0x0], $0xffff  }
0xbf: {  	v21 =	vadd.s32 $0x1C0, v0;
	v10 =	vld.idx.msk [tilespmem:v62+s4+$0x0], $0xffff  }
0xc0: {  	v0 =	vadd.s32 $0x1E0, v0;
	v11 =	vld.idx.msk [tilespmem:v63+s4+$0x0], $0xffff  }
0xc1: {  	v12 =	vld.idx.msk [tilespmem:v18+s4+$0x0], $0xffff  }
0xc2: {  	v13 =	vld.idx.msk [tilespmem:v19+s4+$0x0], $0xffff  }
0xc3: {  	v14 =	vld.idx.msk [tilespmem:v20+s4+$0x0], $0xffff  }
0xc4: {  	v15 =	vld.idx.msk [tilespmem:v21+s4+$0x0], $0xffff  }
0xc5: {  	v0 =	vld.idx.msk [tilespmem:v0+s4+$0x0], $0xffff;
	[tilespmem:s30+$0xA40] =	vst v5  }
0xc6: {  	[tilespmem:s30+$0xAC0] =	vst v1  }
0xc7: {  	[tilespmem:s30+$0xB40] =	vst v2  }
0xc8: {  	[tilespmem:s30+$0xBC0] =	vst v3  }
0xc9: {  	[tilespmem:s30+$0xC40] =	vst v4  }
0xca: {  	[tilespmem:s30+$0xCC0] =	vst v6  }
0xcb: {  	[tilespmem:s30+$0xD40] =	vst v7  }
0xcc: {  	[tilespmem:s30+$0xDC0] =	vst v8  }
0xcd: {  	[tilespmem:s30+$0x4A40] =	vst v9  }
0xce: {  	[tilespmem:s30+$0x4AC0] =	vst v10  }
0xcf: {  	[tilespmem:s30+$0x4B40] =	vst v11  }
0xd0: {  	[tilespmem:s30+$0x4BC0] =	vst v12  }
0xd1: {  	[tilespmem:s30+$0x4C40] =	vst v13  }
0xd2: {  	[tilespmem:s30+$0x4CC0] =	vst v14  }
0xd3: {  	[tilespmem:s30+$0x4D40] =	vst v15  }
0xd4: {  	[tilespmem:s30+$0x4DC0] =	vst v0  }
0xd5: {  	v0 =	vld [tilespmem:s29+$0x10];
	_ =	sdelay $0x4  }
0xd6: {  	v22 =	vadd.s32 $0x20, v0  }
0xd7: {  	v23 =	vadd.s32 $0x40, v0  }
0xd8: {  	v24 =	vadd.s32 $0x60, v0  }
0xd9: {  	v25 =	vadd.s32 $0x80, v0  }
0xda: {  	v26 =	vadd.s32 $0xA0, v0;
	v5 =	vld.idx.msk [tilespmem:v0+s4+$0x0], $0xffff  }
0xdb: {  	v27 =	vadd.s32 $0xC0, v0;
	v1 =	vld.idx.msk [tilespmem:v22+s4+$0x0], $0xffff  }
0xdc: {  	v28 =	vadd.s32 $0xE0, v0;
	v2 =	vld.idx.msk [tilespmem:v23+s4+$0x0], $0xffff  }
0xdd: {  	v29 =	vadd.s32 $0x100, v0;
	v3 =	vld.idx.msk [tilespmem:v24+s4+$0x0], $0xffff  }
0xde: {  	v30 =	vadd.s32 $0x120, v0;
	v4 =	vld.idx.msk [tilespmem:v25+s4+$0x0], $0xffff  }
0xdf: {  	v31 =	vadd.s32 $0x140, v0;
	v6 =	vld.idx.msk [tilespmem:v26+s4+$0x0], $0xffff  }
0xe0: {  	v32 =	vadd.s32 $0x160, v0;
	v7 =	vld.idx.msk [tilespmem:v27+s4+$0x0], $0xffff  }
0xe1: {  	v33 =	vadd.s32 $0x180, v0;
	v8 =	vld.idx.msk [tilespmem:v28+s4+$0x0], $0xffff  }
0xe2: {  	v34 =	vadd.s32 $0x1A0, v0;
	v9 =	vld.idx.msk [tilespmem:v29+s4+$0x0], $0xffff  }
0xe3: {  	v35 =	vadd.s32 $0x1C0, v0;
	v10 =	vld.idx.msk [tilespmem:v30+s4+$0x0], $0xffff  }
0xe4: {  	v0 =	vadd.s32 $0x1E0, v0;
	v11 =	vld.idx.msk [tilespmem:v31+s4+$0x0], $0xffff  }
0xe5: {  	v12 =	vld.idx.msk [tilespmem:v32+s4+$0x0], $0xffff  }
0xe6: {  	v13 =	vld.idx.msk [tilespmem:v33+s4+$0x0], $0xffff  }
0xe7: {  	v14 =	vld.idx.msk [tilespmem:v34+s4+$0x0], $0xffff  }
0xe8: {  	v15 =	vld.idx.msk [tilespmem:v35+s4+$0x0], $0xffff  }
0xe9: {  	v0 =	vld.idx.msk [tilespmem:v0+s4+$0x0], $0xffff;
	[tilespmem:s30+$0xA50] =	vst v5  }
0xea: {  	[tilespmem:s30+$0xAD0] =	vst v1  }
0xeb: {  	[tilespmem:s30+$0xB50] =	vst v2  }
0xec: {  	[tilespmem:s30+$0xBD0] =	vst v3  }
0xed: {  	[tilespmem:s30+$0xC50] =	vst v4  }
0xee: {  	[tilespmem:s30+$0xCD0] =	vst v6  }
0xef: {  	[tilespmem:s30+$0xD50] =	vst v7  }
0xf0: {  	[tilespmem:s30+$0xDD0] =	vst v8  }
0xf1: {  	[tilespmem:s30+$0x4A50] =	vst v9  }
0xf2: {  	[tilespmem:s30+$0x4AD0] =	vst v10  }
0xf3: {  	[tilespmem:s30+$0x4B50] =	vst v11  }
0xf4: {  	[tilespmem:s30+$0x4BD0] =	vst v12  }
0xf5: {  	[tilespmem:s30+$0x4C50] =	vst v13  }
0xf6: {  	[tilespmem:s30+$0x4CD0] =	vst v14  }
0xf7: {  	[tilespmem:s30+$0x4D50] =	vst v15  }
0xf8: {  	[tilespmem:s30+$0x4DD0] =	vst v0  }
0xf9: {  	v0 =	vld [tilespmem:s29+$0x20];
	_ =	sdelay $0x4  }
0xfa: {  	v36 =	vadd.s32 $0x20, v0  }
0xfb: {  	v37 =	vadd.s32 $0x40, v0  }
0xfc: {  	v38 =	vadd.s32 $0x60, v0  }
0xfd: {  	v39 =	vadd.s32 $0x80, v0  }
0xfe: {  	v40 =	vadd.s32 $0xA0, v0;
	v5 =	vld.idx.msk [tilespmem:v0+s4+$0x0], $0xffff  }
0xff: {  	v41 =	vadd.s32 $0xC0, v0;
	v1 =	vld.idx.msk [tilespmem:v36+s4+$0x0], $0xffff  }
0x100: {  	v42 =	vadd.s32 $0xE0, v0;
	v2 =	vld.idx.msk [tilespmem:v37+s4+$0x0], $0xffff  }
0x101: {  	v43 =	vadd.s32 $0x100, v0;
	v3 =	vld.idx.msk [tilespmem:v38+s4+$0x0], $0xffff  }
0x102: {  	v44 =	vadd.s32 $0x120, v0;
	v4 =	vld.idx.msk [tilespmem:v39+s4+$0x0], $0xffff  }
0x103: {  	v45 =	vadd.s32 $0x140, v0;
	v6 =	vld.idx.msk [tilespmem:v40+s4+$0x0], $0xffff  }
0x104: {  	v46 =	vadd.s32 $0x160, v0;
	v7 =	vld.idx.msk [tilespmem:v41+s4+$0x0], $0xffff  }
0x105: {  	v47 =	vadd.s32 $0x180, v0;
	v8 =	vld.idx.msk [tilespmem:v42+s4+$0x0], $0xffff  }
0x106: {  	v48 =	vadd.s32 $0x1A0, v0;
	v9 =	vld.idx.msk [tilespmem:v43+s4+$0x0], $0xffff  }
0x107: {  	v49 =	vadd.s32 $0x1C0, v0;
	v10 =	vld.idx.msk [tilespmem:v44+s4+$0x0], $0xffff  }
0x108: {  	v0 =	vadd.s32 $0x1E0, v0;
	v11 =	vld.idx.msk [tilespmem:v45+s4+$0x0], $0xffff  }
0x109: {  	v12 =	vld.idx.msk [tilespmem:v46+s4+$0x0], $0xffff  }
0x10a: {  	v13 =	vld.idx.msk [tilespmem:v47+s4+$0x0], $0xffff  }
0x10b: {  	v14 =	vld.idx.msk [tilespmem:v48+s4+$0x0], $0xffff  }
0x10c: {  	v15 =	vld.idx.msk [tilespmem:v49+s4+$0x0], $0xffff  }
0x10d: {  	v0 =	vld.idx.msk [tilespmem:v0+s4+$0x0], $0xffff;
	[tilespmem:s30+$0xA60] =	vst v5  }
0x10e: {  	[tilespmem:s30+$0xAE0] =	vst v1  }
0x10f: {  	[tilespmem:s30+$0xB60] =	vst v2  }
0x110: {  	[tilespmem:s30+$0xBE0] =	vst v3  }
0x111: {  	[tilespmem:s30+$0xC60] =	vst v4  }
0x112: {  	[tilespmem:s30+$0xCE0] =	vst v6  }
0x113: {  	[tilespmem:s30+$0xD60] =	vst v7  }
0x114: {  	[tilespmem:s30+$0xDE0] =	vst v8  }
0x115: {  	[tilespmem:s30+$0x4A60] =	vst v9  }
0x116: {  	[tilespmem:s30+$0x4AE0] =	vst v10  }
0x117: {  	[tilespmem:s30+$0x4B60] =	vst v11  }
0x118: {  	[tilespmem:s30+$0x4BE0] =	vst v12  }
0x119: {  	[tilespmem:s30+$0x4C60] =	vst v13  }
0x11a: {  	[tilespmem:s30+$0x4CE0] =	vst v14  }
0x11b: {  	[tilespmem:s30+$0x4D60] =	vst v15  }
0x11c: {  	[tilespmem:s30+$0x4DE0] =	vst v0  }
0x11d: {  	v0 =	vld [tilespmem:s29+$0x30];
	_ =	sdelay $0x4  }
0x11e: {  	v50 =	vadd.s32 $0x20, v0  }
0x11f: {  	v51 =	vadd.s32 $0x40, v0  }
0x120: {  	v52 =	vadd.s32 $0x60, v0  }
0x121: {  	v53 =	vadd.s32 $0x80, v0  }
0x122: {  	v54 =	vadd.s32 $0xA0, v0;
	v5 =	vld.idx.msk [tilespmem:v0+s4+$0x0], $0xffff  }
0x123: {  	v55 =	vadd.s32 $0xC0, v0;
	v1 =	vld.idx.msk [tilespmem:v50+s4+$0x0], $0xffff  }
0x124: {  	v56 =	vadd.s32 $0xE0, v0;
	v2 =	vld.idx.msk [tilespmem:v51+s4+$0x0], $0xffff  }
0x125: {  	v57 =	vadd.s32 $0x100, v0;
	v3 =	vld.idx.msk [tilespmem:v52+s4+$0x0], $0xffff  }
0x126: {  	v58 =	vadd.s32 $0x120, v0;
	v4 =	vld.idx.msk [tilespmem:v53+s4+$0x0], $0xffff  }
0x127: {  	v59 =	vadd.s32 $0x140, v0;
	v6 =	vld.idx.msk [tilespmem:v54+s4+$0x0], $0xffff  }
0x128: {  	v60 =	vadd.s32 $0x160, v0;
	v7 =	vld.idx.msk [tilespmem:v55+s4+$0x0], $0xffff  }
0x129: {  	v61 =	vadd.s32 $0x180, v0;
	v8 =	vld.idx.msk [tilespmem:v56+s4+$0x0], $0xffff  }
0x12a: {  	v62 =	vadd.s32 $0x1A0, v0;
	v9 =	vld.idx.msk [tilespmem:v57+s4+$0x0], $0xffff  }
0x12b: {  	v63 =	vadd.s32 $0x1C0, v0;
	v10 =	vld.idx.msk [tilespmem:v58+s4+$0x0], $0xffff  }
0x12c: {  	v0 =	vadd.s32 $0x1E0, v0;
	v11 =	vld.idx.msk [tilespmem:v59+s4+$0x0], $0xffff  }
0x12d: {  	v12 =	vld.idx.msk [tilespmem:v60+s4+$0x0], $0xffff  }
0x12e: {  	v13 =	vld.idx.msk [tilespmem:v61+s4+$0x0], $0xffff  }
0x12f: {  	v14 =	vld.idx.msk [tilespmem:v62+s4+$0x0], $0xffff  }
0x130: {  	v15 =	vld.idx.msk [tilespmem:v63+s4+$0x0], $0xffff  }
0x131: {  	v0 =	vld.idx.msk [tilespmem:v0+s4+$0x0], $0xffff;
	[tilespmem:s30+$0xA70] =	vst v5  }
0x132: {  	[tilespmem:s30+$0xAF0] =	vst v1  }
0x133: {  	[tilespmem:s30+$0xB70] =	vst v2  }
0x134: {  	[tilespmem:s30+$0xBF0] =	vst v3  }
0x135: {  	[tilespmem:s30+$0xC70] =	vst v4  }
0x136: {  	[tilespmem:s30+$0xCF0] =	vst v6  }
0x137: {  	[tilespmem:s30+$0xD70] =	vst v7  }
0x138: {  	[tilespmem:s30+$0xDF0] =	vst v8  }
0x139: {  	[tilespmem:s30+$0x4A70] =	vst v9  }
0x13a: {  	[tilespmem:s30+$0x4AF0] =	vst v10  }
0x13b: {  	p0 =	sne.s32 s28, $0x7000;
	[tilespmem:s30+$0x4B70] =	vst v11  }
.Ltmp0:
0x13c: {  	[tilespmem:s30+$0x4BF0] =	vst v12;
	(pc) =	sbr.rel @p0 .LBB2_3-.Ltmp0, $4  }
0x13d: {  	[tilespmem:s30+$0x4C70] =	vst v13  }
0x13e: {  	[tilespmem:s30+$0x4CF0] =	vst v14  }
0x13f: {  	[tilespmem:s30+$0x4D70] =	vst v15  }
0x140: {  	s28 =	sadd.s32 $0x1000, s28;
	s29 =	sadd.s32 $0x80, s29;
	[tilespmem:s30+$0x4DF0] =	vst v0  }
0x141: {  	s28 =	sshll.u32 s24, $0x13  }
0x142: {  	p0 =	seq.s32 s24, $0x30;
	s28 =	sor.u32 s9, s28  }
0x143: {  	s26 =	sadd.s32 @!p0 $0x2, s26;
	s28 =	sshrl.u32 s28, $0x3  }
0x144: {  	s26 =	smin.u32 @!p0 s26, s7;
	s28 =	sadd.s32 s3, s28  }
0x145: {  	[hbm4b:s28+s4] =	stream.linear.scatter [tilespmem:s16], [sflag:$0x3], $0x2000, $0x38;
	[tilespmem:$0x8A00] =	vst v63  }
0x146: {  	s26 =	sshll.u32 @!p0 s26, $0xF;
	s28 =	sadd.s32 $0x30D400, s28  }
0x147: {  	[hbm4b:s28+s4] =	stream.linear.scatter [tilespmem:s17], [sflag:$0x3], $0x2000, $0x38;
	[tilespmem:$0x8A00] =	vst v63  }
0x148: {  	p1 =	seq.s32 @!p0 s24, $0x0;
	s26 =	sor.u32 @!p0 s10, s26;
	_ =	swait.ge [sflag:s18], $0x400  }
0x149: {  	s29 =	simm.s32 @!p0 $0x200;
	s26 =	sshrl.u32 @!p0 s26, $0x3;
	[sflag:s18] =	ssyncset.done $0x0  }
0x14a: {  	s26 =	sadd.s32 @!p0 s1, s26;
	s28 =	simm.s32 @!p0 $0x0;
	[sflag:s18] =	ssyncadd.s32 $0xFFFFFC00  }
0x14b: {  	[tilespmem:s29], [sflag:$0x1] =	stream.linear.gather @!p0 [hbm4b:s26+s28], $0x400, $0x38;
	[tilespmem:$0x8A00] =	vst v63  }
0x14c: {  	p0 =	por p0, !p1  }
0x14d: {  	_ =	swait.ge @p0 [sflag:s22], $0x2000  }
0x14e: {  	[sflag:s22] =	ssyncset.done @p0 $0x0  }
0x14f: {  	[sflag:s22] =	ssyncadd.s32 @p0 $0xFFFFE000  }
0x150: {  	_ =	swait.ge @p0 [sflag:s22], $0x2000  }
0x151: {  	[sflag:s22] =	ssyncset.done @p0 $0x0  }
0x152: {  	s26 =	simm.s32 $0x0;
	s28 =	simm.s32 $0x640;
	[sflag:s22] =	ssyncadd.s32 @p0 $0xFFFFE000  }
.LBB2_5:
0x153: {  	v0 =	vld [tilespmem:s28+$0xFFFFFFC0];
	_ =	sdelay $0x4  }
0x154: {  	v1 =	vadd.s32 $0x20, v0  }
0x155: {  	v2 =	vadd.s32 $0x40, v0  }
0x156: {  	v3 =	vadd.s32 $0x60, v0  }
0x157: {  	v4 =	vadd.s32 $0x80, v0  }
0x158: {  	v6 =	vadd.s32 $0xA0, v0;
	v5 =	vld.idx.msk [tilespmem:v0+s4+$0x0], $0xffff  }
0x159: {  	v7 =	vadd.s32 $0xC0, v0;
	v1 =	vld.idx.msk [tilespmem:v1+s4+$0x0], $0xffff  }
0x15a: {  	v8 =	vadd.s32 $0xE0, v0;
	v2 =	vld.idx.msk [tilespmem:v2+s4+$0x0], $0xffff  }
0x15b: {  	v9 =	vadd.s32 $0x100, v0;
	v3 =	vld.idx.msk [tilespmem:v3+s4+$0x0], $0xffff  }
0x15c: {  	v10 =	vadd.s32 $0x120, v0;
	v4 =	vld.idx.msk [tilespmem:v4+s4+$0x0], $0xffff  }
0x15d: {  	v11 =	vadd.s32 $0x140, v0;
	v6 =	vld.idx.msk [tilespmem:v6+s4+$0x0], $0xffff  }
0x15e: {  	v12 =	vadd.s32 $0x160, v0;
	v7 =	vld.idx.msk [tilespmem:v7+s4+$0x0], $0xffff  }
0x15f: {  	v13 =	vadd.s32 $0x180, v0;
	v8 =	vld.idx.msk [tilespmem:v8+s4+$0x0], $0xffff  }
0x160: {  	v14 =	vadd.s32 $0x1A0, v0;
	v9 =	vld.idx.msk [tilespmem:v9+s4+$0x0], $0xffff  }
0x161: {  	v15 =	vadd.s32 $0x1C0, v0;
	v10 =	vld.idx.msk [tilespmem:v10+s4+$0x0], $0xffff  }
0x162: {  	v0 =	vadd.s32 $0x1E0, v0;
	v11 =	vld.idx.msk [tilespmem:v11+s4+$0x0], $0xffff  }
0x163: {  	v12 =	vld.idx.msk [tilespmem:v12+s4+$0x0], $0xffff  }
0x164: {  	v13 =	vld.idx.msk [tilespmem:v13+s4+$0x0], $0xffff  }
0x165: {  	v14 =	vld.idx.msk [tilespmem:v14+s4+$0x0], $0xffff  }
0x166: {  	s29 =	sshra.s32 s26, $0x2;
	v15 =	vld.idx.msk [tilespmem:v15+s4+$0x0], $0xffff  }
0x167: {  	v0 =	vld.idx.msk [tilespmem:v0+s4+$0x0], $0xffff;
	[tilespmem:s29+$0x2A00] =	vst v5  }
0x168: {  	[tilespmem:s29+$0x2A80] =	vst v1  }
0x169: {  	[tilespmem:s29+$0x2B00] =	vst v2  }
0x16a: {  	[tilespmem:s29+$0x2B80] =	vst v3  }
0x16b: {  	[tilespmem:s29+$0x2C00] =	vst v4  }
0x16c: {  	[tilespmem:s29+$0x2C80] =	vst v6  }
0x16d: {  	[tilespmem:s29+$0x2D00] =	vst v7  }
0x16e: {  	[tilespmem:s29+$0x2D80] =	vst v8  }
0x16f: {  	[tilespmem:s29+$0x6A00] =	vst v9  }
0x170: {  	[tilespmem:s29+$0x6A80] =	vst v10  }
0x171: {  	[tilespmem:s29+$0x6B00] =	vst v11  }
0x172: {  	[tilespmem:s29+$0x6B80] =	vst v12  }
0x173: {  	[tilespmem:s29+$0x6C00] =	vst v13  }
0x174: {  	[tilespmem:s29+$0x6C80] =	vst v14  }
0x175: {  	[tilespmem:s29+$0x6D00] =	vst v15  }
0x176: {  	[tilespmem:s29+$0x6D80] =	vst v0  }
0x177: {  	v0 =	vld [tilespmem:s28+$0xFFFFFFD0];
	_ =	sdelay $0x4  }
0x178: {  	v12 =	vadd.s32 $0x20, v0  }
0x179: {  	v13 =	vadd.s32 $0x40, v0  }
0x17a: {  	v14 =	vadd.s32 $0x60, v0  }
0x17b: {  	v15 =	vadd.s32 $0x80, v0  }
0x17c: {  	v16 =	vadd.s32 $0xA0, v0;
	v5 =	vld.idx.msk [tilespmem:v0+s4+$0x0], $0xffff  }
0x17d: {  	v17 =	vadd.s32 $0xC0, v0;
	v1 =	vld.idx.msk [tilespmem:v12+s4+$0x0], $0xffff  }
0x17e: {  	v18 =	vadd.s32 $0xE0, v0;
	v2 =	vld.idx.msk [tilespmem:v13+s4+$0x0], $0xffff  }
0x17f: {  	v19 =	vadd.s32 $0x100, v0;
	v3 =	vld.idx.msk [tilespmem:v14+s4+$0x0], $0xffff  }
0x180: {  	v20 =	vadd.s32 $0x120, v0;
	v4 =	vld.idx.msk [tilespmem:v15+s4+$0x0], $0xffff  }
0x181: {  	v21 =	vadd.s32 $0x140, v0;
	v6 =	vld.idx.msk [tilespmem:v16+s4+$0x0], $0xffff  }
0x182: {  	v22 =	vadd.s32 $0x160, v0;
	v7 =	vld.idx.msk [tilespmem:v17+s4+$0x0], $0xffff  }
0x183: {  	v23 =	vadd.s32 $0x180, v0;
	v8 =	vld.idx.msk [tilespmem:v18+s4+$0x0], $0xffff  }
0x184: {  	v24 =	vadd.s32 $0x1A0, v0;
	v9 =	vld.idx.msk [tilespmem:v19+s4+$0x0], $0xffff  }
0x185: {  	v25 =	vadd.s32 $0x1C0, v0;
	v10 =	vld.idx.msk [tilespmem:v20+s4+$0x0], $0xffff  }
0x186: {  	v0 =	vadd.s32 $0x1E0, v0;
	v11 =	vld.idx.msk [tilespmem:v21+s4+$0x0], $0xffff  }
0x187: {  	v12 =	vld.idx.msk [tilespmem:v22+s4+$0x0], $0xffff  }
0x188: {  	v13 =	vld.idx.msk [tilespmem:v23+s4+$0x0], $0xffff  }
0x189: {  	v14 =	vld.idx.msk [tilespmem:v24+s4+$0x0], $0xffff  }
0x18a: {  	v15 =	vld.idx.msk [tilespmem:v25+s4+$0x0], $0xffff  }
0x18b: {  	v0 =	vld.idx.msk [tilespmem:v0+s4+$0x0], $0xffff;
	[tilespmem:s29+$0x2A10] =	vst v5  }
0x18c: {  	[tilespmem:s29+$0x2A90] =	vst v1  }
0x18d: {  	[tilespmem:s29+$0x2B10] =	vst v2  }
0x18e: {  	[tilespmem:s29+$0x2B90] =	vst v3  }
0x18f: {  	[tilespmem:s29+$0x2C10] =	vst v4  }
0x190: {  	[tilespmem:s29+$0x2C90] =	vst v6  }
0x191: {  	[tilespmem:s29+$0x2D10] =	vst v7  }
0x192: {  	[tilespmem:s29+$0x2D90] =	vst v8  }
0x193: {  	[tilespmem:s29+$0x6A10] =	vst v9  }
0x194: {  	[tilespmem:s29+$0x6A90] =	vst v10  }
0x195: {  	[tilespmem:s29+$0x6B10] =	vst v11  }
0x196: {  	[tilespmem:s29+$0x6B90] =	vst v12  }
0x197: {  	[tilespmem:s29+$0x6C10] =	vst v13  }
0x198: {  	[tilespmem:s29+$0x6C90] =	vst v14  }
0x199: {  	[tilespmem:s29+$0x6D10] =	vst v15  }
0x19a: {  	[tilespmem:s29+$0x6D90] =	vst v0  }
0x19b: {  	v0 =	vld [tilespmem:s28+$0xFFFFFFE0];
	_ =	sdelay $0x4  }
0x19c: {  	v26 =	vadd.s32 $0x20, v0  }
0x19d: {  	v27 =	vadd.s32 $0x40, v0  }
0x19e: {  	v28 =	vadd.s32 $0x60, v0  }
0x19f: {  	v29 =	vadd.s32 $0x80, v0  }
0x1a0: {  	v30 =	vadd.s32 $0xA0, v0;
	v5 =	vld.idx.msk [tilespmem:v0+s4+$0x0], $0xffff  }
0x1a1: {  	v31 =	vadd.s32 $0xC0, v0;
	v1 =	vld.idx.msk [tilespmem:v26+s4+$0x0], $0xffff  }
0x1a2: {  	v32 =	vadd.s32 $0xE0, v0;
	v2 =	vld.idx.msk [tilespmem:v27+s4+$0x0], $0xffff  }
0x1a3: {  	v33 =	vadd.s32 $0x100, v0;
	v3 =	vld.idx.msk [tilespmem:v28+s4+$0x0], $0xffff  }
0x1a4: {  	v34 =	vadd.s32 $0x120, v0;
	v4 =	vld.idx.msk [tilespmem:v29+s4+$0x0], $0xffff  }
0x1a5: {  	v35 =	vadd.s32 $0x140, v0;
	v6 =	vld.idx.msk [tilespmem:v30+s4+$0x0], $0xffff  }
0x1a6: {  	v36 =	vadd.s32 $0x160, v0;
	v7 =	vld.idx.msk [tilespmem:v31+s4+$0x0], $0xffff  }
0x1a7: {  	v37 =	vadd.s32 $0x180, v0;
	v8 =	vld.idx.msk [tilespmem:v32+s4+$0x0], $0xffff  }
0x1a8: {  	v38 =	vadd.s32 $0x1A0, v0;
	v9 =	vld.idx.msk [tilespmem:v33+s4+$0x0], $0xffff  }
0x1a9: {  	v39 =	vadd.s32 $0x1C0, v0;
	v10 =	vld.idx.msk [tilespmem:v34+s4+$0x0], $0xffff  }
0x1aa: {  	v0 =	vadd.s32 $0x1E0, v0;
	v11 =	vld.idx.msk [tilespmem:v35+s4+$0x0], $0xffff  }
0x1ab: {  	v12 =	vld.idx.msk [tilespmem:v36+s4+$0x0], $0xffff  }
0x1ac: {  	v13 =	vld.idx.msk [tilespmem:v37+s4+$0x0], $0xffff  }
0x1ad: {  	v14 =	vld.idx.msk [tilespmem:v38+s4+$0x0], $0xffff  }
0x1ae: {  	v15 =	vld.idx.msk [tilespmem:v39+s4+$0x0], $0xffff  }
0x1af: {  	v0 =	vld.idx.msk [tilespmem:v0+s4+$0x0], $0xffff;
	[tilespmem:s29+$0x2A20] =	vst v5  }
0x1b0: {  	[tilespmem:s29+$0x2AA0] =	vst v1  }
0x1b1: {  	[tilespmem:s29+$0x2B20] =	vst v2  }
0x1b2: {  	[tilespmem:s29+$0x2BA0] =	vst v3  }
0x1b3: {  	[tilespmem:s29+$0x2C20] =	vst v4  }
0x1b4: {  	[tilespmem:s29+$0x2CA0] =	vst v6  }
0x1b5: {  	[tilespmem:s29+$0x2D20] =	vst v7  }
0x1b6: {  	[tilespmem:s29+$0x2DA0] =	vst v8  }
0x1b7: {  	[tilespmem:s29+$0x6A20] =	vst v9  }
0x1b8: {  	[tilespmem:s29+$0x6AA0] =	vst v10  }
0x1b9: {  	[tilespmem:s29+$0x6B20] =	vst v11  }
0x1ba: {  	[tilespmem:s29+$0x6BA0] =	vst v12  }
0x1bb: {  	[tilespmem:s29+$0x6C20] =	vst v13  }
0x1bc: {  	[tilespmem:s29+$0x6CA0] =	vst v14  }
0x1bd: {  	[tilespmem:s29+$0x6D20] =	vst v15  }
0x1be: {  	[tilespmem:s29+$0x6DA0] =	vst v0  }
0x1bf: {  	v0 =	vld [tilespmem:s28+$0xFFFFFFF0];
	_ =	sdelay $0x4  }
0x1c0: {  	v40 =	vadd.s32 $0x20, v0  }
0x1c1: {  	v41 =	vadd.s32 $0x40, v0  }
0x1c2: {  	v42 =	vadd.s32 $0x60, v0  }
0x1c3: {  	v43 =	vadd.s32 $0x80, v0  }
0x1c4: {  	v44 =	vadd.s32 $0xA0, v0;
	v5 =	vld.idx.msk [tilespmem:v0+s4+$0x0], $0xffff  }
0x1c5: {  	v45 =	vadd.s32 $0xC0, v0;
	v1 =	vld.idx.msk [tilespmem:v40+s4+$0x0], $0xffff  }
0x1c6: {  	v46 =	vadd.s32 $0xE0, v0;
	v2 =	vld.idx.msk [tilespmem:v41+s4+$0x0], $0xffff  }
0x1c7: {  	v47 =	vadd.s32 $0x100, v0;
	v3 =	vld.idx.msk [tilespmem:v42+s4+$0x0], $0xffff  }
0x1c8: {  	v48 =	vadd.s32 $0x120, v0;
	v4 =	vld.idx.msk [tilespmem:v43+s4+$0x0], $0xffff  }
0x1c9: {  	v49 =	vadd.s32 $0x140, v0;
	v6 =	vld.idx.msk [tilespmem:v44+s4+$0x0], $0xffff  }
0x1ca: {  	v50 =	vadd.s32 $0x160, v0;
	v7 =	vld.idx.msk [tilespmem:v45+s4+$0x0], $0xffff  }
0x1cb: {  	v51 =	vadd.s32 $0x180, v0;
	v8 =	vld.idx.msk [tilespmem:v46+s4+$0x0], $0xffff  }
0x1cc: {  	v52 =	vadd.s32 $0x1A0, v0;
	v9 =	vld.idx.msk [tilespmem:v47+s4+$0x0], $0xffff  }
0x1cd: {  	v53 =	vadd.s32 $0x1C0, v0;
	v10 =	vld.idx.msk [tilespmem:v48+s4+$0x0], $0xffff  }
0x1ce: {  	v0 =	vadd.s32 $0x1E0, v0;
	v11 =	vld.idx.msk [tilespmem:v49+s4+$0x0], $0xffff  }
0x1cf: {  	v12 =	vld.idx.msk [tilespmem:v50+s4+$0x0], $0xffff  }
0x1d0: {  	v13 =	vld.idx.msk [tilespmem:v51+s4+$0x0], $0xffff  }
0x1d1: {  	v14 =	vld.idx.msk [tilespmem:v52+s4+$0x0], $0xffff  }
0x1d2: {  	v15 =	vld.idx.msk [tilespmem:v53+s4+$0x0], $0xffff  }
0x1d3: {  	v0 =	vld.idx.msk [tilespmem:v0+s4+$0x0], $0xffff;
	[tilespmem:s29+$0x2A30] =	vst v5  }
0x1d4: {  	[tilespmem:s29+$0x2AB0] =	vst v1  }
0x1d5: {  	[tilespmem:s29+$0x2B30] =	vst v2  }
0x1d6: {  	[tilespmem:s29+$0x2BB0] =	vst v3  }
0x1d7: {  	[tilespmem:s29+$0x2C30] =	vst v4  }
0x1d8: {  	[tilespmem:s29+$0x2CB0] =	vst v6  }
0x1d9: {  	[tilespmem:s29+$0x2D30] =	vst v7  }
0x1da: {  	[tilespmem:s29+$0x2DB0] =	vst v8  }
0x1db: {  	[tilespmem:s29+$0x6A30] =	vst v9  }
0x1dc: {  	[tilespmem:s29+$0x6AB0] =	vst v10  }
0x1dd: {  	[tilespmem:s29+$0x6B30] =	vst v11  }
0x1de: {  	[tilespmem:s29+$0x6BB0] =	vst v12  }
0x1df: {  	[tilespmem:s29+$0x6C30] =	vst v13  }
0x1e0: {  	[tilespmem:s29+$0x6CB0] =	vst v14  }
0x1e1: {  	[tilespmem:s29+$0x6D30] =	vst v15  }
0x1e2: {  	[tilespmem:s29+$0x6DB0] =	vst v0  }
0x1e3: {  	v0 =	vld [tilespmem:s28+$0x0];
	_ =	sdelay $0x4  }
0x1e4: {  	v54 =	vadd.s32 $0x20, v0  }
0x1e5: {  	v55 =	vadd.s32 $0x40, v0  }
0x1e6: {  	v56 =	vadd.s32 $0x60, v0  }
0x1e7: {  	v57 =	vadd.s32 $0x80, v0  }
0x1e8: {  	v58 =	vadd.s32 $0xA0, v0;
	v5 =	vld.idx.msk [tilespmem:v0+s4+$0x0], $0xffff  }
0x1e9: {  	v59 =	vadd.s32 $0xC0, v0;
	v1 =	vld.idx.msk [tilespmem:v54+s4+$0x0], $0xffff  }
0x1ea: {  	v60 =	vadd.s32 $0xE0, v0;
	v2 =	vld.idx.msk [tilespmem:v55+s4+$0x0], $0xffff  }
0x1eb: {  	v61 =	vadd.s32 $0x100, v0;
	v3 =	vld.idx.msk [tilespmem:v56+s4+$0x0], $0xffff  }
0x1ec: {  	v62 =	vadd.s32 $0x120, v0;
	v4 =	vld.idx.msk [tilespmem:v57+s4+$0x0], $0xffff  }
0x1ed: {  	v63 =	vadd.s32 $0x140, v0;
	v6 =	vld.idx.msk [tilespmem:v58+s4+$0x0], $0xffff  }
0x1ee: {  	v18 =	vadd.s32 $0x160, v0;
	v7 =	vld.idx.msk [tilespmem:v59+s4+$0x0], $0xffff  }
0x1ef: {  	v19 =	vadd.s32 $0x180, v0;
	v8 =	vld.idx.msk [tilespmem:v60+s4+$0x0], $0xffff  }
0x1f0: {  	v20 =	vadd.s32 $0x1A0, v0;
	v9 =	vld.idx.msk [tilespmem:v61+s4+$0x0], $0xffff  }
0x1f1: {  	v21 =	vadd.s32 $0x1C0, v0;
	v10 =	vld.idx.msk [tilespmem:v62+s4+$0x0], $0xffff  }
0x1f2: {  	v0 =	vadd.s32 $0x1E0, v0;
	v11 =	vld.idx.msk [tilespmem:v63+s4+$0x0], $0xffff  }
0x1f3: {  	v12 =	vld.idx.msk [tilespmem:v18+s4+$0x0], $0xffff  }
0x1f4: {  	v13 =	vld.idx.msk [tilespmem:v19+s4+$0x0], $0xffff  }
0x1f5: {  	v14 =	vld.idx.msk [tilespmem:v20+s4+$0x0], $0xffff  }
0x1f6: {  	v15 =	vld.idx.msk [tilespmem:v21+s4+$0x0], $0xffff  }
0x1f7: {  	v0 =	vld.idx.msk [tilespmem:v0+s4+$0x0], $0xffff;
	[tilespmem:s29+$0x2A40] =	vst v5  }
0x1f8: {  	[tilespmem:s29+$0x2AC0] =	vst v1  }
0x1f9: {  	[tilespmem:s29+$0x2B40] =	vst v2  }
0x1fa: {  	[tilespmem:s29+$0x2BC0] =	vst v3  }
0x1fb: {  	[tilespmem:s29+$0x2C40] =	vst v4  }
0x1fc: {  	[tilespmem:s29+$0x2CC0] =	vst v6  }
0x1fd: {  	[tilespmem:s29+$0x2D40] =	vst v7  }
0x1fe: {  	[tilespmem:s29+$0x2DC0] =	vst v8  }
0x1ff: {  	[tilespmem:s29+$0x6A40] =	vst v9  }
0x200: {  	[tilespmem:s29+$0x6AC0] =	vst v10  }
0x201: {  	[tilespmem:s29+$0x6B40] =	vst v11  }
0x202: {  	[tilespmem:s29+$0x6BC0] =	vst v12  }
0x203: {  	[tilespmem:s29+$0x6C40] =	vst v13  }
0x204: {  	[tilespmem:s29+$0x6CC0] =	vst v14  }
0x205: {  	[tilespmem:s29+$0x6D40] =	vst v15  }
0x206: {  	[tilespmem:s29+$0x6DC0] =	vst v0  }
0x207: {  	v0 =	vld [tilespmem:s28+$0x10];
	_ =	sdelay $0x4  }
0x208: {  	v22 =	vadd.s32 $0x20, v0  }
0x209: {  	v23 =	vadd.s32 $0x40, v0  }
0x20a: {  	v24 =	vadd.s32 $0x60, v0  }
0x20b: {  	v25 =	vadd.s32 $0x80, v0  }
0x20c: {  	v26 =	vadd.s32 $0xA0, v0;
	v5 =	vld.idx.msk [tilespmem:v0+s4+$0x0], $0xffff  }
0x20d: {  	v27 =	vadd.s32 $0xC0, v0;
	v1 =	vld.idx.msk [tilespmem:v22+s4+$0x0], $0xffff  }
0x20e: {  	v28 =	vadd.s32 $0xE0, v0;
	v2 =	vld.idx.msk [tilespmem:v23+s4+$0x0], $0xffff  }
0x20f: {  	v29 =	vadd.s32 $0x100, v0;
	v3 =	vld.idx.msk [tilespmem:v24+s4+$0x0], $0xffff  }
0x210: {  	v30 =	vadd.s32 $0x120, v0;
	v4 =	vld.idx.msk [tilespmem:v25+s4+$0x0], $0xffff  }
0x211: {  	v31 =	vadd.s32 $0x140, v0;
	v6 =	vld.idx.msk [tilespmem:v26+s4+$0x0], $0xffff  }
0x212: {  	v32 =	vadd.s32 $0x160, v0;
	v7 =	vld.idx.msk [tilespmem:v27+s4+$0x0], $0xffff  }
0x213: {  	v33 =	vadd.s32 $0x180, v0;
	v8 =	vld.idx.msk [tilespmem:v28+s4+$0x0], $0xffff  }
0x214: {  	v34 =	vadd.s32 $0x1A0, v0;
	v9 =	vld.idx.msk [tilespmem:v29+s4+$0x0], $0xffff  }
0x215: {  	v35 =	vadd.s32 $0x1C0, v0;
	v10 =	vld.idx.msk [tilespmem:v30+s4+$0x0], $0xffff  }
0x216: {  	v0 =	vadd.s32 $0x1E0, v0;
	v11 =	vld.idx.msk [tilespmem:v31+s4+$0x0], $0xffff  }
0x217: {  	v12 =	vld.idx.msk [tilespmem:v32+s4+$0x0], $0xffff  }
0x218: {  	v13 =	vld.idx.msk [tilespmem:v33+s4+$0x0], $0xffff  }
0x219: {  	v14 =	vld.idx.msk [tilespmem:v34+s4+$0x0], $0xffff  }
0x21a: {  	v15 =	vld.idx.msk [tilespmem:v35+s4+$0x0], $0xffff  }
0x21b: {  	v0 =	vld.idx.msk [tilespmem:v0+s4+$0x0], $0xffff;
	[tilespmem:s29+$0x2A50] =	vst v5  }
0x21c: {  	[tilespmem:s29+$0x2AD0] =	vst v1  }
0x21d: {  	[tilespmem:s29+$0x2B50] =	vst v2  }
0x21e: {  	[tilespmem:s29+$0x2BD0] =	vst v3  }
0x21f: {  	[tilespmem:s29+$0x2C50] =	vst v4  }
0x220: {  	[tilespmem:s29+$0x2CD0] =	vst v6  }
0x221: {  	[tilespmem:s29+$0x2D50] =	vst v7  }
0x222: {  	[tilespmem:s29+$0x2DD0] =	vst v8  }
0x223: {  	[tilespmem:s29+$0x6A50] =	vst v9  }
0x224: {  	[tilespmem:s29+$0x6AD0] =	vst v10  }
0x225: {  	[tilespmem:s29+$0x6B50] =	vst v11  }
0x226: {  	[tilespmem:s29+$0x6BD0] =	vst v12  }
0x227: {  	[tilespmem:s29+$0x6C50] =	vst v13  }
0x228: {  	[tilespmem:s29+$0x6CD0] =	vst v14  }
0x229: {  	[tilespmem:s29+$0x6D50] =	vst v15  }
0x22a: {  	[tilespmem:s29+$0x6DD0] =	vst v0  }
0x22b: {  	v0 =	vld [tilespmem:s28+$0x20];
	_ =	sdelay $0x4  }
0x22c: {  	v36 =	vadd.s32 $0x20, v0  }
0x22d: {  	v37 =	vadd.s32 $0x40, v0  }
0x22e: {  	v38 =	vadd.s32 $0x60, v0  }
0x22f: {  	v39 =	vadd.s32 $0x80, v0  }
0x230: {  	v40 =	vadd.s32 $0xA0, v0;
	v5 =	vld.idx.msk [tilespmem:v0+s4+$0x0], $0xffff  }
0x231: {  	v41 =	vadd.s32 $0xC0, v0;
	v1 =	vld.idx.msk [tilespmem:v36+s4+$0x0], $0xffff  }
0x232: {  	v42 =	vadd.s32 $0xE0, v0;
	v2 =	vld.idx.msk [tilespmem:v37+s4+$0x0], $0xffff  }
0x233: {  	v43 =	vadd.s32 $0x100, v0;
	v3 =	vld.idx.msk [tilespmem:v38+s4+$0x0], $0xffff  }
0x234: {  	v44 =	vadd.s32 $0x120, v0;
	v4 =	vld.idx.msk [tilespmem:v39+s4+$0x0], $0xffff  }
0x235: {  	v45 =	vadd.s32 $0x140, v0;
	v6 =	vld.idx.msk [tilespmem:v40+s4+$0x0], $0xffff  }
0x236: {  	v46 =	vadd.s32 $0x160, v0;
	v7 =	vld.idx.msk [tilespmem:v41+s4+$0x0], $0xffff  }
0x237: {  	v47 =	vadd.s32 $0x180, v0;
	v8 =	vld.idx.msk [tilespmem:v42+s4+$0x0], $0xffff  }
0x238: {  	v48 =	vadd.s32 $0x1A0, v0;
	v9 =	vld.idx.msk [tilespmem:v43+s4+$0x0], $0xffff  }
0x239: {  	v49 =	vadd.s32 $0x1C0, v0;
	v10 =	vld.idx.msk [tilespmem:v44+s4+$0x0], $0xffff  }
0x23a: {  	v0 =	vadd.s32 $0x1E0, v0;
	v11 =	vld.idx.msk [tilespmem:v45+s4+$0x0], $0xffff  }
0x23b: {  	v12 =	vld.idx.msk [tilespmem:v46+s4+$0x0], $0xffff  }
0x23c: {  	v13 =	vld.idx.msk [tilespmem:v47+s4+$0x0], $0xffff  }
0x23d: {  	v14 =	vld.idx.msk [tilespmem:v48+s4+$0x0], $0xffff  }
0x23e: {  	v15 =	vld.idx.msk [tilespmem:v49+s4+$0x0], $0xffff  }
0x23f: {  	v0 =	vld.idx.msk [tilespmem:v0+s4+$0x0], $0xffff;
	[tilespmem:s29+$0x2A60] =	vst v5  }
0x240: {  	[tilespmem:s29+$0x2AE0] =	vst v1  }
0x241: {  	[tilespmem:s29+$0x2B60] =	vst v2  }
0x242: {  	[tilespmem:s29+$0x2BE0] =	vst v3  }
0x243: {  	[tilespmem:s29+$0x2C60] =	vst v4  }
0x244: {  	[tilespmem:s29+$0x2CE0] =	vst v6  }
0x245: {  	[tilespmem:s29+$0x2D60] =	vst v7  }
0x246: {  	[tilespmem:s29+$0x2DE0] =	vst v8  }
0x247: {  	[tilespmem:s29+$0x6A60] =	vst v9  }
0x248: {  	[tilespmem:s29+$0x6AE0] =	vst v10  }
0x249: {  	[tilespmem:s29+$0x6B60] =	vst v11  }
0x24a: {  	[tilespmem:s29+$0x6BE0] =	vst v12  }
0x24b: {  	[tilespmem:s29+$0x6C60] =	vst v13  }
0x24c: {  	[tilespmem:s29+$0x6CE0] =	vst v14  }
0x24d: {  	[tilespmem:s29+$0x6D60] =	vst v15  }
0x24e: {  	[tilespmem:s29+$0x6DE0] =	vst v0  }
0x24f: {  	v0 =	vld [tilespmem:s28+$0x30];
	_ =	sdelay $0x4  }
0x250: {  	v50 =	vadd.s32 $0x20, v0  }
0x251: {  	v51 =	vadd.s32 $0x40, v0  }
0x252: {  	v52 =	vadd.s32 $0x60, v0  }
0x253: {  	v53 =	vadd.s32 $0x80, v0  }
0x254: {  	v54 =	vadd.s32 $0xA0, v0;
	v5 =	vld.idx.msk [tilespmem:v0+s4+$0x0], $0xffff  }
0x255: {  	v55 =	vadd.s32 $0xC0, v0;
	v1 =	vld.idx.msk [tilespmem:v50+s4+$0x0], $0xffff  }
0x256: {  	v56 =	vadd.s32 $0xE0, v0;
	v2 =	vld.idx.msk [tilespmem:v51+s4+$0x0], $0xffff  }
0x257: {  	v57 =	vadd.s32 $0x100, v0;
	v3 =	vld.idx.msk [tilespmem:v52+s4+$0x0], $0xffff  }
0x258: {  	v58 =	vadd.s32 $0x120, v0;
	v4 =	vld.idx.msk [tilespmem:v53+s4+$0x0], $0xffff  }
0x259: {  	v59 =	vadd.s32 $0x140, v0;
	v6 =	vld.idx.msk [tilespmem:v54+s4+$0x0], $0xffff  }
0x25a: {  	v60 =	vadd.s32 $0x160, v0;
	v7 =	vld.idx.msk [tilespmem:v55+s4+$0x0], $0xffff  }
0x25b: {  	v61 =	vadd.s32 $0x180, v0;
	v8 =	vld.idx.msk [tilespmem:v56+s4+$0x0], $0xffff  }
0x25c: {  	v62 =	vadd.s32 $0x1A0, v0;
	v9 =	vld.idx.msk [tilespmem:v57+s4+$0x0], $0xffff  }
0x25d: {  	v63 =	vadd.s32 $0x1C0, v0;
	v10 =	vld.idx.msk [tilespmem:v58+s4+$0x0], $0xffff  }
0x25e: {  	v0 =	vadd.s32 $0x1E0, v0;
	v11 =	vld.idx.msk [tilespmem:v59+s4+$0x0], $0xffff  }
0x25f: {  	v12 =	vld.idx.msk [tilespmem:v60+s4+$0x0], $0xffff  }
0x260: {  	v13 =	vld.idx.msk [tilespmem:v61+s4+$0x0], $0xffff  }
0x261: {  	v14 =	vld.idx.msk [tilespmem:v62+s4+$0x0], $0xffff  }
0x262: {  	v15 =	vld.idx.msk [tilespmem:v63+s4+$0x0], $0xffff  }
0x263: {  	v0 =	vld.idx.msk [tilespmem:v0+s4+$0x0], $0xffff;
	[tilespmem:s29+$0x2A70] =	vst v5  }
0x264: {  	[tilespmem:s29+$0x2AF0] =	vst v1  }
0x265: {  	[tilespmem:s29+$0x2B70] =	vst v2  }
0x266: {  	[tilespmem:s29+$0x2BF0] =	vst v3  }
0x267: {  	[tilespmem:s29+$0x2C70] =	vst v4  }
0x268: {  	[tilespmem:s29+$0x2CF0] =	vst v6  }
0x269: {  	[tilespmem:s29+$0x2D70] =	vst v7  }
0x26a: {  	[tilespmem:s29+$0x2DF0] =	vst v8  }
0x26b: {  	[tilespmem:s29+$0x6A70] =	vst v9  }
0x26c: {  	[tilespmem:s29+$0x6AF0] =	vst v10  }
0x26d: {  	p0 =	sne.s32 s26, $0x7000;
	[tilespmem:s29+$0x6B70] =	vst v11  }
.Ltmp1:
0x26e: {  	[tilespmem:s29+$0x6BF0] =	vst v12;
	(pc) =	sbr.rel @p0 .LBB2_5-.Ltmp1, $4  }
0x26f: {  	[tilespmem:s29+$0x6C70] =	vst v13  }
0x270: {  	[tilespmem:s29+$0x6CF0] =	vst v14  }
0x271: {  	[tilespmem:s29+$0x6D70] =	vst v15  }
0x272: {  	s26 =	sadd.s32 $0x1000, s26;
	s28 =	sadd.s32 $0x80, s28;
	[tilespmem:s29+$0x6DF0] =	vst v0  }
0x273: {  	s24 =	sadd.s32 $0x1, s24  }
0x274: {  	s25 =	sshll.u32 s25, $0xD;
	p0 =	sne.s32 s24, $0x31  }
.Ltmp2:
0x275: {  	s26 =	sshrl.u32 s25, $0x3;
	s25 =	sadd.s32 $0x186A000, s25;
	(pc) =	sbr.rel @p0 .LBB2_2-.Ltmp2, $4  }
0x276: {  	s26 =	sadd.s32 s3, s26;
	s25 =	sshrl.u32 s25, $0x3  }
0x277: {  	[hbm4b:s26+s4] =	stream.linear.scatter [tilespmem:s19], [sflag:$0x4], $0x2000, $0x38;
	[tilespmem:$0x8A00] =	vst v63  }
0x278: {  	s25 =	sadd.s32 s3, s25  }
0x279: {  	[hbm4b:s25+s4] =	stream.linear.scatter [tilespmem:s20], [sflag:$0x4], $0x2000, $0x38;
	[tilespmem:$0x8A00] =	vst v63  }
0x27a: {  	_ =	swait.ge [sflag:s21], $0x2000  }
0x27b: {  	[sflag:s21] =	ssyncset.done $0x0  }
0x27c: {  	[sflag:s21] =	ssyncadd.s32 $0xFFFFE000  }
0x27d: {  	_ =	swait.ge [sflag:s21], $0x2000  }
0x27e: {  	[sflag:s21] =	ssyncset.done $0x0  }
0x27f: {  	s23 =	sadd.s32 $0x1, s23;
	[sflag:s21] =	ssyncadd.s32 $0xFFFFE000  }
0x280: {  	p0 =	sne.s32 s23, s11;
	_ =	swait.ge [sflag:s22], $0x2000  }
.Ltmp3:
0x281: {  	[sflag:s22] =	ssyncset.done $0x0;
	(pc) =	sbr.rel @p0 .LBB2_1-.Ltmp3, $4  }
0x282: {  	[sflag:s22] =	ssyncadd.s32 $0xFFFFE000  }
0x283: {  	_ =	swait.ge [sflag:s22], $0x2000  }
0x284: {  	[sflag:s22] =	ssyncset.done $0x0  }
0x285: {  	[sflag:s22] =	ssyncadd.s32 $0xFFFFE000  }
0x286: {  	_ =	sfence.sel $0x180000  }
0x287: {  	[bflag:$0x0] =	sbarrier.arrive $0xFFFF  }
0x288: {  	p0 =	sne.s32 s2, $0x0;
	_ =	strace $0x90000047  }
0x289: {  	s0 =	sadd.s32 @!p0 $0x100000, s0;
	[bflag:$0x2] =	sbarrier.arrive $0xFFFF  }
0x28a: {  	[sflag:s0] =	ssyncadd.tile.s32 @!p0 $0x1;
	_ =	shalt  }
.Lfunc_end2:
_tile_overlayer_lowered:
.L_overlay_start_2:
0x28b: {  	(tag) =	ssettag $0x2  }
0x28c: {  	s0 =	rddreg [dreg:$0x0];
	s2 =	stileid.u32  }
0x28d: {  	s1 =	rddreg [dreg:$0x1];
	p0 =	sne.s32 s2, $0x0  }
0x28e: {  	s3 =	rddreg [dreg:$0x2];
	[bflag:$0x3] =	sbarrier.arrive $0xFFFF;
	s2 =	simm.s32 @!p0 $0x1C05  }
0x28f: {  	[timem:s3], [sflag:s2] =	dma.local @!p0 [hbm:s0], s1  }
0x290: {  	s0 =	simm.s32 @!p0 $0x5  }
0x291: {  	_ =	swait.ge @!p0 [sflag:s0], s1  }
0x292: {  	s1 =	ssub.s32 @!p0 $0x0, s1;
	[sflag:s0] =	ssyncset.done @!p0 $0x0  }
0x293: {  	[sflag:s0] =	ssyncadd.s32 @!p0 s1  }
0x294: {  	[bflag:$0x3] =	sbarrier.arrive $0xFFFF  }
0x295: {  	_ =	shalt  }

</sc_bundles>
